<compile_context>
chip_gen: v7x
topology: tpu7x:2x2x1
jax: 0.10.2.dev20260603
libtpu: 0.0.44.dev20260713+nightly
codegen_flags: <defaults>
</compile_context>

<pallas_src>
import functools
import math

import jax
import jax.numpy as jnp
from jax import lax
from jax.experimental import pallas as pl
from jax.experimental.pallas import tpu as pltpu
from jax.experimental.pallas import tpu_sc as plsc

N, E, D, H = 10000, 320000, 128, 8
DK = D // H

NC, NS, L = 2, 16, 16
NW = NC * NS
EPW = E // NW
B = 40
CHUNKS = EPW // B
TOT_BLKS = E // B
W = D + 16
RPT = 624
TAIL = N - NS * RPT


def _tc_qkv(xb, wb, bb, oq, okv):
    r = jnp.dot(xb[...], wb[...], preferred_element_type=jnp.float32) + bb[...]
    oq[...] = r[:, :D]
    okv[...] = r[:, D:3 * D]


def _sc_edge(q_hbm, kv_hbm, meta_hbm, z_hbm, out_hbm,
             acc, mb0, qg0, kvg0, mb1, qg1, kvg1, ob, sem0, sem1):
    cid = lax.axis_index("c")
    sid = lax.axis_index("s")
    wid = cid * NS + sid

    @pl.when(sid == 0)
    def _():
        pltpu.sync_copy(z_hbm, acc)

    plsc.subcore_barrier()

    lane = lax.broadcasted_iota(jnp.int32, (L,), 0)
    bufs = ((mb0, qg0, kvg0, sem0), (mb1, qg1, kvg1, sem1))
    base = wid * CHUNKS
    last = TOT_BLKS - 1

    def fetch(blk, buf):
        mb, qg, kvg, sem = buf
        pltpu.sync_copy(meta_hbm.at[blk], mb)
        pltpu.async_copy(q_hbm.at[mb.at[1]], qg, sem)
        pltpu.async_copy(kv_hbm.at[mb.at[0]], kvg, sem)

    def drain(buf):
        mb, qg, kvg, sem = buf
        pltpu.make_async_copy(q_hbm.at[mb.at[1]], qg, sem).wait()
        pltpu.make_async_copy(kv_hbm.at[mb.at[0]], kvg, sem).wait()

    def compute(buf):
        mb, qg, kvg, _ = buf

        @plsc.parallel_loop(0, B, 1, unroll=4)
        def edge_body(e):
            ewi = plsc.load_gather(
                mb, [jnp.full((L,), 2, jnp.int32), jnp.full((L,), e, jnp.int32)])
            ew_e = plsc.bitcast(ewi, jnp.float32)
            parts = []
            for h in range(H):
                qv = qg[e, pl.ds(h * DK, DK)]
                kv = kvg[e, pl.ds(h * DK, DK)]
                s = jnp.sum(qv * kv)
                parts.append(jnp.where(lane == h, s, 0.0))
            while len(parts) > 1:
                parts = [a + b for a, b in zip(parts[::2], parts[1::2])]
            ex = jnp.exp(parts[0] * ew_e)
            ob[e, pl.ds(D, L)] = ex

        @plsc.parallel_loop(0, B, 1, unroll=4)
        def msg_body(e):
            e_full = jnp.full((L,), e, jnp.int32)
            for h in range(H):
                exh = plsc.load_gather(
                    ob, [e_full, jnp.full((L,), D + h, jnp.int32)])
                ob[e, pl.ds(h * DK, DK)] = kvg[e, pl.ds(D + h * DK, DK)] * exh

        pltpu.sync_copy(ob, acc.at[mb.at[1]], add=True)

    fetch(base, bufs[0])

    def chunk2_body(ci2, carry):
        ci = ci2 * 2
        for par in range(2):
            cur, nxt = bufs[par], bufs[1 - par]
            fetch(jnp.minimum(base + ci + par + 1, last), nxt)
            drain(cur)
            compute(cur)
        return carry

    lax.fori_loop(0, CHUNKS // 2, chunk2_body, 0)
    drain(bufs[0])
    plsc.subcore_barrier()
    pltpu.sync_copy(acc.at[pl.ds(sid * RPT, RPT)],
                    out_hbm.at[cid, pl.ds(sid * RPT, RPT)])

    @pl.when(sid == 0)
    def _():
        pltpu.sync_copy(acc.at[pl.ds(NS * RPT, TAIL)],
                        out_hbm.at[cid, pl.ds(NS * RPT, TAIL)])


def _tc_out(accb, xb, wab, bab, alb, ob):
    a0 = accb[0]
    a1 = accb[1]
    num = a0[:, :D] + a1[:, :D]
    den = a0[:, D:D + L] + a1[:, D:D + L]
    recip = 1.0 / jnp.maximum(den, 1e-12)
    col = lax.broadcasted_iota(jnp.int32, (L, D), 1) // DK
    row = lax.broadcasted_iota(jnp.int32, (L, D), 0)
    sel = (col == row).astype(jnp.float32)
    rep = jnp.dot(recip, sel, preferred_element_type=jnp.float32)
    t = num * rep
    trans = jnp.dot(t, wab[...], preferred_element_type=jnp.float32) + bab[...]
    al = alb[...]
    ob[...] = trans * al + xb[...] * (1.0 - al)


def kernel(x, edge_weight, Wk, bk, Wq, bq, Wv, bv, Wa, ba, rel_att, rel_msg,
           rel_pri, skip, edge_index):
    f32 = jnp.float32
    Batt = jax.scipy.linalg.block_diag(*[rel_att[h] for h in range(H)])
    Bmsg = jax.scipy.linalg.block_diag(*[rel_msg[h] for h in range(H)])
    s_vec = jnp.repeat(rel_pri, DK) / math.sqrt(DK)
    Wq_eff = Wq.T * s_vec[None, :]
    bq_eff = bq * s_vec
    Wk_eff = Wk.T @ Batt
    bk_eff = bk @ Batt
    Wv_eff = Wv.T @ Bmsg
    bv_eff = bv @ Bmsg
    Wcat = jnp.concatenate([Wq_eff, Wk_eff, Wv_eff], axis=1)
    bcat = jnp.concatenate([bq_eff, bk_eff, bv_eff])[None, :]
    alpha = jnp.full((1, D), jax.nn.sigmoid(skip), f32)

    BN = 1000
    grid = N // BN
    q, kv = pl.pallas_call(
        _tc_qkv,
        grid=(grid,),
        in_specs=[
            pl.BlockSpec((BN, D), lambda i: (i, 0)),
            pl.BlockSpec((D, 3 * D), lambda i: (0, 0)),
            pl.BlockSpec((1, 3 * D), lambda i: (0, 0)),
        ],
        out_specs=[pl.BlockSpec((BN, D), lambda i: (i, 0)),
                   pl.BlockSpec((BN, 2 * D), lambda i: (i, 0))],
        out_shape=[jax.ShapeDtypeStruct((N, D), f32),
                   jax.ShapeDtypeStruct((N, 2 * D), f32)],
    )(x, Wcat, bcat)

    src_b = edge_index[0].reshape(-1, B)
    dst_b = edge_index[1].reshape(-1, B)
    ew_b = lax.bitcast_convert_type(edge_weight, jnp.int32).reshape(-1, B)
    meta = jnp.stack([src_b, dst_b, ew_b, jnp.zeros_like(src_b)], axis=1)

    zeros = jnp.zeros((N, W), f32)
    sc = pl.kernel(
        _sc_edge,
        out_type=jax.ShapeDtypeStruct((NC, N, W), f32),
        mesh=plsc.VectorSubcoreMesh(core_axis_name="c", subcore_axis_name="s"),
        compiler_params=pltpu.CompilerParams(
            needs_layout_passes=False, use_tc_tiling_on_sc=False),
        scratch_types=[
            pltpu.VMEM_SHARED((N, W), f32),
            pltpu.VMEM((4, B), jnp.int32),
            pltpu.VMEM((B, D), f32),
            pltpu.VMEM((B, 2 * D), f32),
            pltpu.VMEM((4, B), jnp.int32),
            pltpu.VMEM((B, D), f32),
            pltpu.VMEM((B, 2 * D), f32),
            pltpu.VMEM((B, W), f32),
            pltpu.SemaphoreType.DMA,
            pltpu.SemaphoreType.DMA,
        ],
    )
    acc_out = sc(q, kv, meta, zeros)

    out = pl.pallas_call(
        _tc_out,
        grid=(grid,),
        in_specs=[
            pl.BlockSpec((NC, BN, W), lambda i: (0, i, 0)),
            pl.BlockSpec((BN, D), lambda i: (i, 0)),
            pl.BlockSpec((D, D), lambda i: (0, 0)),
            pl.BlockSpec((1, D), lambda i: (0, 0)),
            pl.BlockSpec((1, D), lambda i: (0, 0)),
        ],
        out_specs=pl.BlockSpec((BN, D), lambda i: (i, 0)),
        out_shape=jax.ShapeDtypeStruct((N, D), f32),
    )(acc_out, x, Wa.T, ba[None, :], alpha)
    return out

# --- scband reference (transcript-rebuilt; emitter-appended) ---
"""Pipeline reference for scband-mornlayer-54709293416908 (READ-ONLY COPY).

The authoritative reference and input builder live on the scoring server;
editing this copy changes nothing except your own understanding.
"""

import math
import jax, jax.numpy as jnp
import numpy as np

N, E, D, H = 10000, 320000, 128, 8
DK = D // H


def setup_inputs(seed: int = 0) -> dict:
    key = jax.random.key(seed)
    ks = jax.random.split(key, 16)
    x = jax.random.normal(ks[0], (N, D), dtype=jnp.float32)
    edge_index = jax.random.randint(ks[1], (2, E), 0, N, dtype=jnp.int32)
    edge_weight = jax.random.uniform(ks[2], (E,), dtype=jnp.float32)
    s = 1.0 / math.sqrt(D)
    Wk = jax.random.normal(ks[3], (D, D), dtype=jnp.float32) * s
    bk = jnp.zeros((D,), jnp.float32)
    Wq = jax.random.normal(ks[4], (D, D), dtype=jnp.float32) * s
    bq = jnp.zeros((D,), jnp.float32)
    Wv = jax.random.normal(ks[5], (D, D), dtype=jnp.float32) * s
    bv = jnp.zeros((D,), jnp.float32)
    Wa = jax.random.normal(ks[6], (D, D), dtype=jnp.float32) * s
    ba = jnp.zeros((D,), jnp.float32)
    sr = 1.0 / math.sqrt(DK)
    rel_att = jax.random.normal(ks[7], (H, DK, DK), dtype=jnp.float32) * sr
    rel_msg = jax.random.normal(ks[8], (H, DK, DK), dtype=jnp.float32) * sr
    rel_pri = jnp.ones((H,), jnp.float32)
    skip = jnp.array(1.0, jnp.float32)
    return {"x": x, "edge_weight": edge_weight, "Wk": Wk, "bk": bk, "Wq": Wq, "bq": bq, "Wv": Wv, "bv": bv, "Wa": Wa, "ba": ba, "rel_att": rel_att, "rel_msg": rel_msg, "rel_pri": rel_pri, "skip": skip, "edge_index": edge_index}


def reference(x, edge_weight, Wk, bk, Wq, bq, Wv, bv, Wa, ba, rel_att, rel_msg, rel_pri, skip, edge_index):
    src = edge_index[0]
    dst = edge_index[1]
    n = x.shape[0]
    k = (x @ Wk.T + bk).reshape(n, H, DK)
    v = (x @ Wv.T + bv).reshape(n, H, DK)
    q = (x @ Wq.T + bq).reshape(n, H, DK)
    k = jnp.einsum('nhd,hde->nhe', k, rel_att)
    v = jnp.einsum('nhd,hde->nhe', v, rel_msg)
    # per-edge dot product q[dst] . k[src] -> [E, H]
    attn = jnp.sum(q[dst] * k[src], axis=-1)
    # edge_weight_mode == 'mul_attn'
    attn = attn * edge_weight[:, None]
    attn = attn * rel_pri[None, :] / math.sqrt(DK)
    # edge softmax normalized by dst
    amax = jax.ops.segment_max(attn, dst, num_segments=n)
    amax = jnp.where(jnp.isfinite(amax), amax, 0.0)
    ex = jnp.exp(attn - amax[dst])
    denom = jax.ops.segment_sum(ex, dst, num_segments=n)
    p = ex / jnp.maximum(denom[dst], 1e-12)
    # message passing: u_mul_e then sum to dst
    m = v[src] * p[:, :, None]
    t = jax.ops.segment_sum(m, dst, num_segments=n).reshape(n, D)
    trans = t @ Wa.T + ba  # dropout is identity in eval
    alpha = jax.nn.sigmoid(skip)
    out = trans * alpha + x * (1.0 - alpha)
    return out

if __name__ == "__main__":
    import jax
    _d = setup_inputs()
    print(jax.jit(kernel)(*tuple(_d.values())))

</pallas_src>

<mosaic_0001>
#map = affine_map<(d0, d1) -> (0, 0)>
#map1 = affine_map<(d0, d1) -> (0, 0, 0)>
module attributes {stable_mosaic.version = 14 : i64} {
  func.func @_sc_edge(%arg0: i32, %arg1: i32, %arg2: memref<10000x128xf32, #tpu.memory_space<hbm>>, %arg3: memref<10000x256xf32, #tpu.memory_space<hbm>>, %arg4: memref<8000x4x40xi32, #tpu.memory_space<hbm>>, %arg5: memref<10000x144xf32, #tpu.memory_space<hbm>>, %arg6: memref<2x10000x144xf32, #tpu.memory_space<hbm>>, %arg7: memref<10000x144xf32, #tpu.memory_space<vmem_shared>>, %arg8: memref<4x40xi32, #tpu.memory_space<vmem>>, %arg9: memref<40x128xf32, #tpu.memory_space<vmem>>, %arg10: memref<40x256xf32, #tpu.memory_space<vmem>>, %arg11: memref<4x40xi32, #tpu.memory_space<vmem>>, %arg12: memref<40x128xf32, #tpu.memory_space<vmem>>, %arg13: memref<40x256xf32, #tpu.memory_space<vmem>>, %arg14: memref<40x144xf32, #tpu.memory_space<vmem>>, %arg15: memref<!tpu.dma_semaphore, #tpu.memory_space<semaphore_mem>>, %arg16: memref<!tpu.dma_semaphore, #tpu.memory_space<semaphore_mem>>) attributes {dimension_semantics = [#tpu.dimension_semantics<core_parallel>, #tpu.dimension_semantics<subcore_parallel>], iteration_bounds = array<i64: 2, 16>, scalar_prefetch = 0 : i64, scratch_operands = 10 : i64, tpu.core_type = #tpu.core_type<sc_vector_subcore>, window_params = [{transform_indices = #map}, {transform_indices = #map}, {transform_indices = #map1}, {transform_indices = #map}, {transform_indices = #map1}]} {
    %mul3A = arith.constant 16 : i32
    %mul3A_0 = arith.muli %arg0, %mul3A : i32
    %add3A = arith.addi %mul3A_0, %arg1 : i32
    %eq3A = arith.constant 0 : i32
    %eq3A_1 = arith.cmpi eq, %arg1, %eq3A : i32
    %convert_element_type3A = arith.extui %eq3A_1 : i1 to i32
    %cond3A = arith.constant 0 : i32
    %cond3A_2 = arith.cmpi ne, %convert_element_type3A, %cond3A : i32
    scf.if %cond3A_2 {
      "tpu.region"() ({
        %run_scoped3A = tpu.sem_alloc : memref<!tpu.dma_semaphore, #tpu.memory_space<semaphore_mem>>
        tpu.enqueue_dma source(%arg5 : memref<10000x144xf32, #tpu.memory_space<hbm>>) target(%arg7 : memref<10000x144xf32, #tpu.memory_space<vmem_shared>>) target_semaphore(%run_scoped3A : memref<!tpu.dma_semaphore, #tpu.memory_space<semaphore_mem>>)
        tpu.wait_dma2 semaphore(%run_scoped3A : memref<!tpu.dma_semaphore, #tpu.memory_space<semaphore_mem>>) src(%arg5 : memref<10000x144xf32, #tpu.memory_space<hbm>>) dst(%arg7 : memref<10000x144xf32, #tpu.memory_space<vmem_shared>>)
        tpu.yield
      }) : () -> ()
    } else {
    }
    %barrier3A = arith.constant 0 : index
    tpu.barrier barrier_id(%barrier3A)
    %iota3A = tpu.iota {dimensions = array<i32: 0>} : vector<16xi32>
    %mul3A_3 = arith.constant 250 : i32
    %mul3A_4 = arith.muli %add3A, %mul3A_3 : i32
    "tpu.region"() ({
      %run_scoped3A = tpu.sem_alloc : memref<!tpu.dma_semaphore, #tpu.memory_space<semaphore_mem>>
      %dma_start3A_46 = arith.constant 0 : i32
      %dma_start3A_47 = arith.constant 0 : i32
      %dma_start3A_48 = tpu.memref_slice %arg4[%mul3A_4, %dma_start3A_46, %dma_start3A_47] : memref<8000x4x40xi32, #tpu.memory_space<hbm>> -> memref<1x4x40xi32, #tpu.memory_space<hbm>>
      %dma_start3A_49 = tpu.memref_squeeze %dma_start3A_48 : memref<1x4x40xi32, #tpu.memory_space<hbm>> -> memref<4x40xi32, #tpu.memory_space<hbm>>
      %dma_start3A_50 = arith.constant 0 : i32
      %dma_start3A_51 = arith.constant 0 : i32
      %dma_start3A_52 = tpu.memref_slice %arg4[%mul3A_4, %dma_start3A_50, %dma_start3A_51] : memref<8000x4x40xi32, #tpu.memory_space<hbm>> -> memref<1x4x40xi32, #tpu.memory_space<hbm>>
      %dma_start3A_53 = tpu.memref_squeeze %dma_start3A_52 : memref<1x4x40xi32, #tpu.memory_space<hbm>> -> memref<4x40xi32, #tpu.memory_space<hbm>>
      tpu.enqueue_dma source(%dma_start3A_53 : memref<4x40xi32, #tpu.memory_space<hbm>>) target(%arg8 : memref<4x40xi32, #tpu.memory_space<vmem>>) target_semaphore(%run_scoped3A : memref<!tpu.dma_semaphore, #tpu.memory_space<semaphore_mem>>)
      %dma_wait3A_54 = arith.constant 0 : i32
      %dma_wait3A_55 = arith.constant 0 : i32
      %dma_wait3A_56 = tpu.memref_slice %arg4[%mul3A_4, %dma_wait3A_54, %dma_wait3A_55] : memref<8000x4x40xi32, #tpu.memory_space<hbm>> -> memref<1x4x40xi32, #tpu.memory_space<hbm>>
      %dma_wait3A_57 = tpu.memref_squeeze %dma_wait3A_56 : memref<1x4x40xi32, #tpu.memory_space<hbm>> -> memref<4x40xi32, #tpu.memory_space<hbm>>
      %dma_wait3A_58 = arith.constant 0 : i32
      %dma_wait3A_59 = arith.constant 0 : i32
      %dma_wait3A_60 = tpu.memref_slice %arg4[%mul3A_4, %dma_wait3A_58, %dma_wait3A_59] : memref<8000x4x40xi32, #tpu.memory_space<hbm>> -> memref<1x4x40xi32, #tpu.memory_space<hbm>>
      %dma_wait3A_61 = tpu.memref_squeeze %dma_wait3A_60 : memref<1x4x40xi32, #tpu.memory_space<hbm>> -> memref<4x40xi32, #tpu.memory_space<hbm>>
      tpu.wait_dma2 semaphore(%run_scoped3A : memref<!tpu.dma_semaphore, #tpu.memory_space<semaphore_mem>>) src(%dma_wait3A_61 : memref<4x40xi32, #tpu.memory_space<hbm>>) dst(%arg8 : memref<4x40xi32, #tpu.memory_space<vmem>>)
      tpu.yield
    }) : () -> ()
    %dma_start3A = arith.constant 1 : i32
    %dma_start3A_5 = arith.constant 0 : i32
    %dma_start3A_6 = tpu.memref_slice %arg8[%dma_start3A, %dma_start3A_5] : memref<4x40xi32, #tpu.memory_space<vmem>> -> memref<1x40xi32, #tpu.memory_space<vmem>>
    %dma_start3A_7 = tpu.memref_squeeze %dma_start3A_6 : memref<1x40xi32, #tpu.memory_space<vmem>> -> memref<40xi32, #tpu.memory_space<vmem>>
    %dma_start3A_8 = arith.constant 0 : i32
    %dma_start3A_9 = arith.constant 0 : i32
    %dma_start3A_10 = tpu.memref_slice %arg2[%dma_start3A_8, %dma_start3A_9] : memref<10000x128xf32, #tpu.memory_space<hbm>> -> memref<10000x128xf32, #tpu.memory_space<hbm>>
    tpu.enqueue_indirect_dma source(%dma_start3A_10 : memref<10000x128xf32, #tpu.memory_space<hbm>>) target(%arg9 : memref<40x128xf32, #tpu.memory_space<vmem>>) offsets(%dma_start3A_7 : memref<40xi32, #tpu.memory_space<vmem>>) semaphore(%arg15 : memref<!tpu.dma_semaphore, #tpu.memory_space<semaphore_mem>>)
    %dma_start3A_11 = arith.constant 0 : i32
    %dma_start3A_12 = arith.constant 0 : i32
    %dma_start3A_13 = tpu.memref_slice %arg8[%dma_start3A_11, %dma_start3A_12] : memref<4x40xi32, #tpu.memory_space<vmem>> -> memref<1x40xi32, #tpu.memory_space<vmem>>
    %dma_start3A_14 = tpu.memref_squeeze %dma_start3A_13 : memref<1x40xi32, #tpu.memory_space<vmem>> -> memref<40xi32, #tpu.memory_space<vmem>>
    %dma_start3A_15 = arith.constant 0 : i32
    %dma_start3A_16 = arith.constant 0 : i32
    %dma_start3A_17 = tpu.memref_slice %arg3[%dma_start3A_15, %dma_start3A_16] : memref<10000x256xf32, #tpu.memory_space<hbm>> -> memref<10000x256xf32, #tpu.memory_space<hbm>>
    tpu.enqueue_indirect_dma source(%dma_start3A_17 : memref<10000x256xf32, #tpu.memory_space<hbm>>) target(%arg10 : memref<40x256xf32, #tpu.memory_space<vmem>>) offsets(%dma_start3A_14 : memref<40xi32, #tpu.memory_space<vmem>>) semaphore(%arg15 : memref<!tpu.dma_semaphore, #tpu.memory_space<semaphore_mem>>)
    %scan3A = arith.constant 0 : i32
    %scan3A_18 = arith.constant 0 : i32
    %scan3A_19 = arith.constant 125 : i32
    %scan3A_20 = arith.addi %scan3A_18, %scan3A_19 : i32
    %scan3A_21 = arith.constant 1 : i32
    scf.for %scan3A_46 = %scan3A_18 to %scan3A_20 step %scan3A_21  : i32 {
      %mul3A_47 = arith.constant 2 : i32
      %mul3A_48 = arith.muli %scan3A_46, %mul3A_47 : i32
      %add3A_49 = arith.addi %mul3A_4, %mul3A_48 : i32
      %add3A_50 = arith.constant 0 : i32
      %add3A_51 = arith.addi %add3A_49, %add3A_50 : i32
      %add3A_52 = arith.constant 1 : i32
      %add3A_53 = arith.addi %add3A_51, %add3A_52 : i32
      %min3A = arith.constant 7999 : i32
      %min3A_54 = arith.minsi %add3A_53, %min3A : i32
      "tpu.region"() ({
        %run_scoped3A_130 = tpu.sem_alloc : memref<!tpu.dma_semaphore, #tpu.memory_space<semaphore_mem>>
        %dma_start3A_131 = arith.constant 0 : i32
        %dma_start3A_132 = arith.constant 0 : i32
        %dma_start3A_133 = tpu.memref_slice %arg4[%min3A_54, %dma_start3A_131, %dma_start3A_132] : memref<8000x4x40xi32, #tpu.memory_space<hbm>> -> memref<1x4x40xi32, #tpu.memory_space<hbm>>
        %dma_start3A_134 = tpu.memref_squeeze %dma_start3A_133 : memref<1x4x40xi32, #tpu.memory_space<hbm>> -> memref<4x40xi32, #tpu.memory_space<hbm>>
        %dma_start3A_135 = arith.constant 0 : i32
        %dma_start3A_136 = arith.constant 0 : i32
        %dma_start3A_137 = tpu.memref_slice %arg4[%min3A_54, %dma_start3A_135, %dma_start3A_136] : memref<8000x4x40xi32, #tpu.memory_space<hbm>> -> memref<1x4x40xi32, #tpu.memory_space<hbm>>
        %dma_start3A_138 = tpu.memref_squeeze %dma_start3A_137 : memref<1x4x40xi32, #tpu.memory_space<hbm>> -> memref<4x40xi32, #tpu.memory_space<hbm>>
        tpu.enqueue_dma source(%dma_start3A_138 : memref<4x40xi32, #tpu.memory_space<hbm>>) target(%arg11 : memref<4x40xi32, #tpu.memory_space<vmem>>) target_semaphore(%run_scoped3A_130 : memref<!tpu.dma_semaphore, #tpu.memory_space<semaphore_mem>>)
        %dma_wait3A_139 = arith.constant 0 : i32
        %dma_wait3A_140 = arith.constant 0 : i32
        %dma_wait3A_141 = tpu.memref_slice %arg4[%min3A_54, %dma_wait3A_139, %dma_wait3A_140] : memref<8000x4x40xi32, #tpu.memory_space<hbm>> -> memref<1x4x40xi32, #tpu.memory_space<hbm>>
        %dma_wait3A_142 = tpu.memref_squeeze %dma_wait3A_141 : memref<1x4x40xi32, #tpu.memory_space<hbm>> -> memref<4x40xi32, #tpu.memory_space<hbm>>
        %dma_wait3A_143 = arith.constant 0 : i32
        %dma_wait3A_144 = arith.constant 0 : i32
        %dma_wait3A_145 = tpu.memref_slice %arg4[%min3A_54, %dma_wait3A_143, %dma_wait3A_144] : memref<8000x4x40xi32, #tpu.memory_space<hbm>> -> memref<1x4x40xi32, #tpu.memory_space<hbm>>
        %dma_wait3A_146 = tpu.memref_squeeze %dma_wait3A_145 : memref<1x4x40xi32, #tpu.memory_space<hbm>> -> memref<4x40xi32, #tpu.memory_space<hbm>>
        tpu.wait_dma2 semaphore(%run_scoped3A_130 : memref<!tpu.dma_semaphore, #tpu.memory_space<semaphore_mem>>) src(%dma_wait3A_146 : memref<4x40xi32, #tpu.memory_space<hbm>>) dst(%arg11 : memref<4x40xi32, #tpu.memory_space<vmem>>)
        tpu.yield
      }) : () -> ()
      %dma_start3A_55 = arith.constant 1 : i32
      %dma_start3A_56 = arith.constant 0 : i32
      %dma_start3A_57 = tpu.memref_slice %arg11[%dma_start3A_55, %dma_start3A_56] : memref<4x40xi32, #tpu.memory_space<vmem>> -> memref<1x40xi32, #tpu.memory_space<vmem>>
      %dma_start3A_58 = tpu.memref_squeeze %dma_start3A_57 : memref<1x40xi32, #tpu.memory_space<vmem>> -> memref<40xi32, #tpu.memory_space<vmem>>
      %dma_start3A_59 = arith.constant 0 : i32
      %dma_start3A_60 = arith.constant 0 : i32
      %dma_start3A_61 = tpu.memref_slice %arg2[%dma_start3A_59, %dma_start3A_60] : memref<10000x128xf32, #tpu.memory_space<hbm>> -> memref<10000x128xf32, #tpu.memory_space<hbm>>
      tpu.enqueue_indirect_dma source(%dma_start3A_61 : memref<10000x128xf32, #tpu.memory_space<hbm>>) target(%arg12 : memref<40x128xf32, #tpu.memory_space<vmem>>) offsets(%dma_start3A_58 : memref<40xi32, #tpu.memory_space<vmem>>) semaphore(%arg16 : memref<!tpu.dma_semaphore, #tpu.memory_space<semaphore_mem>>)
      %dma_start3A_62 = arith.constant 0 : i32
      %dma_start3A_63 = arith.constant 0 : i32
      %dma_start3A_64 = tpu.memref_slice %arg11[%dma_start3A_62, %dma_start3A_63] : memref<4x40xi32, #tpu.memory_space<vmem>> -> memref<1x40xi32, #tpu.memory_space<vmem>>
      %dma_start3A_65 = tpu.memref_squeeze %dma_start3A_64 : memref<1x40xi32, #tpu.memory_space<vmem>> -> memref<40xi32, #tpu.memory_space<vmem>>
      %dma_start3A_66 = arith.constant 0 : i32
      %dma_start3A_67 = arith.constant 0 : i32
      %dma_start3A_68 = tpu.memref_slice %arg3[%dma_start3A_66, %dma_start3A_67] : memref<10000x256xf32, #tpu.memory_space<hbm>> -> memref<10000x256xf32, #tpu.memory_space<hbm>>
      tpu.enqueue_indirect_dma source(%dma_start3A_68 : memref<10000x256xf32, #tpu.memory_space<hbm>>) target(%arg13 : memref<40x256xf32, #tpu.memory_space<vmem>>) offsets(%dma_start3A_65 : memref<40xi32, #tpu.memory_space<vmem>>) semaphore(%arg16 : memref<!tpu.dma_semaphore, #tpu.memory_space<semaphore_mem>>)
      %dma_wait3A_69 = arith.constant 1 : i32
      %dma_wait3A_70 = arith.constant 0 : i32
      %dma_wait3A_71 = tpu.memref_slice %arg8[%dma_wait3A_69, %dma_wait3A_70] : memref<4x40xi32, #tpu.memory_space<vmem>> -> memref<1x40xi32, #tpu.memory_space<vmem>>
      %dma_wait3A_72 = tpu.memref_squeeze %dma_wait3A_71 : memref<1x40xi32, #tpu.memory_space<vmem>> -> memref<40xi32, #tpu.memory_space<vmem>>
      %dma_wait3A_73 = arith.constant 0 : i32
      %dma_wait3A_74 = arith.constant 0 : i32
      %dma_wait3A_75 = tpu.memref_slice %arg2[%dma_wait3A_73, %dma_wait3A_74] : memref<10000x128xf32, #tpu.memory_space<hbm>> -> memref<10000x128xf32, #tpu.memory_space<hbm>>
      tpu.wait_indirect_dma semaphore(%arg15 : memref<!tpu.dma_semaphore, #tpu.memory_space<semaphore_mem>>) src(%dma_wait3A_75 : memref<10000x128xf32, #tpu.memory_space<hbm>>) dst(%arg9 : memref<40x128xf32, #tpu.memory_space<vmem>>)
      %dma_wait3A_76 = arith.constant 0 : i32
      %dma_wait3A_77 = arith.constant 0 : i32
      %dma_wait3A_78 = tpu.memref_slice %arg8[%dma_wait3A_76, %dma_wait3A_77] : memref<4x40xi32, #tpu.memory_space<vmem>> -> memref<1x40xi32, #tpu.memory_space<vmem>>
      %dma_wait3A_79 = tpu.memref_squeeze %dma_wait3A_78 : memref<1x40xi32, #tpu.memory_space<vmem>> -> memref<40xi32, #tpu.memory_space<vmem>>
      %dma_wait3A_80 = arith.constant 0 : i32
      %dma_wait3A_81 = arith.constant 0 : i32
      %dma_wait3A_82 = tpu.memref_slice %arg3[%dma_wait3A_80, %dma_wait3A_81] : memref<10000x256xf32, #tpu.memory_space<hbm>> -> memref<10000x256xf32, #tpu.memory_space<hbm>>
      tpu.wait_indirect_dma semaphore(%arg15 : memref<!tpu.dma_semaphore, #tpu.memory_space<semaphore_mem>>) src(%dma_wait3A_82 : memref<10000x256xf32, #tpu.memory_space<hbm>>) dst(%arg10 : memref<40x256xf32, #tpu.memory_space<vmem>>)
      %parallel_loop3A = arith.constant 0 : i32
      %parallel_loop3A_83 = arith.constant 40 : i32
      %parallel_loop3A_84 = arith.constant 1 : i32
      scf.for %parallel_loop3A_130 = %parallel_loop3A to %parallel_loop3A_83 step %parallel_loop3A_84  : i32 {
        %parallel_loop3A_131 = arith.constant 2 : i32
        %parallel_loop3A_132 = vector.broadcast %parallel_loop3A_131 : i32 to vector<16xi32>
        %parallel_loop3A_133 = vector.broadcast %parallel_loop3A_130 : i32 to vector<16xi32>
        %parallel_loop3A_134 = tpu.vector_load_idx %arg8[%parallel_loop3A_132, %parallel_loop3A_133] : memref<4x40xi32, #tpu.memory_space<vmem>>[vector<16xi32>, vector<16xi32>], vector<16xi32>,
        %parallel_loop3A_135 = vector.bitcast %parallel_loop3A_134 : vector<16xi32> to vector<16xf32>
        %parallel_loop3A_136 = arith.index_cast %parallel_loop3A_130 : i32 to index
        %parallel_loop3A_137 = arith.constant 0 : index
        %parallel_loop3A_138 = tpu.vector_load %arg9[%parallel_loop3A_136, %parallel_loop3A_137] {strides = array<i32>} : memref<40x128xf32, #tpu.memory_space<vmem>>, vector<16xf32>,
        %parallel_loop3A_139 = arith.index_cast %parallel_loop3A_130 : i32 to index
        %parallel_loop3A_140 = arith.constant 0 : index
        %parallel_loop3A_141 = tpu.vector_load %arg10[%parallel_loop3A_139, %parallel_loop3A_140] {strides = array<i32>} : memref<40x256xf32, #tpu.memory_space<vmem>>, vector<16xf32>,
        %parallel_loop3A_142 = arith.mulf %parallel_loop3A_138, %parallel_loop3A_141 : vector<16xf32>
        %parallel_loop3A_143 = arith.constant true
        %parallel_loop3A_144 = vector.broadcast %parallel_loop3A_143 : i1 to vector<16xi1>
        %parallel_loop3A_145 = tpu.scan <sum>, %parallel_loop3A_142 masked %parallel_loop3A_144 : vector<16xf32>, vector<16xi1> -> vector<16xf32>
        %parallel_loop3A_146 = vector.extract %parallel_loop3A_145[15] : f32 from vector<16xf32>
        %parallel_loop3A_147 = arith.constant 0 : i32
        %parallel_loop3A_148 = vector.broadcast %parallel_loop3A_147 : i32 to vector<16xi32>
        %parallel_loop3A_149 = arith.cmpi eq, %iota3A, %parallel_loop3A_148 : vector<16xi32>
        %parallel_loop3A_150 = arith.constant 0.000000e+00 : f32
        %parallel_loop3A_151 = vector.broadcast %parallel_loop3A_146 : f32 to vector<16xf32>
        %parallel_loop3A_152 = vector.broadcast %parallel_loop3A_150 : f32 to vector<16xf32>
        %parallel_loop3A_153 = arith.select %parallel_loop3A_149, %parallel_loop3A_151, %parallel_loop3A_152 : vector<16xi1>, vector<16xf32>
        %parallel_loop3A_154 = arith.index_cast %parallel_loop3A_130 : i32 to index
        %parallel_loop3A_155 = arith.constant 16 : index
        %parallel_loop3A_156 = tpu.vector_load %arg9[%parallel_loop3A_154, %parallel_loop3A_155] {strides = array<i32>} : memref<40x128xf32, #tpu.memory_space<vmem>>, vector<16xf32>,
        %parallel_loop3A_157 = arith.index_cast %parallel_loop3A_130 : i32 to index
        %parallel_loop3A_158 = arith.constant 16 : index
        %parallel_loop3A_159 = tpu.vector_load %arg10[%parallel_loop3A_157, %parallel_loop3A_158] {strides = array<i32>} : memref<40x256xf32, #tpu.memory_space<vmem>>, vector<16xf32>,
        %parallel_loop3A_160 = arith.mulf %parallel_loop3A_156, %parallel_loop3A_159 : vector<16xf32>
        %parallel_loop3A_161 = arith.constant true
        %parallel_loop3A_162 = vector.broadcast %parallel_loop3A_161 : i1 to vector<16xi1>
        %parallel_loop3A_163 = tpu.scan <sum>, %parallel_loop3A_160 masked %parallel_loop3A_162 : vector<16xf32>, vector<16xi1> -> vector<16xf32>
        %parallel_loop3A_164 = vector.extract %parallel_loop3A_163[15] : f32 from vector<16xf32>
        %parallel_loop3A_165 = arith.constant 1 : i32
        %parallel_loop3A_166 = vector.broadcast %parallel_loop3A_165 : i32 to vector<16xi32>
        %parallel_loop3A_167 = arith.cmpi eq, %iota3A, %parallel_loop3A_166 : vector<16xi32>
        %parallel_loop3A_168 = arith.constant 0.000000e+00 : f32
        %parallel_loop3A_169 = vector.broadcast %parallel_loop3A_164 : f32 to vector<16xf32>
        %parallel_loop3A_170 = vector.broadcast %parallel_loop3A_168 : f32 to vector<16xf32>
        %parallel_loop3A_171 = arith.select %parallel_loop3A_167, %parallel_loop3A_169, %parallel_loop3A_170 : vector<16xi1>, vector<16xf32>
        %parallel_loop3A_172 = arith.index_cast %parallel_loop3A_130 : i32 to index
        %parallel_loop3A_173 = arith.constant 32 : index
        %parallel_loop3A_174 = tpu.vector_load %arg9[%parallel_loop3A_172, %parallel_loop3A_173] {strides = array<i32>} : memref<40x128xf32, #tpu.memory_space<vmem>>, vector<16xf32>,
        %parallel_loop3A_175 = arith.index_cast %parallel_loop3A_130 : i32 to index
        %parallel_loop3A_176 = arith.constant 32 : index
        %parallel_loop3A_177 = tpu.vector_load %arg10[%parallel_loop3A_175, %parallel_loop3A_176] {strides = array<i32>} : memref<40x256xf32, #tpu.memory_space<vmem>>, vector<16xf32>,
        %parallel_loop3A_178 = arith.mulf %parallel_loop3A_174, %parallel_loop3A_177 : vector<16xf32>
        %parallel_loop3A_179 = arith.constant true
        %parallel_loop3A_180 = vector.broadcast %parallel_loop3A_179 : i1 to vector<16xi1>
        %parallel_loop3A_181 = tpu.scan <sum>, %parallel_loop3A_178 masked %parallel_loop3A_180 : vector<16xf32>, vector<16xi1> -> vector<16xf32>
        %parallel_loop3A_182 = vector.extract %parallel_loop3A_181[15] : f32 from vector<16xf32>
        %parallel_loop3A_183 = arith.constant 2 : i32
        %parallel_loop3A_184 = vector.broadcast %parallel_loop3A_183 : i32 to vector<16xi32>
        %parallel_loop3A_185 = arith.cmpi eq, %iota3A, %parallel_loop3A_184 : vector<16xi32>
        %parallel_loop3A_186 = arith.constant 0.000000e+00 : f32
        %parallel_loop3A_187 = vector.broadcast %parallel_loop3A_182 : f32 to vector<16xf32>
        %parallel_loop3A_188 = vector.broadcast %parallel_loop3A_186 : f32 to vector<16xf32>
        %parallel_loop3A_189 = arith.select %parallel_loop3A_185, %parallel_loop3A_187, %parallel_loop3A_188 : vector<16xi1>, vector<16xf32>
        %parallel_loop3A_190 = arith.index_cast %parallel_loop3A_130 : i32 to index
        %parallel_loop3A_191 = arith.constant 48 : index
        %parallel_loop3A_192 = tpu.vector_load %arg9[%parallel_loop3A_190, %parallel_loop3A_191] {strides = array<i32>} : memref<40x128xf32, #tpu.memory_space<vmem>>, vector<16xf32>,
        %parallel_loop3A_193 = arith.index_cast %parallel_loop3A_130 : i32 to index
        %parallel_loop3A_194 = arith.constant 48 : index
        %parallel_loop3A_195 = tpu.vector_load %arg10[%parallel_loop3A_193, %parallel_loop3A_194] {strides = array<i32>} : memref<40x256xf32, #tpu.memory_space<vmem>>, vector<16xf32>,
        %parallel_loop3A_196 = arith.mulf %parallel_loop3A_192, %parallel_loop3A_195 : vector<16xf32>
        %parallel_loop3A_197 = arith.constant true
        %parallel_loop3A_198 = vector.broadcast %parallel_loop3A_197 : i1 to vector<16xi1>
        %parallel_loop3A_199 = tpu.scan <sum>, %parallel_loop3A_196 masked %parallel_loop3A_198 : vector<16xf32>, vector<16xi1> -> vector<16xf32>
        %parallel_loop3A_200 = vector.extract %parallel_loop3A_199[15] : f32 from vector<16xf32>
        %parallel_loop3A_201 = arith.constant 3 : i32
        %parallel_loop3A_202 = vector.broadcast %parallel_loop3A_201 : i32 to vector<16xi32>
        %parallel_loop3A_203 = arith.cmpi eq, %iota3A, %parallel_loop3A_202 : vector<16xi32>
        %parallel_loop3A_204 = arith.constant 0.000000e+00 : f32
        %parallel_loop3A_205 = vector.broadcast %parallel_loop3A_200 : f32 to vector<16xf32>
        %parallel_loop3A_206 = vector.broadcast %parallel_loop3A_204 : f32 to vector<16xf32>
        %parallel_loop3A_207 = arith.select %parallel_loop3A_203, %parallel_loop3A_205, %parallel_loop3A_206 : vector<16xi1>, vector<16xf32>
        %parallel_loop3A_208 = arith.index_cast %parallel_loop3A_130 : i32 to index
        %parallel_loop3A_209 = arith.constant 64 : index
        %parallel_loop3A_210 = tpu.vector_load %arg9[%parallel_loop3A_208, %parallel_loop3A_209] {strides = array<i32>} : memref<40x128xf32, #tpu.memory_space<vmem>>, vector<16xf32>,
        %parallel_loop3A_211 = arith.index_cast %parallel_loop3A_130 : i32 to index
        %parallel_loop3A_212 = arith.constant 64 : index
        %parallel_loop3A_213 = tpu.vector_load %arg10[%parallel_loop3A_211, %parallel_loop3A_212] {strides = array<i32>} : memref<40x256xf32, #tpu.memory_space<vmem>>, vector<16xf32>,
        %parallel_loop3A_214 = arith.mulf %parallel_loop3A_210, %parallel_loop3A_213 : vector<16xf32>
        %parallel_loop3A_215 = arith.constant true
        %parallel_loop3A_216 = vector.broadcast %parallel_loop3A_215 : i1 to vector<16xi1>
        %parallel_loop3A_217 = tpu.scan <sum>, %parallel_loop3A_214 masked %parallel_loop3A_216 : vector<16xf32>, vector<16xi1> -> vector<16xf32>
        %parallel_loop3A_218 = vector.extract %parallel_loop3A_217[15] : f32 from vector<16xf32>
        %parallel_loop3A_219 = arith.constant 4 : i32
        %parallel_loop3A_220 = vector.broadcast %parallel_loop3A_219 : i32 to vector<16xi32>
        %parallel_loop3A_221 = arith.cmpi eq, %iota3A, %parallel_loop3A_220 : vector<16xi32>
        %parallel_loop3A_222 = arith.constant 0.000000e+00 : f32
        %parallel_loop3A_223 = vector.broadcast %parallel_loop3A_218 : f32 to vector<16xf32>
        %parallel_loop3A_224 = vector.broadcast %parallel_loop3A_222 : f32 to vector<16xf32>
        %parallel_loop3A_225 = arith.select %parallel_loop3A_221, %parallel_loop3A_223, %parallel_loop3A_224 : vector<16xi1>, vector<16xf32>
        %parallel_loop3A_226 = arith.index_cast %parallel_loop3A_130 : i32 to index
        %parallel_loop3A_227 = arith.constant 80 : index
        %parallel_loop3A_228 = tpu.vector_load %arg9[%parallel_loop3A_226, %parallel_loop3A_227] {strides = array<i32>} : memref<40x128xf32, #tpu.memory_space<vmem>>, vector<16xf32>,
        %parallel_loop3A_229 = arith.index_cast %parallel_loop3A_130 : i32 to index
        %parallel_loop3A_230 = arith.constant 80 : index
        %parallel_loop3A_231 = tpu.vector_load %arg10[%parallel_loop3A_229, %parallel_loop3A_230] {strides = array<i32>} : memref<40x256xf32, #tpu.memory_space<vmem>>, vector<16xf32>,
        %parallel_loop3A_232 = arith.mulf %parallel_loop3A_228, %parallel_loop3A_231 : vector<16xf32>
        %parallel_loop3A_233 = arith.constant true
        %parallel_loop3A_234 = vector.broadcast %parallel_loop3A_233 : i1 to vector<16xi1>
        %parallel_loop3A_235 = tpu.scan <sum>, %parallel_loop3A_232 masked %parallel_loop3A_234 : vector<16xf32>, vector<16xi1> -> vector<16xf32>
        %parallel_loop3A_236 = vector.extract %parallel_loop3A_235[15] : f32 from vector<16xf32>
        %parallel_loop3A_237 = arith.constant 5 : i32
        %parallel_loop3A_238 = vector.broadcast %parallel_loop3A_237 : i32 to vector<16xi32>
        %parallel_loop3A_239 = arith.cmpi eq, %iota3A, %parallel_loop3A_238 : vector<16xi32>
        %parallel_loop3A_240 = arith.constant 0.000000e+00 : f32
        %parallel_loop3A_241 = vector.broadcast %parallel_loop3A_236 : f32 to vector<16xf32>
        %parallel_loop3A_242 = vector.broadcast %parallel_loop3A_240 : f32 to vector<16xf32>
        %parallel_loop3A_243 = arith.select %parallel_loop3A_239, %parallel_loop3A_241, %parallel_loop3A_242 : vector<16xi1>, vector<16xf32>
        %parallel_loop3A_244 = arith.index_cast %parallel_loop3A_130 : i32 to index
        %parallel_loop3A_245 = arith.constant 96 : index
        %parallel_loop3A_246 = tpu.vector_load %arg9[%parallel_loop3A_244, %parallel_loop3A_245] {strides = array<i32>} : memref<40x128xf32, #tpu.memory_space<vmem>>, vector<16xf32>,
        %parallel_loop3A_247 = arith.index_cast %parallel_loop3A_130 : i32 to index
        %parallel_loop3A_248 = arith.constant 96 : index
        %parallel_loop3A_249 = tpu.vector_load %arg10[%parallel_loop3A_247, %parallel_loop3A_248] {strides = array<i32>} : memref<40x256xf32, #tpu.memory_space<vmem>>, vector<16xf32>,
        %parallel_loop3A_250 = arith.mulf %parallel_loop3A_246, %parallel_loop3A_249 : vector<16xf32>
        %parallel_loop3A_251 = arith.constant true
        %parallel_loop3A_252 = vector.broadcast %parallel_loop3A_251 : i1 to vector<16xi1>
        %parallel_loop3A_253 = tpu.scan <sum>, %parallel_loop3A_250 masked %parallel_loop3A_252 : vector<16xf32>, vector<16xi1> -> vector<16xf32>
        %parallel_loop3A_254 = vector.extract %parallel_loop3A_253[15] : f32 from vector<16xf32>
        %parallel_loop3A_255 = arith.constant 6 : i32
        %parallel_loop3A_256 = vector.broadcast %parallel_loop3A_255 : i32 to vector<16xi32>
        %parallel_loop3A_257 = arith.cmpi eq, %iota3A, %parallel_loop3A_256 : vector<16xi32>
        %parallel_loop3A_258 = arith.constant 0.000000e+00 : f32
        %parallel_loop3A_259 = vector.broadcast %parallel_loop3A_254 : f32 to vector<16xf32>
        %parallel_loop3A_260 = vector.broadcast %parallel_loop3A_258 : f32 to vector<16xf32>
        %parallel_loop3A_261 = arith.select %parallel_loop3A_257, %parallel_loop3A_259, %parallel_loop3A_260 : vector<16xi1>, vector<16xf32>
        %parallel_loop3A_262 = arith.index_cast %parallel_loop3A_130 : i32 to index
        %parallel_loop3A_263 = arith.constant 112 : index
        %parallel_loop3A_264 = tpu.vector_load %arg9[%parallel_loop3A_262, %parallel_loop3A_263] {strides = array<i32>} : memref<40x128xf32, #tpu.memory_space<vmem>>, vector<16xf32>,
        %parallel_loop3A_265 = arith.index_cast %parallel_loop3A_130 : i32 to index
        %parallel_loop3A_266 = arith.constant 112 : index
        %parallel_loop3A_267 = tpu.vector_load %arg10[%parallel_loop3A_265, %parallel_loop3A_266] {strides = array<i32>} : memref<40x256xf32, #tpu.memory_space<vmem>>, vector<16xf32>,
        %parallel_loop3A_268 = arith.mulf %parallel_loop3A_264, %parallel_loop3A_267 : vector<16xf32>
        %parallel_loop3A_269 = arith.constant true
        %parallel_loop3A_270 = vector.broadcast %parallel_loop3A_269 : i1 to vector<16xi1>
        %parallel_loop3A_271 = tpu.scan <sum>, %parallel_loop3A_268 masked %parallel_loop3A_270 : vector<16xf32>, vector<16xi1> -> vector<16xf32>
        %parallel_loop3A_272 = vector.extract %parallel_loop3A_271[15] : f32 from vector<16xf32>
        %parallel_loop3A_273 = arith.constant 7 : i32
        %parallel_loop3A_274 = vector.broadcast %parallel_loop3A_273 : i32 to vector<16xi32>
        %parallel_loop3A_275 = arith.cmpi eq, %iota3A, %parallel_loop3A_274 : vector<16xi32>
        %parallel_loop3A_276 = arith.constant 0.000000e+00 : f32
        %parallel_loop3A_277 = vector.broadcast %parallel_loop3A_272 : f32 to vector<16xf32>
        %parallel_loop3A_278 = vector.broadcast %parallel_loop3A_276 : f32 to vector<16xf32>
        %parallel_loop3A_279 = arith.select %parallel_loop3A_275, %parallel_loop3A_277, %parallel_loop3A_278 : vector<16xi1>, vector<16xf32>
        %parallel_loop3A_280 = arith.addf %parallel_loop3A_153, %parallel_loop3A_171 : vector<16xf32>
        %parallel_loop3A_281 = arith.addf %parallel_loop3A_189, %parallel_loop3A_207 : vector<16xf32>
        %parallel_loop3A_282 = arith.addf %parallel_loop3A_225, %parallel_loop3A_243 : vector<16xf32>
        %parallel_loop3A_283 = arith.addf %parallel_loop3A_261, %parallel_loop3A_279 : vector<16xf32>
        %parallel_loop3A_284 = arith.addf %parallel_loop3A_280, %parallel_loop3A_281 : vector<16xf32>
        %parallel_loop3A_285 = arith.addf %parallel_loop3A_282, %parallel_loop3A_283 : vector<16xf32>
        %parallel_loop3A_286 = arith.addf %parallel_loop3A_284, %parallel_loop3A_285 : vector<16xf32>
        %parallel_loop3A_287 = arith.mulf %parallel_loop3A_286, %parallel_loop3A_135 : vector<16xf32>
        %parallel_loop3A_288 = math.exp %parallel_loop3A_287 : vector<16xf32>
        %parallel_loop3A_289 = arith.index_cast %parallel_loop3A_130 : i32 to index
        %parallel_loop3A_290 = arith.constant 128 : index
        %parallel_loop3A_291 = tpu.vector_load %arg14[%parallel_loop3A_289, %parallel_loop3A_290] {strides = array<i32>} : memref<40x144xf32, #tpu.memory_space<vmem>>, vector<16xf32>,
        tpu.vector_store %arg14[%parallel_loop3A_289, %parallel_loop3A_290], %parallel_loop3A_288 {strides = array<i32>} : memref<40x144xf32, #tpu.memory_space<vmem>>, vector<16xf32>,
      } {sc.loop_unroll_factor = 4 : i64, sc.parallel_access}
      %parallel_loop3A_85 = arith.constant 0 : i32
      %parallel_loop3A_86 = arith.constant 40 : i32
      %parallel_loop3A_87 = arith.constant 1 : i32
      scf.for %parallel_loop3A_130 = %parallel_loop3A_85 to %parallel_loop3A_86 step %parallel_loop3A_87  : i32 {
        %parallel_loop3A_131 = vector.broadcast %parallel_loop3A_130 : i32 to vector<16xi32>
        %parallel_loop3A_132 = arith.constant 128 : i32
        %parallel_loop3A_133 = vector.broadcast %parallel_loop3A_132 : i32 to vector<16xi32>
        %parallel_loop3A_134 = tpu.vector_load_idx %arg14[%parallel_loop3A_131, %parallel_loop3A_133] : memref<40x144xf32, #tpu.memory_space<vmem>>[vector<16xi32>, vector<16xi32>], vector<16xf32>,
        %parallel_loop3A_135 = arith.index_cast %parallel_loop3A_130 : i32 to index
        %parallel_loop3A_136 = arith.constant 128 : index
        %parallel_loop3A_137 = tpu.vector_load %arg10[%parallel_loop3A_135, %parallel_loop3A_136] {strides = array<i32>} : memref<40x256xf32, #tpu.memory_space<vmem>>, vector<16xf32>,
        %parallel_loop3A_138 = arith.mulf %parallel_loop3A_137, %parallel_loop3A_134 : vector<16xf32>
        %parallel_loop3A_139 = arith.index_cast %parallel_loop3A_130 : i32 to index
        %parallel_loop3A_140 = arith.constant 0 : index
        %parallel_loop3A_141 = tpu.vector_load %arg14[%parallel_loop3A_139, %parallel_loop3A_140] {strides = array<i32>} : memref<40x144xf32, #tpu.memory_space<vmem>>, vector<16xf32>,
        tpu.vector_store %arg14[%parallel_loop3A_139, %parallel_loop3A_140], %parallel_loop3A_138 {strides = array<i32>} : memref<40x144xf32, #tpu.memory_space<vmem>>, vector<16xf32>,
        %parallel_loop3A_142 = arith.constant 129 : i32
        %parallel_loop3A_143 = vector.broadcast %parallel_loop3A_142 : i32 to vector<16xi32>
        %parallel_loop3A_144 = tpu.vector_load_idx %arg14[%parallel_loop3A_131, %parallel_loop3A_143] : memref<40x144xf32, #tpu.memory_space<vmem>>[vector<16xi32>, vector<16xi32>], vector<16xf32>,
        %parallel_loop3A_145 = arith.index_cast %parallel_loop3A_130 : i32 to index
        %parallel_loop3A_146 = arith.constant 144 : index
        %parallel_loop3A_147 = tpu.vector_load %arg10[%parallel_loop3A_145, %parallel_loop3A_146] {strides = array<i32>} : memref<40x256xf32, #tpu.memory_space<vmem>>, vector<16xf32>,
        %parallel_loop3A_148 = arith.mulf %parallel_loop3A_147, %parallel_loop3A_144 : vector<16xf32>
        %parallel_loop3A_149 = arith.index_cast %parallel_loop3A_130 : i32 to index
        %parallel_loop3A_150 = arith.constant 16 : index
        %parallel_loop3A_151 = tpu.vector_load %arg14[%parallel_loop3A_149, %parallel_loop3A_150] {strides = array<i32>} : memref<40x144xf32, #tpu.memory_space<vmem>>, vector<16xf32>,
        tpu.vector_store %arg14[%parallel_loop3A_149, %parallel_loop3A_150], %parallel_loop3A_148 {strides = array<i32>} : memref<40x144xf32, #tpu.memory_space<vmem>>, vector<16xf32>,
        %parallel_loop3A_152 = arith.constant 130 : i32
        %parallel_loop3A_153 = vector.broadcast %parallel_loop3A_152 : i32 to vector<16xi32>
        %parallel_loop3A_154 = tpu.vector_load_idx %arg14[%parallel_loop3A_131, %parallel_loop3A_153] : memref<40x144xf32, #tpu.memory_space<vmem>>[vector<16xi32>, vector<16xi32>], vector<16xf32>,
        %parallel_loop3A_155 = arith.index_cast %parallel_loop3A_130 : i32 to index
        %parallel_loop3A_156 = arith.constant 160 : index
        %parallel_loop3A_157 = tpu.vector_load %arg10[%parallel_loop3A_155, %parallel_loop3A_156] {strides = array<i32>} : memref<40x256xf32, #tpu.memory_space<vmem>>, vector<16xf32>,
        %parallel_loop3A_158 = arith.mulf %parallel_loop3A_157, %parallel_loop3A_154 : vector<16xf32>
        %parallel_loop3A_159 = arith.index_cast %parallel_loop3A_130 : i32 to index
        %parallel_loop3A_160 = arith.constant 32 : index
        %parallel_loop3A_161 = tpu.vector_load %arg14[%parallel_loop3A_159, %parallel_loop3A_160] {strides = array<i32>} : memref<40x144xf32, #tpu.memory_space<vmem>>, vector<16xf32>,
        tpu.vector_store %arg14[%parallel_loop3A_159, %parallel_loop3A_160], %parallel_loop3A_158 {strides = array<i32>} : memref<40x144xf32, #tpu.memory_space<vmem>>, vector<16xf32>,
        %parallel_loop3A_162 = arith.constant 131 : i32
        %parallel_loop3A_163 = vector.broadcast %parallel_loop3A_162 : i32 to vector<16xi32>
        %parallel_loop3A_164 = tpu.vector_load_idx %arg14[%parallel_loop3A_131, %parallel_loop3A_163] : memref<40x144xf32, #tpu.memory_space<vmem>>[vector<16xi32>, vector<16xi32>], vector<16xf32>,
        %parallel_loop3A_165 = arith.index_cast %parallel_loop3A_130 : i32 to index
        %parallel_loop3A_166 = arith.constant 176 : index
        %parallel_loop3A_167 = tpu.vector_load %arg10[%parallel_loop3A_165, %parallel_loop3A_166] {strides = array<i32>} : memref<40x256xf32, #tpu.memory_space<vmem>>, vector<16xf32>,
        %parallel_loop3A_168 = arith.mulf %parallel_loop3A_167, %parallel_loop3A_164 : vector<16xf32>
        %parallel_loop3A_169 = arith.index_cast %parallel_loop3A_130 : i32 to index
        %parallel_loop3A_170 = arith.constant 48 : index
        %parallel_loop3A_171 = tpu.vector_load %arg14[%parallel_loop3A_169, %parallel_loop3A_170] {strides = array<i32>} : memref<40x144xf32, #tpu.memory_space<vmem>>, vector<16xf32>,
        tpu.vector_store %arg14[%parallel_loop3A_169, %parallel_loop3A_170], %parallel_loop3A_168 {strides = array<i32>} : memref<40x144xf32, #tpu.memory_space<vmem>>, vector<16xf32>,
        %parallel_loop3A_172 = arith.constant 132 : i32
        %parallel_loop3A_173 = vector.broadcast %parallel_loop3A_172 : i32 to vector<16xi32>
        %parallel_loop3A_174 = tpu.vector_load_idx %arg14[%parallel_loop3A_131, %parallel_loop3A_173] : memref<40x144xf32, #tpu.memory_space<vmem>>[vector<16xi32>, vector<16xi32>], vector<16xf32>,
        %parallel_loop3A_175 = arith.index_cast %parallel_loop3A_130 : i32 to index
        %parallel_loop3A_176 = arith.constant 192 : index
        %parallel_loop3A_177 = tpu.vector_load %arg10[%parallel_loop3A_175, %parallel_loop3A_176] {strides = array<i32>} : memref<40x256xf32, #tpu.memory_space<vmem>>, vector<16xf32>,
        %parallel_loop3A_178 = arith.mulf %parallel_loop3A_177, %parallel_loop3A_174 : vector<16xf32>
        %parallel_loop3A_179 = arith.index_cast %parallel_loop3A_130 : i32 to index
        %parallel_loop3A_180 = arith.constant 64 : index
        %parallel_loop3A_181 = tpu.vector_load %arg14[%parallel_loop3A_179, %parallel_loop3A_180] {strides = array<i32>} : memref<40x144xf32, #tpu.memory_space<vmem>>, vector<16xf32>,
        tpu.vector_store %arg14[%parallel_loop3A_179, %parallel_loop3A_180], %parallel_loop3A_178 {strides = array<i32>} : memref<40x144xf32, #tpu.memory_space<vmem>>, vector<16xf32>,
        %parallel_loop3A_182 = arith.constant 133 : i32
        %parallel_loop3A_183 = vector.broadcast %parallel_loop3A_182 : i32 to vector<16xi32>
        %parallel_loop3A_184 = tpu.vector_load_idx %arg14[%parallel_loop3A_131, %parallel_loop3A_183] : memref<40x144xf32, #tpu.memory_space<vmem>>[vector<16xi32>, vector<16xi32>], vector<16xf32>,
        %parallel_loop3A_185 = arith.index_cast %parallel_loop3A_130 : i32 to index
        %parallel_loop3A_186 = arith.constant 208 : index
        %parallel_loop3A_187 = tpu.vector_load %arg10[%parallel_loop3A_185, %parallel_loop3A_186] {strides = array<i32>} : memref<40x256xf32, #tpu.memory_space<vmem>>, vector<16xf32>,
        %parallel_loop3A_188 = arith.mulf %parallel_loop3A_187, %parallel_loop3A_184 : vector<16xf32>
        %parallel_loop3A_189 = arith.index_cast %parallel_loop3A_130 : i32 to index
        %parallel_loop3A_190 = arith.constant 80 : index
        %parallel_loop3A_191 = tpu.vector_load %arg14[%parallel_loop3A_189, %parallel_loop3A_190] {strides = array<i32>} : memref<40x144xf32, #tpu.memory_space<vmem>>, vector<16xf32>,
        tpu.vector_store %arg14[%parallel_loop3A_189, %parallel_loop3A_190], %parallel_loop3A_188 {strides = array<i32>} : memref<40x144xf32, #tpu.memory_space<vmem>>, vector<16xf32>,
        %parallel_loop3A_192 = arith.constant 134 : i32
        %parallel_loop3A_193 = vector.broadcast %parallel_loop3A_192 : i32 to vector<16xi32>
        %parallel_loop3A_194 = tpu.vector_load_idx %arg14[%parallel_loop3A_131, %parallel_loop3A_193] : memref<40x144xf32, #tpu.memory_space<vmem>>[vector<16xi32>, vector<16xi32>], vector<16xf32>,
        %parallel_loop3A_195 = arith.index_cast %parallel_loop3A_130 : i32 to index
        %parallel_loop3A_196 = arith.constant 224 : index
        %parallel_loop3A_197 = tpu.vector_load %arg10[%parallel_loop3A_195, %parallel_loop3A_196] {strides = array<i32>} : memref<40x256xf32, #tpu.memory_space<vmem>>, vector<16xf32>,
        %parallel_loop3A_198 = arith.mulf %parallel_loop3A_197, %parallel_loop3A_194 : vector<16xf32>
        %parallel_loop3A_199 = arith.index_cast %parallel_loop3A_130 : i32 to index
        %parallel_loop3A_200 = arith.constant 96 : index
        %parallel_loop3A_201 = tpu.vector_load %arg14[%parallel_loop3A_199, %parallel_loop3A_200] {strides = array<i32>} : memref<40x144xf32, #tpu.memory_space<vmem>>, vector<16xf32>,
        tpu.vector_store %arg14[%parallel_loop3A_199, %parallel_loop3A_200], %parallel_loop3A_198 {strides = array<i32>} : memref<40x144xf32, #tpu.memory_space<vmem>>, vector<16xf32>,
        %parallel_loop3A_202 = arith.constant 135 : i32
        %parallel_loop3A_203 = vector.broadcast %parallel_loop3A_202 : i32 to vector<16xi32>
        %parallel_loop3A_204 = tpu.vector_load_idx %arg14[%parallel_loop3A_131, %parallel_loop3A_203] : memref<40x144xf32, #tpu.memory_space<vmem>>[vector<16xi32>, vector<16xi32>], vector<16xf32>,
        %parallel_loop3A_205 = arith.index_cast %parallel_loop3A_130 : i32 to index
        %parallel_loop3A_206 = arith.constant 240 : index
        %parallel_loop3A_207 = tpu.vector_load %arg10[%parallel_loop3A_205, %parallel_loop3A_206] {strides = array<i32>} : memref<40x256xf32, #tpu.memory_space<vmem>>, vector<16xf32>,
        %parallel_loop3A_208 = arith.mulf %parallel_loop3A_207, %parallel_loop3A_204 : vector<16xf32>
        %parallel_loop3A_209 = arith.index_cast %parallel_loop3A_130 : i32 to index
        %parallel_loop3A_210 = arith.constant 112 : index
        %parallel_loop3A_211 = tpu.vector_load %arg14[%parallel_loop3A_209, %parallel_loop3A_210] {strides = array<i32>} : memref<40x144xf32, #tpu.memory_space<vmem>>, vector<16xf32>,
        tpu.vector_store %arg14[%parallel_loop3A_209, %parallel_loop3A_210], %parallel_loop3A_208 {strides = array<i32>} : memref<40x144xf32, #tpu.memory_space<vmem>>, vector<16xf32>,
      } {sc.loop_unroll_factor = 4 : i64, sc.parallel_access}
      %run_scoped3A = arith.constant 1 : i32
      "tpu.region"() ({
        %run_scoped3A_130 = tpu.sem_alloc : memref<!tpu.dma_semaphore, #tpu.memory_space<semaphore_mem>>
        %dma_start3A_131 = arith.constant 0 : i32
        %dma_start3A_132 = tpu.memref_slice %arg8[%run_scoped3A, %dma_start3A_131] : memref<4x40xi32, #tpu.memory_space<vmem>> -> memref<1x40xi32, #tpu.memory_space<vmem>>
        %dma_start3A_133 = tpu.memref_squeeze %dma_start3A_132 : memref<1x40xi32, #tpu.memory_space<vmem>> -> memref<40xi32, #tpu.memory_space<vmem>>
        %dma_start3A_134 = arith.constant 0 : i32
        %dma_start3A_135 = arith.constant 0 : i32
        %dma_start3A_136 = tpu.memref_slice %arg7[%dma_start3A_134, %dma_start3A_135] : memref<10000x144xf32, #tpu.memory_space<vmem_shared>> -> memref<10000x144xf32, #tpu.memory_space<vmem_shared>>
        tpu.enqueue_indirect_dma source(%arg14 : memref<40x144xf32, #tpu.memory_space<vmem>>) target(%dma_start3A_136 : memref<10000x144xf32, #tpu.memory_space<vmem_shared>>) offsets(%dma_start3A_133 : memref<40xi32, #tpu.memory_space<vmem>>) semaphore(%run_scoped3A_130 : memref<!tpu.dma_semaphore, #tpu.memory_space<semaphore_mem>>) {add = true}
        %dma_wait3A_137 = arith.constant 0 : i32
        %dma_wait3A_138 = tpu.memref_slice %arg8[%run_scoped3A, %dma_wait3A_137] : memref<4x40xi32, #tpu.memory_space<vmem>> -> memref<1x40xi32, #tpu.memory_space<vmem>>
        %dma_wait3A_139 = tpu.memref_squeeze %dma_wait3A_138 : memref<1x40xi32, #tpu.memory_space<vmem>> -> memref<40xi32, #tpu.memory_space<vmem>>
        %dma_wait3A_140 = arith.constant 0 : i32
        %dma_wait3A_141 = arith.constant 0 : i32
        %dma_wait3A_142 = tpu.memref_slice %arg7[%dma_wait3A_140, %dma_wait3A_141] : memref<10000x144xf32, #tpu.memory_space<vmem_shared>> -> memref<10000x144xf32, #tpu.memory_space<vmem_shared>>
        tpu.wait_indirect_dma semaphore(%run_scoped3A_130 : memref<!tpu.dma_semaphore, #tpu.memory_space<semaphore_mem>>) src(%arg14 : memref<40x144xf32, #tpu.memory_space<vmem>>) dst(%dma_wait3A_142 : memref<10000x144xf32, #tpu.memory_space<vmem_shared>>)
        tpu.yield
      }) : () -> ()
      %add3A_88 = arith.addi %mul3A_4, %mul3A_48 : i32
      %add3A_89 = arith.constant 1 : i32
      %add3A_90 = arith.addi %add3A_88, %add3A_89 : i32
      %add3A_91 = arith.constant 1 : i32
      %add3A_92 = arith.addi %add3A_90, %add3A_91 : i32
      %min3A_93 = arith.constant 7999 : i32
      %min3A_94 = arith.minsi %add3A_92, %min3A_93 : i32
      "tpu.region"() ({
        %run_scoped3A_130 = tpu.sem_alloc : memref<!tpu.dma_semaphore, #tpu.memory_space<semaphore_mem>>
        %dma_start3A_131 = arith.constant 0 : i32
        %dma_start3A_132 = arith.constant 0 : i32
        %dma_start3A_133 = tpu.memref_slice %arg4[%min3A_94, %dma_start3A_131, %dma_start3A_132] : memref<8000x4x40xi32, #tpu.memory_space<hbm>> -> memref<1x4x40xi32, #tpu.memory_space<hbm>>
        %dma_start3A_134 = tpu.memref_squeeze %dma_start3A_133 : memref<1x4x40xi32, #tpu.memory_space<hbm>> -> memref<4x40xi32, #tpu.memory_space<hbm>>
        %dma_start3A_135 = arith.constant 0 : i32
        %dma_start3A_136 = arith.constant 0 : i32
        %dma_start3A_137 = tpu.memref_slice %arg4[%min3A_94, %dma_start3A_135, %dma_start3A_136] : memref<8000x4x40xi32, #tpu.memory_space<hbm>> -> memref<1x4x40xi32, #tpu.memory_space<hbm>>
        %dma_start3A_138 = tpu.memref_squeeze %dma_start3A_137 : memref<1x4x40xi32, #tpu.memory_space<hbm>> -> memref<4x40xi32, #tpu.memory_space<hbm>>
        tpu.enqueue_dma source(%dma_start3A_138 : memref<4x40xi32, #tpu.memory_space<hbm>>) target(%arg8 : memref<4x40xi32, #tpu.memory_space<vmem>>) target_semaphore(%run_scoped3A_130 : memref<!tpu.dma_semaphore, #tpu.memory_space<semaphore_mem>>)
        %dma_wait3A_139 = arith.constant 0 : i32
        %dma_wait3A_140 = arith.constant 0 : i32
        %dma_wait3A_141 = tpu.memref_slice %arg4[%min3A_94, %dma_wait3A_139, %dma_wait3A_140] : memref<8000x4x40xi32, #tpu.memory_space<hbm>> -> memref<1x4x40xi32, #tpu.memory_space<hbm>>
        %dma_wait3A_142 = tpu.memref_squeeze %dma_wait3A_141 : memref<1x4x40xi32, #tpu.memory_space<hbm>> -> memref<4x40xi32, #tpu.memory_space<hbm>>
        %dma_wait3A_143 = arith.constant 0 : i32
        %dma_wait3A_144 = arith.constant 0 : i32
        %dma_wait3A_145 = tpu.memref_slice %arg4[%min3A_94, %dma_wait3A_143, %dma_wait3A_144] : memref<8000x4x40xi32, #tpu.memory_space<hbm>> -> memref<1x4x40xi32, #tpu.memory_space<hbm>>
        %dma_wait3A_146 = tpu.memref_squeeze %dma_wait3A_145 : memref<1x4x40xi32, #tpu.memory_space<hbm>> -> memref<4x40xi32, #tpu.memory_space<hbm>>
        tpu.wait_dma2 semaphore(%run_scoped3A_130 : memref<!tpu.dma_semaphore, #tpu.memory_space<semaphore_mem>>) src(%dma_wait3A_146 : memref<4x40xi32, #tpu.memory_space<hbm>>) dst(%arg8 : memref<4x40xi32, #tpu.memory_space<vmem>>)
        tpu.yield
      }) : () -> ()
      %dma_start3A_95 = arith.constant 1 : i32
      %dma_start3A_96 = arith.constant 0 : i32
      %dma_start3A_97 = tpu.memref_slice %arg8[%dma_start3A_95, %dma_start3A_96] : memref<4x40xi32, #tpu.memory_space<vmem>> -> memref<1x40xi32, #tpu.memory_space<vmem>>
      %dma_start3A_98 = tpu.memref_squeeze %dma_start3A_97 : memref<1x40xi32, #tpu.memory_space<vmem>> -> memref<40xi32, #tpu.memory_space<vmem>>
      %dma_start3A_99 = arith.constant 0 : i32
      %dma_start3A_100 = arith.constant 0 : i32
      %dma_start3A_101 = tpu.memref_slice %arg2[%dma_start3A_99, %dma_start3A_100] : memref<10000x128xf32, #tpu.memory_space<hbm>> -> memref<10000x128xf32, #tpu.memory_space<hbm>>
      tpu.enqueue_indirect_dma source(%dma_start3A_101 : memref<10000x128xf32, #tpu.memory_space<hbm>>) target(%arg9 : memref<40x128xf32, #tpu.memory_space<vmem>>) offsets(%dma_start3A_98 : memref<40xi32, #tpu.memory_space<vmem>>) semaphore(%arg15 : memref<!tpu.dma_semaphore, #tpu.memory_space<semaphore_mem>>)
      %dma_start3A_102 = arith.constant 0 : i32
      %dma_start3A_103 = arith.constant 0 : i32
      %dma_start3A_104 = tpu.memref_slice %arg8[%dma_start3A_102, %dma_start3A_103] : memref<4x40xi32, #tpu.memory_space<vmem>> -> memref<1x40xi32, #tpu.memory_space<vmem>>
      %dma_start3A_105 = tpu.memref_squeeze %dma_start3A_104 : memref<1x40xi32, #tpu.memory_space<vmem>> -> memref<40xi32, #tpu.memory_space<vmem>>
      %dma_start3A_106 = arith.constant 0 : i32
      %dma_start3A_107 = arith.constant 0 : i32
      %dma_start3A_108 = tpu.memref_slice %arg3[%dma_start3A_106, %dma_start3A_107] : memref<10000x256xf32, #tpu.memory_space<hbm>> -> memref<10000x256xf32, #tpu.memory_space<hbm>>
      tpu.enqueue_indirect_dma source(%dma_start3A_108 : memref<10000x256xf32, #tpu.memory_space<hbm>>) target(%arg10 : memref<40x256xf32, #tpu.memory_space<vmem>>) offsets(%dma_start3A_105 : memref<40xi32, #tpu.memory_space<vmem>>) semaphore(%arg15 : memref<!tpu.dma_semaphore, #tpu.memory_space<semaphore_mem>>)
      %dma_wait3A_109 = arith.constant 1 : i32
      %dma_wait3A_110 = arith.constant 0 : i32
      %dma_wait3A_111 = tpu.memref_slice %arg11[%dma_wait3A_109, %dma_wait3A_110] : memref<4x40xi32, #tpu.memory_space<vmem>> -> memref<1x40xi32, #tpu.memory_space<vmem>>
      %dma_wait3A_112 = tpu.memref_squeeze %dma_wait3A_111 : memref<1x40xi32, #tpu.memory_space<vmem>> -> memref<40xi32, #tpu.memory_space<vmem>>
      %dma_wait3A_113 = arith.constant 0 : i32
      %dma_wait3A_114 = arith.constant 0 : i32
      %dma_wait3A_115 = tpu.memref_slice %arg2[%dma_wait3A_113, %dma_wait3A_114] : memref<10000x128xf32, #tpu.memory_space<hbm>> -> memref<10000x128xf32, #tpu.memory_space<hbm>>
      tpu.wait_indirect_dma semaphore(%arg16 : memref<!tpu.dma_semaphore, #tpu.memory_space<semaphore_mem>>) src(%dma_wait3A_115 : memref<10000x128xf32, #tpu.memory_space<hbm>>) dst(%arg12 : memref<40x128xf32, #tpu.memory_space<vmem>>)
      %dma_wait3A_116 = arith.constant 0 : i32
      %dma_wait3A_117 = arith.constant 0 : i32
      %dma_wait3A_118 = tpu.memref_slice %arg11[%dma_wait3A_116, %dma_wait3A_117] : memref<4x40xi32, #tpu.memory_space<vmem>> -> memref<1x40xi32, #tpu.memory_space<vmem>>
      %dma_wait3A_119 = tpu.memref_squeeze %dma_wait3A_118 : memref<1x40xi32, #tpu.memory_space<vmem>> -> memref<40xi32, #tpu.memory_space<vmem>>
      %dma_wait3A_120 = arith.constant 0 : i32
      %dma_wait3A_121 = arith.constant 0 : i32
      %dma_wait3A_122 = tpu.memref_slice %arg3[%dma_wait3A_120, %dma_wait3A_121] : memref<10000x256xf32, #tpu.memory_space<hbm>> -> memref<10000x256xf32, #tpu.memory_space<hbm>>
      tpu.wait_indirect_dma semaphore(%arg16 : memref<!tpu.dma_semaphore, #tpu.memory_space<semaphore_mem>>) src(%dma_wait3A_122 : memref<10000x256xf32, #tpu.memory_space<hbm>>) dst(%arg13 : memref<40x256xf32, #tpu.memory_space<vmem>>)
      %parallel_loop3A_123 = arith.constant 0 : i32
      %parallel_loop3A_124 = arith.constant 40 : i32
      %parallel_loop3A_125 = arith.constant 1 : i32
      scf.for %parallel_loop3A_130 = %parallel_loop3A_123 to %parallel_loop3A_124 step %parallel_loop3A_125  : i32 {
        %parallel_loop3A_131 = arith.constant 2 : i32
        %parallel_loop3A_132 = vector.broadcast %parallel_loop3A_131 : i32 to vector<16xi32>
        %parallel_loop3A_133 = vector.broadcast %parallel_loop3A_130 : i32 to vector<16xi32>
        %parallel_loop3A_134 = tpu.vector_load_idx %arg11[%parallel_loop3A_132, %parallel_loop3A_133] : memref<4x40xi32, #tpu.memory_space<vmem>>[vector<16xi32>, vector<16xi32>], vector<16xi32>,
        %parallel_loop3A_135 = vector.bitcast %parallel_loop3A_134 : vector<16xi32> to vector<16xf32>
        %parallel_loop3A_136 = arith.index_cast %parallel_loop3A_130 : i32 to index
        %parallel_loop3A_137 = arith.constant 0 : index
        %parallel_loop3A_138 = tpu.vector_load %arg12[%parallel_loop3A_136, %parallel_loop3A_137] {strides = array<i32>} : memref<40x128xf32, #tpu.memory_space<vmem>>, vector<16xf32>,
        %parallel_loop3A_139 = arith.index_cast %parallel_loop3A_130 : i32 to index
        %parallel_loop3A_140 = arith.constant 0 : index
        %parallel_loop3A_141 = tpu.vector_load %arg13[%parallel_loop3A_139, %parallel_loop3A_140] {strides = array<i32>} : memref<40x256xf32, #tpu.memory_space<vmem>>, vector<16xf32>,
        %parallel_loop3A_142 = arith.mulf %parallel_loop3A_138, %parallel_loop3A_141 : vector<16xf32>
        %parallel_loop3A_143 = arith.constant true
        %parallel_loop3A_144 = vector.broadcast %parallel_loop3A_143 : i1 to vector<16xi1>
        %parallel_loop3A_145 = tpu.scan <sum>, %parallel_loop3A_142 masked %parallel_loop3A_144 : vector<16xf32>, vector<16xi1> -> vector<16xf32>
        %parallel_loop3A_146 = vector.extract %parallel_loop3A_145[15] : f32 from vector<16xf32>
        %parallel_loop3A_147 = arith.constant 0 : i32
        %parallel_loop3A_148 = vector.broadcast %parallel_loop3A_147 : i32 to vector<16xi32>
        %parallel_loop3A_149 = arith.cmpi eq, %iota3A, %parallel_loop3A_148 : vector<16xi32>
        %parallel_loop3A_150 = arith.constant 0.000000e+00 : f32
        %parallel_loop3A_151 = vector.broadcast %parallel_loop3A_146 : f32 to vector<16xf32>
        %parallel_loop3A_152 = vector.broadcast %parallel_loop3A_150 : f32 to vector<16xf32>
        %parallel_loop3A_153 = arith.select %parallel_loop3A_149, %parallel_loop3A_151, %parallel_loop3A_152 : vector<16xi1>, vector<16xf32>
        %parallel_loop3A_154 = arith.index_cast %parallel_loop3A_130 : i32 to index
        %parallel_loop3A_155 = arith.constant 16 : index
        %parallel_loop3A_156 = tpu.vector_load %arg12[%parallel_loop3A_154, %parallel_loop3A_155] {strides = array<i32>} : memref<40x128xf32, #tpu.memory_space<vmem>>, vector<16xf32>,
        %parallel_loop3A_157 = arith.index_cast %parallel_loop3A_130 : i32 to index
        %parallel_loop3A_158 = arith.constant 16 : index
        %parallel_loop3A_159 = tpu.vector_load %arg13[%parallel_loop3A_157, %parallel_loop3A_158] {strides = array<i32>} : memref<40x256xf32, #tpu.memory_space<vmem>>, vector<16xf32>,
        %parallel_loop3A_160 = arith.mulf %parallel_loop3A_156, %parallel_loop3A_159 : vector<16xf32>
        %parallel_loop3A_161 = arith.constant true
        %parallel_loop3A_162 = vector.broadcast %parallel_loop3A_161 : i1 to vector<16xi1>
        %parallel_loop3A_163 = tpu.scan <sum>, %parallel_loop3A_160 masked %parallel_loop3A_162 : vector<16xf32>, vector<16xi1> -> vector<16xf32>
        %parallel_loop3A_164 = vector.extract %parallel_loop3A_163[15] : f32 from vector<16xf32>
        %parallel_loop3A_165 = arith.constant 1 : i32
        %parallel_loop3A_166 = vector.broadcast %parallel_loop3A_165 : i32 to vector<16xi32>
        %parallel_loop3A_167 = arith.cmpi eq, %iota3A, %parallel_loop3A_166 : vector<16xi32>
        %parallel_loop3A_168 = arith.constant 0.000000e+00 : f32
        %parallel_loop3A_169 = vector.broadcast %parallel_loop3A_164 : f32 to vector<16xf32>
        %parallel_loop3A_170 = vector.broadcast %parallel_loop3A_168 : f32 to vector<16xf32>
        %parallel_loop3A_171 = arith.select %parallel_loop3A_167, %parallel_loop3A_169, %parallel_loop3A_170 : vector<16xi1>, vector<16xf32>
        %parallel_loop3A_172 = arith.index_cast %parallel_loop3A_130 : i32 to index
        %parallel_loop3A_173 = arith.constant 32 : index
        %parallel_loop3A_174 = tpu.vector_load %arg12[%parallel_loop3A_172, %parallel_loop3A_173] {strides = array<i32>} : memref<40x128xf32, #tpu.memory_space<vmem>>, vector<16xf32>,
        %parallel_loop3A_175 = arith.index_cast %parallel_loop3A_130 : i32 to index
        %parallel_loop3A_176 = arith.constant 32 : index
        %parallel_loop3A_177 = tpu.vector_load %arg13[%parallel_loop3A_175, %parallel_loop3A_176] {strides = array<i32>} : memref<40x256xf32, #tpu.memory_space<vmem>>, vector<16xf32>,
        %parallel_loop3A_178 = arith.mulf %parallel_loop3A_174, %parallel_loop3A_177 : vector<16xf32>
        %parallel_loop3A_179 = arith.constant true
        %parallel_loop3A_180 = vector.broadcast %parallel_loop3A_179 : i1 to vector<16xi1>
        %parallel_loop3A_181 = tpu.scan <sum>, %parallel_loop3A_178 masked %parallel_loop3A_180 : vector<16xf32>, vector<16xi1> -> vector<16xf32>
        %parallel_loop3A_182 = vector.extract %parallel_loop3A_181[15] : f32 from vector<16xf32>
        %parallel_loop3A_183 = arith.constant 2 : i32
        %parallel_loop3A_184 = vector.broadcast %parallel_loop3A_183 : i32 to vector<16xi32>
        %parallel_loop3A_185 = arith.cmpi eq, %iota3A, %parallel_loop3A_184 : vector<16xi32>
        %parallel_loop3A_186 = arith.constant 0.000000e+00 : f32
        %parallel_loop3A_187 = vector.broadcast %parallel_loop3A_182 : f32 to vector<16xf32>
        %parallel_loop3A_188 = vector.broadcast %parallel_loop3A_186 : f32 to vector<16xf32>
        %parallel_loop3A_189 = arith.select %parallel_loop3A_185, %parallel_loop3A_187, %parallel_loop3A_188 : vector<16xi1>, vector<16xf32>
        %parallel_loop3A_190 = arith.index_cast %parallel_loop3A_130 : i32 to index
        %parallel_loop3A_191 = arith.constant 48 : index
        %parallel_loop3A_192 = tpu.vector_load %arg12[%parallel_loop3A_190, %parallel_loop3A_191] {strides = array<i32>} : memref<40x128xf32, #tpu.memory_space<vmem>>, vector<16xf32>,
        %parallel_loop3A_193 = arith.index_cast %parallel_loop3A_130 : i32 to index
        %parallel_loop3A_194 = arith.constant 48 : index
        %parallel_loop3A_195 = tpu.vector_load %arg13[%parallel_loop3A_193, %parallel_loop3A_194] {strides = array<i32>} : memref<40x256xf32, #tpu.memory_space<vmem>>, vector<16xf32>,
        %parallel_loop3A_196 = arith.mulf %parallel_loop3A_192, %parallel_loop3A_195 : vector<16xf32>
        %parallel_loop3A_197 = arith.constant true
        %parallel_loop3A_198 = vector.broadcast %parallel_loop3A_197 : i1 to vector<16xi1>
        %parallel_loop3A_199 = tpu.scan <sum>, %parallel_loop3A_196 masked %parallel_loop3A_198 : vector<16xf32>, vector<16xi1> -> vector<16xf32>
        %parallel_loop3A_200 = vector.extract %parallel_loop3A_199[15] : f32 from vector<16xf32>
        %parallel_loop3A_201 = arith.constant 3 : i32
        %parallel_loop3A_202 = vector.broadcast %parallel_loop3A_201 : i32 to vector<16xi32>
        %parallel_loop3A_203 = arith.cmpi eq, %iota3A, %parallel_loop3A_202 : vector<16xi32>
        %parallel_loop3A_204 = arith.constant 0.000000e+00 : f32
        %parallel_loop3A_205 = vector.broadcast %parallel_loop3A_200 : f32 to vector<16xf32>
        %parallel_loop3A_206 = vector.broadcast %parallel_loop3A_204 : f32 to vector<16xf32>
        %parallel_loop3A_207 = arith.select %parallel_loop3A_203, %parallel_loop3A_205, %parallel_loop3A_206 : vector<16xi1>, vector<16xf32>
        %parallel_loop3A_208 = arith.index_cast %parallel_loop3A_130 : i32 to index
        %parallel_loop3A_209 = arith.constant 64 : index
        %parallel_loop3A_210 = tpu.vector_load %arg12[%parallel_loop3A_208, %parallel_loop3A_209] {strides = array<i32>} : memref<40x128xf32, #tpu.memory_space<vmem>>, vector<16xf32>,
        %parallel_loop3A_211 = arith.index_cast %parallel_loop3A_130 : i32 to index
        %parallel_loop3A_212 = arith.constant 64 : index
        %parallel_loop3A_213 = tpu.vector_load %arg13[%parallel_loop3A_211, %parallel_loop3A_212] {strides = array<i32>} : memref<40x256xf32, #tpu.memory_space<vmem>>, vector<16xf32>,
        %parallel_loop3A_214 = arith.mulf %parallel_loop3A_210, %parallel_loop3A_213 : vector<16xf32>
        %parallel_loop3A_215 = arith.constant true
        %parallel_loop3A_216 = vector.broadcast %parallel_loop3A_215 : i1 to vector<16xi1>
        %parallel_loop3A_217 = tpu.scan <sum>, %parallel_loop3A_214 masked %parallel_loop3A_216 : vector<16xf32>, vector<16xi1> -> vector<16xf32>
        %parallel_loop3A_218 = vector.extract %parallel_loop3A_217[15] : f32 from vector<16xf32>
        %parallel_loop3A_219 = arith.constant 4 : i32
        %parallel_loop3A_220 = vector.broadcast %parallel_loop3A_219 : i32 to vector<16xi32>
        %parallel_loop3A_221 = arith.cmpi eq, %iota3A, %parallel_loop3A_220 : vector<16xi32>
        %parallel_loop3A_222 = arith.constant 0.000000e+00 : f32
        %parallel_loop3A_223 = vector.broadcast %parallel_loop3A_218 : f32 to vector<16xf32>
        %parallel_loop3A_224 = vector.broadcast %parallel_loop3A_222 : f32 to vector<16xf32>
        %parallel_loop3A_225 = arith.select %parallel_loop3A_221, %parallel_loop3A_223, %parallel_loop3A_224 : vector<16xi1>, vector<16xf32>
        %parallel_loop3A_226 = arith.index_cast %parallel_loop3A_130 : i32 to index
        %parallel_loop3A_227 = arith.constant 80 : index
        %parallel_loop3A_228 = tpu.vector_load %arg12[%parallel_loop3A_226, %parallel_loop3A_227] {strides = array<i32>} : memref<40x128xf32, #tpu.memory_space<vmem>>, vector<16xf32>,
        %parallel_loop3A_229 = arith.index_cast %parallel_loop3A_130 : i32 to index
        %parallel_loop3A_230 = arith.constant 80 : index
        %parallel_loop3A_231 = tpu.vector_load %arg13[%parallel_loop3A_229, %parallel_loop3A_230] {strides = array<i32>} : memref<40x256xf32, #tpu.memory_space<vmem>>, vector<16xf32>,
        %parallel_loop3A_232 = arith.mulf %parallel_loop3A_228, %parallel_loop3A_231 : vector<16xf32>
        %parallel_loop3A_233 = arith.constant true
        %parallel_loop3A_234 = vector.broadcast %parallel_loop3A_233 : i1 to vector<16xi1>
        %parallel_loop3A_235 = tpu.scan <sum>, %parallel_loop3A_232 masked %parallel_loop3A_234 : vector<16xf32>, vector<16xi1> -> vector<16xf32>
        %parallel_loop3A_236 = vector.extract %parallel_loop3A_235[15] : f32 from vector<16xf32>
        %parallel_loop3A_237 = arith.constant 5 : i32
        %parallel_loop3A_238 = vector.broadcast %parallel_loop3A_237 : i32 to vector<16xi32>
        %parallel_loop3A_239 = arith.cmpi eq, %iota3A, %parallel_loop3A_238 : vector<16xi32>
        %parallel_loop3A_240 = arith.constant 0.000000e+00 : f32
        %parallel_loop3A_241 = vector.broadcast %parallel_loop3A_236 : f32 to vector<16xf32>
        %parallel_loop3A_242 = vector.broadcast %parallel_loop3A_240 : f32 to vector<16xf32>
        %parallel_loop3A_243 = arith.select %parallel_loop3A_239, %parallel_loop3A_241, %parallel_loop3A_242 : vector<16xi1>, vector<16xf32>
        %parallel_loop3A_244 = arith.index_cast %parallel_loop3A_130 : i32 to index
        %parallel_loop3A_245 = arith.constant 96 : index
        %parallel_loop3A_246 = tpu.vector_load %arg12[%parallel_loop3A_244, %parallel_loop3A_245] {strides = array<i32>} : memref<40x128xf32, #tpu.memory_space<vmem>>, vector<16xf32>,
        %parallel_loop3A_247 = arith.index_cast %parallel_loop3A_130 : i32 to index
        %parallel_loop3A_248 = arith.constant 96 : index
        %parallel_loop3A_249 = tpu.vector_load %arg13[%parallel_loop3A_247, %parallel_loop3A_248] {strides = array<i32>} : memref<40x256xf32, #tpu.memory_space<vmem>>, vector<16xf32>,
        %parallel_loop3A_250 = arith.mulf %parallel_loop3A_246, %parallel_loop3A_249 : vector<16xf32>
        %parallel_loop3A_251 = arith.constant true
        %parallel_loop3A_252 = vector.broadcast %parallel_loop3A_251 : i1 to vector<16xi1>
        %parallel_loop3A_253 = tpu.scan <sum>, %parallel_loop3A_250 masked %parallel_loop3A_252 : vector<16xf32>, vector<16xi1> -> vector<16xf32>
        %parallel_loop3A_254 = vector.extract %parallel_loop3A_253[15] : f32 from vector<16xf32>
        %parallel_loop3A_255 = arith.constant 6 : i32
        %parallel_loop3A_256 = vector.broadcast %parallel_loop3A_255 : i32 to vector<16xi32>
        %parallel_loop3A_257 = arith.cmpi eq, %iota3A, %parallel_loop3A_256 : vector<16xi32>
        %parallel_loop3A_258 = arith.constant 0.000000e+00 : f32
        %parallel_loop3A_259 = vector.broadcast %parallel_loop3A_254 : f32 to vector<16xf32>
        %parallel_loop3A_260 = vector.broadcast %parallel_loop3A_258 : f32 to vector<16xf32>
        %parallel_loop3A_261 = arith.select %parallel_loop3A_257, %parallel_loop3A_259, %parallel_loop3A_260 : vector<16xi1>, vector<16xf32>
        %parallel_loop3A_262 = arith.index_cast %parallel_loop3A_130 : i32 to index
        %parallel_loop3A_263 = arith.constant 112 : index
        %parallel_loop3A_264 = tpu.vector_load %arg12[%parallel_loop3A_262, %parallel_loop3A_263] {strides = array<i32>} : memref<40x128xf32, #tpu.memory_space<vmem>>, vector<16xf32>,
        %parallel_loop3A_265 = arith.index_cast %parallel_loop3A_130 : i32 to index
        %parallel_loop3A_266 = arith.constant 112 : index
        %parallel_loop3A_267 = tpu.vector_load %arg13[%parallel_loop3A_265, %parallel_loop3A_266] {strides = array<i32>} : memref<40x256xf32, #tpu.memory_space<vmem>>, vector<16xf32>,
        %parallel_loop3A_268 = arith.mulf %parallel_loop3A_264, %parallel_loop3A_267 : vector<16xf32>
        %parallel_loop3A_269 = arith.constant true
        %parallel_loop3A_270 = vector.broadcast %parallel_loop3A_269 : i1 to vector<16xi1>
        %parallel_loop3A_271 = tpu.scan <sum>, %parallel_loop3A_268 masked %parallel_loop3A_270 : vector<16xf32>, vector<16xi1> -> vector<16xf32>
        %parallel_loop3A_272 = vector.extract %parallel_loop3A_271[15] : f32 from vector<16xf32>
        %parallel_loop3A_273 = arith.constant 7 : i32
        %parallel_loop3A_274 = vector.broadcast %parallel_loop3A_273 : i32 to vector<16xi32>
        %parallel_loop3A_275 = arith.cmpi eq, %iota3A, %parallel_loop3A_274 : vector<16xi32>
        %parallel_loop3A_276 = arith.constant 0.000000e+00 : f32
        %parallel_loop3A_277 = vector.broadcast %parallel_loop3A_272 : f32 to vector<16xf32>
        %parallel_loop3A_278 = vector.broadcast %parallel_loop3A_276 : f32 to vector<16xf32>
        %parallel_loop3A_279 = arith.select %parallel_loop3A_275, %parallel_loop3A_277, %parallel_loop3A_278 : vector<16xi1>, vector<16xf32>
        %parallel_loop3A_280 = arith.addf %parallel_loop3A_153, %parallel_loop3A_171 : vector<16xf32>
        %parallel_loop3A_281 = arith.addf %parallel_loop3A_189, %parallel_loop3A_207 : vector<16xf32>
        %parallel_loop3A_282 = arith.addf %parallel_loop3A_225, %parallel_loop3A_243 : vector<16xf32>
        %parallel_loop3A_283 = arith.addf %parallel_loop3A_261, %parallel_loop3A_279 : vector<16xf32>
        %parallel_loop3A_284 = arith.addf %parallel_loop3A_280, %parallel_loop3A_281 : vector<16xf32>
        %parallel_loop3A_285 = arith.addf %parallel_loop3A_282, %parallel_loop3A_283 : vector<16xf32>
        %parallel_loop3A_286 = arith.addf %parallel_loop3A_284, %parallel_loop3A_285 : vector<16xf32>
        %parallel_loop3A_287 = arith.mulf %parallel_loop3A_286, %parallel_loop3A_135 : vector<16xf32>
        %parallel_loop3A_288 = math.exp %parallel_loop3A_287 : vector<16xf32>
        %parallel_loop3A_289 = arith.index_cast %parallel_loop3A_130 : i32 to index
        %parallel_loop3A_290 = arith.constant 128 : index
        %parallel_loop3A_291 = tpu.vector_load %arg14[%parallel_loop3A_289, %parallel_loop3A_290] {strides = array<i32>} : memref<40x144xf32, #tpu.memory_space<vmem>>, vector<16xf32>,
        tpu.vector_store %arg14[%parallel_loop3A_289, %parallel_loop3A_290], %parallel_loop3A_288 {strides = array<i32>} : memref<40x144xf32, #tpu.memory_space<vmem>>, vector<16xf32>,
      } {sc.loop_unroll_factor = 4 : i64, sc.parallel_access}
      %parallel_loop3A_126 = arith.constant 0 : i32
      %parallel_loop3A_127 = arith.constant 40 : i32
      %parallel_loop3A_128 = arith.constant 1 : i32
      scf.for %parallel_loop3A_130 = %parallel_loop3A_126 to %parallel_loop3A_127 step %parallel_loop3A_128  : i32 {
        %parallel_loop3A_131 = vector.broadcast %parallel_loop3A_130 : i32 to vector<16xi32>
        %parallel_loop3A_132 = arith.constant 128 : i32
        %parallel_loop3A_133 = vector.broadcast %parallel_loop3A_132 : i32 to vector<16xi32>
        %parallel_loop3A_134 = tpu.vector_load_idx %arg14[%parallel_loop3A_131, %parallel_loop3A_133] : memref<40x144xf32, #tpu.memory_space<vmem>>[vector<16xi32>, vector<16xi32>], vector<16xf32>,
        %parallel_loop3A_135 = arith.index_cast %parallel_loop3A_130 : i32 to index
        %parallel_loop3A_136 = arith.constant 128 : index
        %parallel_loop3A_137 = tpu.vector_load %arg13[%parallel_loop3A_135, %parallel_loop3A_136] {strides = array<i32>} : memref<40x256xf32, #tpu.memory_space<vmem>>, vector<16xf32>,
        %parallel_loop3A_138 = arith.mulf %parallel_loop3A_137, %parallel_loop3A_134 : vector<16xf32>
        %parallel_loop3A_139 = arith.index_cast %parallel_loop3A_130 : i32 to index
        %parallel_loop3A_140 = arith.constant 0 : index
        %parallel_loop3A_141 = tpu.vector_load %arg14[%parallel_loop3A_139, %parallel_loop3A_140] {strides = array<i32>} : memref<40x144xf32, #tpu.memory_space<vmem>>, vector<16xf32>,
        tpu.vector_store %arg14[%parallel_loop3A_139, %parallel_loop3A_140], %parallel_loop3A_138 {strides = array<i32>} : memref<40x144xf32, #tpu.memory_space<vmem>>, vector<16xf32>,
        %parallel_loop3A_142 = arith.constant 129 : i32
        %parallel_loop3A_143 = vector.broadcast %parallel_loop3A_142 : i32 to vector<16xi32>
        %parallel_loop3A_144 = tpu.vector_load_idx %arg14[%parallel_loop3A_131, %parallel_loop3A_143] : memref<40x144xf32, #tpu.memory_space<vmem>>[vector<16xi32>, vector<16xi32>], vector<16xf32>,
        %parallel_loop3A_145 = arith.index_cast %parallel_loop3A_130 : i32 to index
        %parallel_loop3A_146 = arith.constant 144 : index
        %parallel_loop3A_147 = tpu.vector_load %arg13[%parallel_loop3A_145, %parallel_loop3A_146] {strides = array<i32>} : memref<40x256xf32, #tpu.memory_space<vmem>>, vector<16xf32>,
        %parallel_loop3A_148 = arith.mulf %parallel_loop3A_147, %parallel_loop3A_144 : vector<16xf32>
        %parallel_loop3A_149 = arith.index_cast %parallel_loop3A_130 : i32 to index
        %parallel_loop3A_150 = arith.constant 16 : index
        %parallel_loop3A_151 = tpu.vector_load %arg14[%parallel_loop3A_149, %parallel_loop3A_150] {strides = array<i32>} : memref<40x144xf32, #tpu.memory_space<vmem>>, vector<16xf32>,
        tpu.vector_store %arg14[%parallel_loop3A_149, %parallel_loop3A_150], %parallel_loop3A_148 {strides = array<i32>} : memref<40x144xf32, #tpu.memory_space<vmem>>, vector<16xf32>,
        %parallel_loop3A_152 = arith.constant 130 : i32
        %parallel_loop3A_153 = vector.broadcast %parallel_loop3A_152 : i32 to vector<16xi32>
        %parallel_loop3A_154 = tpu.vector_load_idx %arg14[%parallel_loop3A_131, %parallel_loop3A_153] : memref<40x144xf32, #tpu.memory_space<vmem>>[vector<16xi32>, vector<16xi32>], vector<16xf32>,
        %parallel_loop3A_155 = arith.index_cast %parallel_loop3A_130 : i32 to index
        %parallel_loop3A_156 = arith.constant 160 : index
        %parallel_loop3A_157 = tpu.vector_load %arg13[%parallel_loop3A_155, %parallel_loop3A_156] {strides = array<i32>} : memref<40x256xf32, #tpu.memory_space<vmem>>, vector<16xf32>,
        %parallel_loop3A_158 = arith.mulf %parallel_loop3A_157, %parallel_loop3A_154 : vector<16xf32>
        %parallel_loop3A_159 = arith.index_cast %parallel_loop3A_130 : i32 to index
        %parallel_loop3A_160 = arith.constant 32 : index
        %parallel_loop3A_161 = tpu.vector_load %arg14[%parallel_loop3A_159, %parallel_loop3A_160] {strides = array<i32>} : memref<40x144xf32, #tpu.memory_space<vmem>>, vector<16xf32>,
        tpu.vector_store %arg14[%parallel_loop3A_159, %parallel_loop3A_160], %parallel_loop3A_158 {strides = array<i32>} : memref<40x144xf32, #tpu.memory_space<vmem>>, vector<16xf32>,
        %parallel_loop3A_162 = arith.constant 131 : i32
        %parallel_loop3A_163 = vector.broadcast %parallel_loop3A_162 : i32 to vector<16xi32>
        %parallel_loop3A_164 = tpu.vector_load_idx %arg14[%parallel_loop3A_131, %parallel_loop3A_163] : memref<40x144xf32, #tpu.memory_space<vmem>>[vector<16xi32>, vector<16xi32>], vector<16xf32>,
        %parallel_loop3A_165 = arith.index_cast %parallel_loop3A_130 : i32 to index
        %parallel_loop3A_166 = arith.constant 176 : index
        %parallel_loop3A_167 = tpu.vector_load %arg13[%parallel_loop3A_165, %parallel_loop3A_166] {strides = array<i32>} : memref<40x256xf32, #tpu.memory_space<vmem>>, vector<16xf32>,
        %parallel_loop3A_168 = arith.mulf %parallel_loop3A_167, %parallel_loop3A_164 : vector<16xf32>
        %parallel_loop3A_169 = arith.index_cast %parallel_loop3A_130 : i32 to index
        %parallel_loop3A_170 = arith.constant 48 : index
        %parallel_loop3A_171 = tpu.vector_load %arg14[%parallel_loop3A_169, %parallel_loop3A_170] {strides = array<i32>} : memref<40x144xf32, #tpu.memory_space<vmem>>, vector<16xf32>,
        tpu.vector_store %arg14[%parallel_loop3A_169, %parallel_loop3A_170], %parallel_loop3A_168 {strides = array<i32>} : memref<40x144xf32, #tpu.memory_space<vmem>>, vector<16xf32>,
        %parallel_loop3A_172 = arith.constant 132 : i32
        %parallel_loop3A_173 = vector.broadcast %parallel_loop3A_172 : i32 to vector<16xi32>
        %parallel_loop3A_174 = tpu.vector_load_idx %arg14[%parallel_loop3A_131, %parallel_loop3A_173] : memref<40x144xf32, #tpu.memory_space<vmem>>[vector<16xi32>, vector<16xi32>], vector<16xf32>,
        %parallel_loop3A_175 = arith.index_cast %parallel_loop3A_130 : i32 to index
        %parallel_loop3A_176 = arith.constant 192 : index
        %parallel_loop3A_177 = tpu.vector_load %arg13[%parallel_loop3A_175, %parallel_loop3A_176] {strides = array<i32>} : memref<40x256xf32, #tpu.memory_space<vmem>>, vector<16xf32>,
        %parallel_loop3A_178 = arith.mulf %parallel_loop3A_177, %parallel_loop3A_174 : vector<16xf32>
        %parallel_loop3A_179 = arith.index_cast %parallel_loop3A_130 : i32 to index
        %parallel_loop3A_180 = arith.constant 64 : index
        %parallel_loop3A_181 = tpu.vector_load %arg14[%parallel_loop3A_179, %parallel_loop3A_180] {strides = array<i32>} : memref<40x144xf32, #tpu.memory_space<vmem>>, vector<16xf32>,
        tpu.vector_store %arg14[%parallel_loop3A_179, %parallel_loop3A_180], %parallel_loop3A_178 {strides = array<i32>} : memref<40x144xf32, #tpu.memory_space<vmem>>, vector<16xf32>,
        %parallel_loop3A_182 = arith.constant 133 : i32
        %parallel_loop3A_183 = vector.broadcast %parallel_loop3A_182 : i32 to vector<16xi32>
        %parallel_loop3A_184 = tpu.vector_load_idx %arg14[%parallel_loop3A_131, %parallel_loop3A_183] : memref<40x144xf32, #tpu.memory_space<vmem>>[vector<16xi32>, vector<16xi32>], vector<16xf32>,
        %parallel_loop3A_185 = arith.index_cast %parallel_loop3A_130 : i32 to index
        %parallel_loop3A_186 = arith.constant 208 : index
        %parallel_loop3A_187 = tpu.vector_load %arg13[%parallel_loop3A_185, %parallel_loop3A_186] {strides = array<i32>} : memref<40x256xf32, #tpu.memory_space<vmem>>, vector<16xf32>,
        %parallel_loop3A_188 = arith.mulf %parallel_loop3A_187, %parallel_loop3A_184 : vector<16xf32>
        %parallel_loop3A_189 = arith.index_cast %parallel_loop3A_130 : i32 to index
        %parallel_loop3A_190 = arith.constant 80 : index
        %parallel_loop3A_191 = tpu.vector_load %arg14[%parallel_loop3A_189, %parallel_loop3A_190] {strides = array<i32>} : memref<40x144xf32, #tpu.memory_space<vmem>>, vector<16xf32>,
        tpu.vector_store %arg14[%parallel_loop3A_189, %parallel_loop3A_190], %parallel_loop3A_188 {strides = array<i32>} : memref<40x144xf32, #tpu.memory_space<vmem>>, vector<16xf32>,
        %parallel_loop3A_192 = arith.constant 134 : i32
        %parallel_loop3A_193 = vector.broadcast %parallel_loop3A_192 : i32 to vector<16xi32>
        %parallel_loop3A_194 = tpu.vector_load_idx %arg14[%parallel_loop3A_131, %parallel_loop3A_193] : memref<40x144xf32, #tpu.memory_space<vmem>>[vector<16xi32>, vector<16xi32>], vector<16xf32>,
        %parallel_loop3A_195 = arith.index_cast %parallel_loop3A_130 : i32 to index
        %parallel_loop3A_196 = arith.constant 224 : index
        %parallel_loop3A_197 = tpu.vector_load %arg13[%parallel_loop3A_195, %parallel_loop3A_196] {strides = array<i32>} : memref<40x256xf32, #tpu.memory_space<vmem>>, vector<16xf32>,
        %parallel_loop3A_198 = arith.mulf %parallel_loop3A_197, %parallel_loop3A_194 : vector<16xf32>
        %parallel_loop3A_199 = arith.index_cast %parallel_loop3A_130 : i32 to index
        %parallel_loop3A_200 = arith.constant 96 : index
        %parallel_loop3A_201 = tpu.vector_load %arg14[%parallel_loop3A_199, %parallel_loop3A_200] {strides = array<i32>} : memref<40x144xf32, #tpu.memory_space<vmem>>, vector<16xf32>,
        tpu.vector_store %arg14[%parallel_loop3A_199, %parallel_loop3A_200], %parallel_loop3A_198 {strides = array<i32>} : memref<40x144xf32, #tpu.memory_space<vmem>>, vector<16xf32>,
        %parallel_loop3A_202 = arith.constant 135 : i32
        %parallel_loop3A_203 = vector.broadcast %parallel_loop3A_202 : i32 to vector<16xi32>
        %parallel_loop3A_204 = tpu.vector_load_idx %arg14[%parallel_loop3A_131, %parallel_loop3A_203] : memref<40x144xf32, #tpu.memory_space<vmem>>[vector<16xi32>, vector<16xi32>], vector<16xf32>,
        %parallel_loop3A_205 = arith.index_cast %parallel_loop3A_130 : i32 to index
        %parallel_loop3A_206 = arith.constant 240 : index
        %parallel_loop3A_207 = tpu.vector_load %arg13[%parallel_loop3A_205, %parallel_loop3A_206] {strides = array<i32>} : memref<40x256xf32, #tpu.memory_space<vmem>>, vector<16xf32>,
        %parallel_loop3A_208 = arith.mulf %parallel_loop3A_207, %parallel_loop3A_204 : vector<16xf32>
        %parallel_loop3A_209 = arith.index_cast %parallel_loop3A_130 : i32 to index
        %parallel_loop3A_210 = arith.constant 112 : index
        %parallel_loop3A_211 = tpu.vector_load %arg14[%parallel_loop3A_209, %parallel_loop3A_210] {strides = array<i32>} : memref<40x144xf32, #tpu.memory_space<vmem>>, vector<16xf32>,
        tpu.vector_store %arg14[%parallel_loop3A_209, %parallel_loop3A_210], %parallel_loop3A_208 {strides = array<i32>} : memref<40x144xf32, #tpu.memory_space<vmem>>, vector<16xf32>,
      } {sc.loop_unroll_factor = 4 : i64, sc.parallel_access}
      %run_scoped3A_129 = arith.constant 1 : i32
      "tpu.region"() ({
        %run_scoped3A_130 = tpu.sem_alloc : memref<!tpu.dma_semaphore, #tpu.memory_space<semaphore_mem>>
        %dma_start3A_131 = arith.constant 0 : i32
        %dma_start3A_132 = tpu.memref_slice %arg11[%run_scoped3A_129, %dma_start3A_131] : memref<4x40xi32, #tpu.memory_space<vmem>> -> memref<1x40xi32, #tpu.memory_space<vmem>>
        %dma_start3A_133 = tpu.memref_squeeze %dma_start3A_132 : memref<1x40xi32, #tpu.memory_space<vmem>> -> memref<40xi32, #tpu.memory_space<vmem>>
        %dma_start3A_134 = arith.constant 0 : i32
        %dma_start3A_135 = arith.constant 0 : i32
        %dma_start3A_136 = tpu.memref_slice %arg7[%dma_start3A_134, %dma_start3A_135] : memref<10000x144xf32, #tpu.memory_space<vmem_shared>> -> memref<10000x144xf32, #tpu.memory_space<vmem_shared>>
        tpu.enqueue_indirect_dma source(%arg14 : memref<40x144xf32, #tpu.memory_space<vmem>>) target(%dma_start3A_136 : memref<10000x144xf32, #tpu.memory_space<vmem_shared>>) offsets(%dma_start3A_133 : memref<40xi32, #tpu.memory_space<vmem>>) semaphore(%run_scoped3A_130 : memref<!tpu.dma_semaphore, #tpu.memory_space<semaphore_mem>>) {add = true}
        %dma_wait3A_137 = arith.constant 0 : i32
        %dma_wait3A_138 = tpu.memref_slice %arg11[%run_scoped3A_129, %dma_wait3A_137] : memref<4x40xi32, #tpu.memory_space<vmem>> -> memref<1x40xi32, #tpu.memory_space<vmem>>
        %dma_wait3A_139 = tpu.memref_squeeze %dma_wait3A_138 : memref<1x40xi32, #tpu.memory_space<vmem>> -> memref<40xi32, #tpu.memory_space<vmem>>
        %dma_wait3A_140 = arith.constant 0 : i32
        %dma_wait3A_141 = arith.constant 0 : i32
        %dma_wait3A_142 = tpu.memref_slice %arg7[%dma_wait3A_140, %dma_wait3A_141] : memref<10000x144xf32, #tpu.memory_space<vmem_shared>> -> memref<10000x144xf32, #tpu.memory_space<vmem_shared>>
        tpu.wait_indirect_dma semaphore(%run_scoped3A_130 : memref<!tpu.dma_semaphore, #tpu.memory_space<semaphore_mem>>) src(%arg14 : memref<40x144xf32, #tpu.memory_space<vmem>>) dst(%dma_wait3A_142 : memref<10000x144xf32, #tpu.memory_space<vmem_shared>>)
        tpu.yield
      }) : () -> ()
    }
    %scan3A_22 = arith.constant 125 : i32
    %dma_wait3A = arith.constant 1 : i32
    %dma_wait3A_23 = arith.constant 0 : i32
    %dma_wait3A_24 = tpu.memref_slice %arg8[%dma_wait3A, %dma_wait3A_23] : memref<4x40xi32, #tpu.memory_space<vmem>> -> memref<1x40xi32, #tpu.memory_space<vmem>>
    %dma_wait3A_25 = tpu.memref_squeeze %dma_wait3A_24 : memref<1x40xi32, #tpu.memory_space<vmem>> -> memref<40xi32, #tpu.memory_space<vmem>>
    %dma_wait3A_26 = arith.constant 0 : i32
    %dma_wait3A_27 = arith.constant 0 : i32
    %dma_wait3A_28 = tpu.memref_slice %arg2[%dma_wait3A_26, %dma_wait3A_27] : memref<10000x128xf32, #tpu.memory_space<hbm>> -> memref<10000x128xf32, #tpu.memory_space<hbm>>
    tpu.wait_indirect_dma semaphore(%arg15 : memref<!tpu.dma_semaphore, #tpu.memory_space<semaphore_mem>>) src(%dma_wait3A_28 : memref<10000x128xf32, #tpu.memory_space<hbm>>) dst(%arg9 : memref<40x128xf32, #tpu.memory_space<vmem>>)
    %dma_wait3A_29 = arith.constant 0 : i32
    %dma_wait3A_30 = arith.constant 0 : i32
    %dma_wait3A_31 = tpu.memref_slice %arg8[%dma_wait3A_29, %dma_wait3A_30] : memref<4x40xi32, #tpu.memory_space<vmem>> -> memref<1x40xi32, #tpu.memory_space<vmem>>
    %dma_wait3A_32 = tpu.memref_squeeze %dma_wait3A_31 : memref<1x40xi32, #tpu.memory_space<vmem>> -> memref<40xi32, #tpu.memory_space<vmem>>
    %dma_wait3A_33 = arith.constant 0 : i32
    %dma_wait3A_34 = arith.constant 0 : i32
    %dma_wait3A_35 = tpu.memref_slice %arg3[%dma_wait3A_33, %dma_wait3A_34] : memref<10000x256xf32, #tpu.memory_space<hbm>> -> memref<10000x256xf32, #tpu.memory_space<hbm>>
    tpu.wait_indirect_dma semaphore(%arg15 : memref<!tpu.dma_semaphore, #tpu.memory_space<semaphore_mem>>) src(%dma_wait3A_35 : memref<10000x256xf32, #tpu.memory_space<hbm>>) dst(%arg10 : memref<40x256xf32, #tpu.memory_space<vmem>>)
    %barrier3A_36 = arith.constant 0 : index
    tpu.barrier barrier_id(%barrier3A_36)
    %mul3A_37 = arith.constant 624 : i32
    %mul3A_38 = arith.muli %arg1, %mul3A_37 : i32
    %mul3A_39 = arith.constant 624 : i32
    %mul3A_40 = arith.muli %arg1, %mul3A_39 : i32
    "tpu.region"() ({
      %run_scoped3A = tpu.sem_alloc : memref<!tpu.dma_semaphore, #tpu.memory_space<semaphore_mem>>
      %dma_start3A_46 = arith.constant 0 : i32
      %dma_start3A_47 = tpu.memref_slice %arg6[%arg0, %mul3A_40, %dma_start3A_46] : memref<2x10000x144xf32, #tpu.memory_space<hbm>> -> memref<1x624x144xf32, #tpu.memory_space<hbm>>
      %dma_start3A_48 = tpu.memref_squeeze %dma_start3A_47 : memref<1x624x144xf32, #tpu.memory_space<hbm>> -> memref<624x144xf32, #tpu.memory_space<hbm>>
      %dma_start3A_49 = arith.constant 0 : i32
      %dma_start3A_50 = tpu.memref_slice %arg7[%mul3A_38, %dma_start3A_49] : memref<10000x144xf32, #tpu.memory_space<vmem_shared>> -> memref<624x144xf32, #tpu.memory_space<vmem_shared>>
      tpu.enqueue_dma source(%dma_start3A_50 : memref<624x144xf32, #tpu.memory_space<vmem_shared>>) target(%dma_start3A_48 : memref<624x144xf32, #tpu.memory_space<hbm>>) target_semaphore(%run_scoped3A : memref<!tpu.dma_semaphore, #tpu.memory_space<semaphore_mem>>)
      %dma_wait3A_51 = arith.constant 0 : i32
      %dma_wait3A_52 = tpu.memref_slice %arg6[%arg0, %mul3A_40, %dma_wait3A_51] : memref<2x10000x144xf32, #tpu.memory_space<hbm>> -> memref<1x624x144xf32, #tpu.memory_space<hbm>>
      %dma_wait3A_53 = tpu.memref_squeeze %dma_wait3A_52 : memref<1x624x144xf32, #tpu.memory_space<hbm>> -> memref<624x144xf32, #tpu.memory_space<hbm>>
      %dma_wait3A_54 = arith.constant 0 : i32
      %dma_wait3A_55 = tpu.memref_slice %arg7[%mul3A_38, %dma_wait3A_54] : memref<10000x144xf32, #tpu.memory_space<vmem_shared>> -> memref<624x144xf32, #tpu.memory_space<vmem_shared>>
      tpu.wait_dma2 semaphore(%run_scoped3A : memref<!tpu.dma_semaphore, #tpu.memory_space<semaphore_mem>>) src(%dma_wait3A_55 : memref<624x144xf32, #tpu.memory_space<vmem_shared>>) dst(%dma_wait3A_53 : memref<624x144xf32, #tpu.memory_space<hbm>>)
      tpu.yield
    }) : () -> ()
    %eq3A_41 = arith.constant 0 : i32
    %eq3A_42 = arith.cmpi eq, %arg1, %eq3A_41 : i32
    %convert_element_type3A_43 = arith.extui %eq3A_42 : i1 to i32
    %cond3A_44 = arith.constant 0 : i32
    %cond3A_45 = arith.cmpi ne, %convert_element_type3A_43, %cond3A_44 : i32
    scf.if %cond3A_45 {
      "tpu.region"() ({
        %run_scoped3A = tpu.sem_alloc : memref<!tpu.dma_semaphore, #tpu.memory_space<semaphore_mem>>
        %dma_start3A_46 = arith.constant 9984 : i32
        %dma_start3A_47 = arith.constant 0 : i32
        %dma_start3A_48 = tpu.memref_slice %arg6[%arg0, %dma_start3A_46, %dma_start3A_47] : memref<2x10000x144xf32, #tpu.memory_space<hbm>> -> memref<1x16x144xf32, #tpu.memory_space<hbm>>
        %dma_start3A_49 = tpu.memref_squeeze %dma_start3A_48 : memref<1x16x144xf32, #tpu.memory_space<hbm>> -> memref<16x144xf32, #tpu.memory_space<hbm>>
        %dma_start3A_50 = arith.constant 9984 : i32
        %dma_start3A_51 = arith.constant 0 : i32
        %dma_start3A_52 = tpu.memref_slice %arg7[%dma_start3A_50, %dma_start3A_51] : memref<10000x144xf32, #tpu.memory_space<vmem_shared>> -> memref<16x144xf32, #tpu.memory_space<vmem_shared>>
        tpu.enqueue_dma source(%dma_start3A_52 : memref<16x144xf32, #tpu.memory_space<vmem_shared>>) target(%dma_start3A_49 : memref<16x144xf32, #tpu.memory_space<hbm>>) target_semaphore(%run_scoped3A : memref<!tpu.dma_semaphore, #tpu.memory_space<semaphore_mem>>)
        %dma_wait3A_53 = arith.constant 9984 : i32
        %dma_wait3A_54 = arith.constant 0 : i32
        %dma_wait3A_55 = tpu.memref_slice %arg6[%arg0, %dma_wait3A_53, %dma_wait3A_54] : memref<2x10000x144xf32, #tpu.memory_space<hbm>> -> memref<1x16x144xf32, #tpu.memory_space<hbm>>
        %dma_wait3A_56 = tpu.memref_squeeze %dma_wait3A_55 : memref<1x16x144xf32, #tpu.memory_space<hbm>> -> memref<16x144xf32, #tpu.memory_space<hbm>>
        %dma_wait3A_57 = arith.constant 9984 : i32
        %dma_wait3A_58 = arith.constant 0 : i32
        %dma_wait3A_59 = tpu.memref_slice %arg7[%dma_wait3A_57, %dma_wait3A_58] : memref<10000x144xf32, #tpu.memory_space<vmem_shared>> -> memref<16x144xf32, #tpu.memory_space<vmem_shared>>
        tpu.wait_dma2 semaphore(%run_scoped3A : memref<!tpu.dma_semaphore, #tpu.memory_space<semaphore_mem>>) src(%dma_wait3A_59 : memref<16x144xf32, #tpu.memory_space<vmem_shared>>) dst(%dma_wait3A_56 : memref<16x144xf32, #tpu.memory_space<hbm>>)
        tpu.yield
      }) : () -> ()
    } else {
    }
    return
  }
}

module attributes {stable_mosaic.version = 14 : i64} {
  func.func @_tc_qkv(%arg0: i32, %arg1: memref<1000x128xf32, #tpu.memory_space<vmem>>, %arg2: memref<128x384xf32, #tpu.memory_space<vmem>>, %arg3: memref<1x384xf32, #tpu.memory_space<vmem>>, %arg4: memref<1000x128xf32, #tpu.memory_space<vmem>>, %arg5: memref<1000x256xf32, #tpu.memory_space<vmem>>) attributes {dimension_semantics = [#tpu.dimension_semantics<arbitrary>], iteration_bounds = array<i64: 10>, scalar_prefetch = 0 : i64, scratch_operands = 0 : i64, tpu.core_type = #tpu.core_type<tc>, window_params = [{transform_indices = @transform_0, window_bounds = array<i64: 1000, 128>}, {pipeline_mode = #tpu.pipeline_mode<synchronous>, transform_indices = @transform_1, window_bounds = array<i64: 128, 384>}, {pipeline_mode = #tpu.pipeline_mode<synchronous>, transform_indices = @transform_2, window_bounds = array<i64: 1, 384>}, {transform_indices = @transform_3, window_bounds = array<i64: 1000, 128>}, {transform_indices = @transform_4, window_bounds = array<i64: 1000, 256>}]} {
    %get3A = arith.constant 0 : index
    %get3A_0 = arith.constant 0 : index
    %get3A_1 = vector.load %arg1[%get3A, %get3A_0] : memref<1000x128xf32, #tpu.memory_space<vmem>>, vector<1000x128xf32>
    %get3A_2 = arith.constant 0 : index
    %get3A_3 = arith.constant 0 : index
    %get3A_4 = vector.load %arg2[%get3A_2, %get3A_3] : memref<128x384xf32, #tpu.memory_space<vmem>>, vector<128x384xf32>
    %dot_general3A = arith.constant dense<0.000000e+00> : vector<1000x384xf32>
    %dot_general3A_5 = tpu.matmul %get3A_1, %get3A_4, %dot_general3A {dimension_numbers = #tpu.dot_dimension_numbers<[1], [0], [0], [1], [0, 0, 1, 1], [], []>, transpose_lhs_hint = false} : vector<1000x128xf32>, vector<128x384xf32>, vector<1000x384xf32> -> vector<1000x384xf32>
    %get3A_6 = arith.constant 0 : index
    %get3A_7 = arith.constant 0 : index
    %get3A_8 = vector.load %arg3[%get3A_6, %get3A_7] : memref<1x384xf32, #tpu.memory_space<vmem>>, vector<1x384xf32>
    %add3A = vector.broadcast %get3A_8 : vector<1x384xf32> to vector<1000x384xf32>
    %add3A_9 = arith.addf %dot_general3A_5, %add3A : vector<1000x384xf32>
    %slice3A = vector.extract_strided_slice %add3A_9 {offsets = [0, 0], sizes = [1000, 128], strides = [1, 1]} : vector<1000x384xf32> to vector<1000x128xf32>
    %swap3A = arith.constant 0 : index
    %swap3A_10 = arith.constant 0 : index
    %swap3A_11 = vector.load %arg4[%swap3A, %swap3A_10] : memref<1000x128xf32, #tpu.memory_space<vmem>>, vector<1000x128xf32>
    tpu.vector_store %arg4[%swap3A, %swap3A_10], %slice3A {strides = array<i32>} : memref<1000x128xf32, #tpu.memory_space<vmem>>, vector<1000x128xf32>,
    %slice3A_12 = vector.extract_strided_slice %add3A_9 {offsets = [0, 128], sizes = [1000, 256], strides = [1, 1]} : vector<1000x384xf32> to vector<1000x256xf32>
    %swap3A_13 = arith.constant 0 : index
    %swap3A_14 = arith.constant 0 : index
    %swap3A_15 = vector.load %arg5[%swap3A_13, %swap3A_14] : memref<1000x256xf32, #tpu.memory_space<vmem>>, vector<1000x256xf32>
    tpu.vector_store %arg5[%swap3A_13, %swap3A_14], %slice3A_12 {strides = array<i32>} : memref<1000x256xf32, #tpu.memory_space<vmem>>, vector<1000x256xf32>,
    return
  }
  func.func @transform_0(%arg0: i32) -> (i32, i32) {
    %c0_i32 = arith.constant 0 : i32
    %c0_i32_0 = arith.constant 0 : i32
    return %arg0, %c0_i32 : i32, i32
  }
  func.func @transform_1(%arg0: i32) -> (i32, i32) {
    %c0_i32 = arith.constant 0 : i32
    %c0_i32_0 = arith.constant 0 : i32
    %c0_i32_1 = arith.constant 0 : i32
    return %c0_i32, %c0_i32_0 : i32, i32
  }
  func.func @transform_2(%arg0: i32) -> (i32, i32) {
    %c0_i32 = arith.constant 0 : i32
    %c0_i32_0 = arith.constant 0 : i32
    %c0_i32_1 = arith.constant 0 : i32
    return %c0_i32, %c0_i32_0 : i32, i32
  }
  func.func @transform_3(%arg0: i32) -> (i32, i32) {
    %c0_i32 = arith.constant 0 : i32
    %c0_i32_0 = arith.constant 0 : i32
    return %arg0, %c0_i32 : i32, i32
  }
  func.func @transform_4(%arg0: i32) -> (i32, i32) {
    %c0_i32 = arith.constant 0 : i32
    %c0_i32_0 = arith.constant 0 : i32
    return %arg0, %c0_i32 : i32, i32
  }
}

module attributes {stable_mosaic.version = 14 : i64} {
  func.func @_tc_out(%arg0: i32, %arg1: memref<2x1000x144xf32, #tpu.memory_space<vmem>>, %arg2: memref<1000x128xf32, #tpu.memory_space<vmem>>, %arg3: memref<128x128xf32, #tpu.memory_space<vmem>>, %arg4: memref<1x128xf32, #tpu.memory_space<vmem>>, %arg5: memref<1x128xf32, #tpu.memory_space<vmem>>, %arg6: memref<1000x128xf32, #tpu.memory_space<vmem>>) attributes {dimension_semantics = [#tpu.dimension_semantics<arbitrary>], iteration_bounds = array<i64: 10>, scalar_prefetch = 0 : i64, scratch_operands = 0 : i64, tpu.core_type = #tpu.core_type<tc>, window_params = [{transform_indices = @transform_0, window_bounds = array<i64: 2, 1000, 144>}, {transform_indices = @transform_1, window_bounds = array<i64: 1000, 128>}, {pipeline_mode = #tpu.pipeline_mode<synchronous>, transform_indices = @transform_2, window_bounds = array<i64: 128, 128>}, {pipeline_mode = #tpu.pipeline_mode<synchronous>, transform_indices = @transform_3, window_bounds = array<i64: 1, 128>}, {pipeline_mode = #tpu.pipeline_mode<synchronous>, transform_indices = @transform_4, window_bounds = array<i64: 1, 128>}, {transform_indices = @transform_5, window_bounds = array<i64: 1000, 128>}]} {
    %get3A = arith.constant 0 : index
    %get3A_0 = arith.constant 0 : index
    %get3A_1 = arith.constant 0 : index
    %get3A_2 = vector.load %arg1[%get3A, %get3A_0, %get3A_1] : memref<2x1000x144xf32, #tpu.memory_space<vmem>>, vector<1x1000x144xf32>
    %get3A_3 = vector.shape_cast %get3A_2 : vector<1x1000x144xf32> to vector<1000x144xf32>
    %get3A_4 = arith.constant 1 : index
    %get3A_5 = arith.constant 0 : index
    %get3A_6 = arith.constant 0 : index
    %get3A_7 = vector.load %arg1[%get3A_4, %get3A_5, %get3A_6] : memref<2x1000x144xf32, #tpu.memory_space<vmem>>, vector<1x1000x144xf32>
    %get3A_8 = vector.shape_cast %get3A_7 : vector<1x1000x144xf32> to vector<1000x144xf32>
    %slice3A = vector.extract_strided_slice %get3A_3 {offsets = [0, 0], sizes = [1000, 128], strides = [1, 1]} : vector<1000x144xf32> to vector<1000x128xf32>
    %slice3A_9 = vector.extract_strided_slice %get3A_8 {offsets = [0, 0], sizes = [1000, 128], strides = [1, 1]} : vector<1000x144xf32> to vector<1000x128xf32>
    %add3A = arith.addf %slice3A, %slice3A_9 : vector<1000x128xf32>
    %slice3A_10 = vector.extract_strided_slice %get3A_3 {offsets = [0, 128], sizes = [1000, 16], strides = [1, 1]} : vector<1000x144xf32> to vector<1000x16xf32>
    %slice3A_11 = vector.extract_strided_slice %get3A_8 {offsets = [0, 128], sizes = [1000, 16], strides = [1, 1]} : vector<1000x144xf32> to vector<1000x16xf32>
    %add3A_12 = arith.addf %slice3A_10, %slice3A_11 : vector<1000x16xf32>
    %max3A = arith.constant 9.99999996E-13 : f32
    %max3A_13 = vector.broadcast %max3A : f32 to vector<1000x16xf32>
    %max3A_14 = arith.maximumf %add3A_12, %max3A_13 : vector<1000x16xf32>
    %div3A = arith.constant 1.000000e+00 : f32
    %div3A_15 = vector.broadcast %div3A : f32 to vector<1000x16xf32>
    %div3A_16 = arith.divf %div3A_15, %max3A_14 : vector<1000x16xf32>
    %iota3A = tpu.iota {dimensions = array<i32: 1>} : vector<16x128xi32>
    %jit3A = arith.constant 16 : i32
    %div3A_17 = vector.broadcast %jit3A : i32 to vector<16x128xi32>
    %div3A_18 = arith.divsi %iota3A, %div3A_17 : vector<16x128xi32>
    %sign3A = arith.constant 0 : i32
    %sign3A_19 = vector.broadcast %sign3A : i32 to vector<16x128xi32>
    %sign3A_20 = arith.cmpi sgt, %iota3A, %sign3A_19 : vector<16x128xi32>
    %sign3A_21 = arith.extui %sign3A_20 : vector<16x128xi1> to vector<16x128xi32>
    %sign3A_22 = arith.constant 0 : i32
    %sign3A_23 = vector.broadcast %sign3A_22 : i32 to vector<16x128xi32>
    %sign3A_24 = arith.cmpi slt, %iota3A, %sign3A_23 : vector<16x128xi32>
    %sign3A_25 = arith.extui %sign3A_24 : vector<16x128xi1> to vector<16x128xi32>
    %sign3A_26 = arith.subi %sign3A_21, %sign3A_25 : vector<16x128xi32>
    %sign3A_27 = arith.constant 0 : i32
    %sign3A_28 = arith.cmpi sgt, %jit3A, %sign3A_27 : i32
    %sign3A_29 = arith.extui %sign3A_28 : i1 to i32
    %sign3A_30 = arith.constant 0 : i32
    %sign3A_31 = arith.cmpi slt, %jit3A, %sign3A_30 : i32
    %sign3A_32 = arith.extui %sign3A_31 : i1 to i32
    %sign3A_33 = arith.subi %sign3A_29, %sign3A_32 : i32
    %ne3A = vector.broadcast %sign3A_33 : i32 to vector<16x128xi32>
    %ne3A_34 = arith.cmpi ne, %sign3A_26, %ne3A : vector<16x128xi32>
    %rem3A = vector.broadcast %jit3A : i32 to vector<16x128xi32>
    %rem3A_35 = arith.remsi %iota3A, %rem3A : vector<16x128xi32>
    %ne3A_36 = arith.constant 0 : i32
    %ne3A_37 = vector.broadcast %ne3A_36 : i32 to vector<16x128xi32>
    %ne3A_38 = arith.cmpi ne, %rem3A_35, %ne3A_37 : vector<16x128xi32>
    %and3A = arith.andi %ne3A_34, %ne3A_38 : vector<16x128xi1>
    %sub3A = arith.constant 1 : i32
    %sub3A_39 = vector.broadcast %sub3A : i32 to vector<16x128xi32>
    %sub3A_40 = arith.subi %div3A_18, %sub3A_39 : vector<16x128xi32>
    %select_n3A = arith.select %and3A, %sub3A_40, %div3A_18 : vector<16x128xi1>, vector<16x128xi32>
    %iota3A_41 = tpu.iota {dimensions = array<i32: 0>} : vector<16x128xi32>
    %eq3A = arith.cmpi eq, %select_n3A, %iota3A_41 : vector<16x128xi32>
    %convert_element_type3A = arith.extui %eq3A : vector<16x128xi1> to vector<16x128xi32>
    %convert_element_type3A_42 = arith.sitofp %convert_element_type3A : vector<16x128xi32> to vector<16x128xf32>
    %dot_general3A = arith.constant dense<0.000000e+00> : vector<1000x128xf32>
    %dot_general3A_43 = tpu.matmul %div3A_16, %convert_element_type3A_42, %dot_general3A {dimension_numbers = #tpu.dot_dimension_numbers<[1], [0], [0], [1], [0, 0, 1, 1], [], []>, transpose_lhs_hint = false} : vector<1000x16xf32>, vector<16x128xf32>, vector<1000x128xf32> -> vector<1000x128xf32>
    %mul3A = arith.mulf %add3A, %dot_general3A_43 : vector<1000x128xf32>
    %get3A_44 = arith.constant 0 : index
    %get3A_45 = arith.constant 0 : index
    %get3A_46 = vector.load %arg3[%get3A_44, %get3A_45] : memref<128x128xf32, #tpu.memory_space<vmem>>, vector<128x128xf32>
    %dot_general3A_47 = arith.constant dense<0.000000e+00> : vector<1000x128xf32>
    %dot_general3A_48 = tpu.matmul %mul3A, %get3A_46, %dot_general3A_47 {dimension_numbers = #tpu.dot_dimension_numbers<[1], [0], [0], [1], [0, 0, 1, 1], [], []>, transpose_lhs_hint = false} : vector<1000x128xf32>, vector<128x128xf32>, vector<1000x128xf32> -> vector<1000x128xf32>
    %get3A_49 = arith.constant 0 : index
    %get3A_50 = arith.constant 0 : index
    %get3A_51 = vector.load %arg4[%get3A_49, %get3A_50] : memref<1x128xf32, #tpu.memory_space<vmem>>, vector<1x128xf32>
    %add3A_52 = vector.broadcast %get3A_51 : vector<1x128xf32> to vector<1000x128xf32>
    %add3A_53 = arith.addf %dot_general3A_48, %add3A_52 : vector<1000x128xf32>
    %get3A_54 = arith.constant 0 : index
    %get3A_55 = arith.constant 0 : index
    %get3A_56 = vector.load %arg5[%get3A_54, %get3A_55] : memref<1x128xf32, #tpu.memory_space<vmem>>, vector<1x128xf32>
    %mul3A_57 = vector.broadcast %get3A_56 : vector<1x128xf32> to vector<1000x128xf32>
    %mul3A_58 = arith.mulf %add3A_53, %mul3A_57 : vector<1000x128xf32>
    %get3A_59 = arith.constant 0 : index
    %get3A_60 = arith.constant 0 : index
    %get3A_61 = vector.load %arg2[%get3A_59, %get3A_60] : memref<1000x128xf32, #tpu.memory_space<vmem>>, vector<1000x128xf32>
    %sub3A_62 = arith.constant 1.000000e+00 : f32
    %sub3A_63 = vector.broadcast %sub3A_62 : f32 to vector<1x128xf32>
    %sub3A_64 = arith.subf %sub3A_63, %get3A_56 : vector<1x128xf32>
    %mul3A_65 = vector.broadcast %sub3A_64 : vector<1x128xf32> to vector<1000x128xf32>
    %mul3A_66 = arith.mulf %get3A_61, %mul3A_65 : vector<1000x128xf32>
    %add3A_67 = arith.addf %mul3A_58, %mul3A_66 : vector<1000x128xf32>
    %swap3A = arith.constant 0 : index
    %swap3A_68 = arith.constant 0 : index
    %swap3A_69 = vector.load %arg6[%swap3A, %swap3A_68] : memref<1000x128xf32, #tpu.memory_space<vmem>>, vector<1000x128xf32>
    tpu.vector_store %arg6[%swap3A, %swap3A_68], %add3A_67 {strides = array<i32>} : memref<1000x128xf32, #tpu.memory_space<vmem>>, vector<1000x128xf32>,
    return
  }
  func.func @transform_0(%arg0: i32) -> (i32, i32, i32) {
    %c0_i32 = arith.constant 0 : i32
    %c0_i32_0 = arith.constant 0 : i32
    %c0_i32_1 = arith.constant 0 : i32
    return %c0_i32, %arg0, %c0_i32_0 : i32, i32, i32
  }
  func.func @transform_1(%arg0: i32) -> (i32, i32) {
    %c0_i32 = arith.constant 0 : i32
    %c0_i32_0 = arith.constant 0 : i32
    return %arg0, %c0_i32 : i32, i32
  }
  func.func @transform_2(%arg0: i32) -> (i32, i32) {
    %c0_i32 = arith.constant 0 : i32
    %c0_i32_0 = arith.constant 0 : i32
    %c0_i32_1 = arith.constant 0 : i32
    return %c0_i32, %c0_i32_0 : i32, i32
  }
  func.func @transform_3(%arg0: i32) -> (i32, i32) {
    %c0_i32 = arith.constant 0 : i32
    %c0_i32_0 = arith.constant 0 : i32
    %c0_i32_1 = arith.constant 0 : i32
    return %c0_i32, %c0_i32_0 : i32, i32
  }
  func.func @transform_4(%arg0: i32) -> (i32, i32) {
    %c0_i32 = arith.constant 0 : i32
    %c0_i32_0 = arith.constant 0 : i32
    %c0_i32_1 = arith.constant 0 : i32
    return %c0_i32, %c0_i32_0 : i32, i32
  }
  func.func @transform_5(%arg0: i32) -> (i32, i32) {
    %c0_i32 = arith.constant 0 : i32
    %c0_i32_0 = arith.constant 0 : i32
    return %arg0, %c0_i32 : i32, i32
  }
}

</mosaic_0001>

<sc_bundles>
// kernel: kernel.5.cloned.1.call-start
scs
__scs_entry_jumppad:
0x0: {  	(pc) =	sbr.rel $0x88, $3  }
0x1: {  	(tag) =	ssettag $0x0;
	lr =	simm.s32 $0x1  }
0x2: {  	[smem:$0x3F92] =	sst lr;
	_ =	strace $0xD0000000  }
0x3: {  	_ = 	snop  }
0x4: {  	_ = 	snop  }
0x5: {  	_ = 	snop  }
0x6: {  	_ = 	snop  }
0x7: {  	_ = 	snop  }
__scs_overlays_trampoline_lowered:
0x8: {  	[smem:$0x3FA1] =	sst s0  }
0x9: {  	[smem:$0x3FA2] =	sst s1  }
0xa: {  	[smem:$0x3FA3] =	sst s2  }
0xb: {  	[smem:$0x3FA4] =	sst s3  }
0xc: {  	[smem:$0x3FA5] =	sst s4  }
0xd: {  	[smem:$0x3FA6] =	sst s5  }
0xe: {  	[smem:$0x3FA7] =	sst s6  }
0xf: {  	[smem:$0x3FA8] =	sst s7  }
0x10: {  	[smem:$0x3FA9] =	sst s8  }
0x11: {  	[smem:$0x3FAA] =	sst s9;
	s0 =	simm.s32 @!p0 $0x0  }
0x12: {  	s1 =	sld [smem:$0x3F90];
	s0 =	simm.s32 @p0 $0x1  }
0x13: {  	[smem:$0x3FAB] =	sst s0;
	s0 =	simm.s32 @!p1 $0x0  }
0x14: {  	s2 =	sld [smem:$0x3F8F];
	s0 =	simm.s32 @p1 $0x1  }
0x15: {  	[smem:$0x3FAC] =	sst s0;
	s0 =	simm.s32 @!p2 $0x0  }
0x16: {  	s3 =	sld [smem:$0x3FDB];
	s0 =	simm.s32 @p2 $0x1  }
0x17: {  	s4 =	simm.s32 $0x1BF5;
	[smem:$0x3FAE] =	sst s0  }
0x18: {  	s0 =	sld [smem:$0x3F91];
	_ =	swait.ge [sflag:s4], $0x0  }
0x19: {  	s7 =	sld [smem:$0x3F92]  }
0x1a: {  	s8 =	sadd.s32 $0xFFFFE003, lr  }
0x1b: {  	s9 =	sadd.s32 $0xFFFFFEF7, lr;
	s5 =	simm.s32 $0xFFFFFFFF;
	p2 =	slt.u32 s8, $0xFFFFF086  }
0x1c: {  	p1 =	slt.u32 s9, $0xF7A;
	s5 =	simm.s32 @!p2 $0x0  }
0x1d: {  	s5 =	simm.s32 @p1 $0x1;
	p0 =	seq.s32 s7, s2  }
0x1e: {  	s7 =	smul.u32 @!p0 $0xF7A, s2;
	p2 =	seq.s32 @!p0 s5, $0x0  }
0x1f: {  	s9 =	smul.u32 $0xF7A, s1;
	s8 =	simm.s32 @!p0 $0x1BF5;
	p2 =	por !p2, p0  }
0x20: {  	[sflag:s8] =	ssyncset.s32 @!p0 $0xFFFFF086;
	s6 =	sadd.s32 @!p0 s3, s7;
	s7 =	simm.s32 @!p0 $0x108  }
0x21: {  	s3 =	sadd.s32 s3, s9;
	s6 =	sadd.s32 @!p0 $0x88, s6;
	s7 =	simm.s32 @p2 $0x1082  }
0x22: {  	[simem:s7], [sflag:s8] =	dma.local @!p0 [hbm:s6], $0xF7A  }
0x23: {  	s9 =	sor.u32 $0xD0000000, s2;
	s6 =	simm.s32 $0x108;
	_ =	swait.ge @!p0 [sflag:s8], $0x0  }
0x24: {  	s3 =	sadd.s32 $0x88, s3;
	s6 =	simm.s32 @!p1 $0x1082;
	[sflag:s4] =	ssyncset.s32 $0xFFFFF086  }
0x25: {  	[simem:s6], [sflag:s4] =	dma.local [hbm:s3], $0xF7A  }
0x26: {  	[smem:$0x3F92] =	sst s1;
	(tag) =	ssettag s2;
	_ =	strace s9  }
0x27: {  	s1 =	sld [smem:$0x3FA2]  }
0x28: {  	s2 =	sld [smem:$0x3FA3]  }
0x29: {  	s4 =	sld [smem:$0x3FA5]  }
0x2a: {  	p0 =	seq.s32 s5, $0x0;
	s5 =	sld [smem:$0x3FA6]  }
0x2b: {  	s6 =	sld [smem:$0x3FA7]  }
0x2c: {  	s7 =	sld [smem:$0x3FA8]  }
0x2d: {  	s3 =	simm.s32 $0x108;
	s8 =	sld [smem:$0x3FA9]  }
0x2e: {  	s3 =	simm.s32 @!p0 $0x1082;
	s9 =	sld [smem:$0x3FAA]  }
0x2f: {  	lr =	sadd.s32 s0, s3;
	s0 =	sld [smem:$0x3FA1]  }
0x30: {  	s3 =	sld [smem:$0x3FA4]  }
0x31: {  	[smem:$0x3FAD] =	sst s10  }
0x32: {  	s10 =	sld [smem:$0x3FAB];
	_ =	sdelay $0x3  }
0x33: {  	p0 =	seq.s32 s10, $0x1;
	s10 =	sld [smem:$0x3FAD];
	_ =	sdelay $0x3  }
0x34: {  	[smem:$0x3FAD] =	sst s10  }
0x35: {  	s10 =	sld [smem:$0x3FAC];
	_ =	sdelay $0x3  }
0x36: {  	p1 =	seq.s32 s10, $0x1;
	s10 =	sld [smem:$0x3FAD];
	_ =	sdelay $0x3  }
0x37: {  	[smem:$0x3FAD] =	sst s10  }
0x38: {  	s10 =	sld [smem:$0x3FAE]  }
0x39: {  	_ = 	snop;
	(pc) =	sbr.ind lr, $3  }
0x3a: {  	_ = 	snop  }
0x3b: {  	_ = 	snop  }
0x3c: {  	p2 =	seq.s32 s10, $0x1;
	s10 =	sld [smem:$0x3FAD]  }
0x3d: {  	_ =	shalt  }
0x3e: {  	_ =	shalt  }
0x3f: {  	_ =	shalt  }
0x40: {  	_ =	shalt  }
0x41: {  	_ =	shalt  }
0x42: {  	_ =	shalt  }
0x43: {  	_ =	shalt  }
0x44: {  	_ =	shalt  }
0x45: {  	_ =	shalt  }
0x46: {  	_ =	shalt  }
0x47: {  	_ =	shalt  }
0x48: {  	_ =	shalt  }
0x49: {  	_ =	shalt  }
0x4a: {  	_ =	shalt  }
0x4b: {  	_ =	shalt  }
0x4c: {  	_ =	shalt  }
0x4d: {  	_ =	shalt  }
0x4e: {  	_ =	shalt  }
0x4f: {  	_ =	shalt  }
0x50: {  	_ =	shalt  }
0x51: {  	_ =	shalt  }
0x52: {  	_ =	shalt  }
0x53: {  	_ =	shalt  }
0x54: {  	_ =	shalt  }
0x55: {  	_ =	shalt  }
0x56: {  	_ =	shalt  }
0x57: {  	_ =	shalt  }
0x58: {  	_ =	shalt  }
0x59: {  	_ =	shalt  }
0x5a: {  	_ =	shalt  }
0x5b: {  	_ =	shalt  }
0x5c: {  	_ =	shalt  }
0x5d: {  	_ =	shalt  }
0x5e: {  	_ =	shalt  }
0x5f: {  	_ =	shalt  }
0x60: {  	_ =	shalt  }
0x61: {  	_ =	shalt  }
0x62: {  	_ =	shalt  }
0x63: {  	_ =	shalt  }
0x64: {  	_ =	shalt  }
0x65: {  	_ =	shalt  }
0x66: {  	_ =	shalt  }
0x67: {  	_ =	shalt  }
0x68: {  	_ =	shalt  }
0x69: {  	_ =	shalt  }
0x6a: {  	_ =	shalt  }
0x6b: {  	_ =	shalt  }
0x6c: {  	_ =	shalt  }
0x6d: {  	_ =	shalt  }
0x6e: {  	_ =	shalt  }
0x6f: {  	_ =	shalt  }
0x70: {  	_ =	shalt  }
0x71: {  	_ =	shalt  }
0x72: {  	_ =	shalt  }
0x73: {  	_ =	shalt  }
0x74: {  	_ =	shalt  }
0x75: {  	_ =	shalt  }
0x76: {  	_ =	shalt  }
0x77: {  	_ =	shalt  }
0x78: {  	_ =	shalt  }
0x79: {  	_ =	shalt  }
0x7a: {  	_ =	shalt  }
0x7b: {  	_ =	shalt  }
0x7c: {  	_ =	shalt  }
0x7d: {  	_ =	shalt  }
0x7e: {  	_ =	shalt  }
0x7f: {  	_ =	shalt  }
0x80: {  	_ =	shalt  }
0x81: {  	_ =	shalt  }
0x82: {  	_ =	shalt  }
0x83: {  	_ =	shalt  }
0x84: {  	_ =	shalt  }
0x85: {  	_ =	shalt  }
0x86: {  	_ =	shalt  }
0x87: {  	_ =	shalt  }
.Lfunc_end0:
.L_simem_size_0:
called_computation_lowered:
.L_overlay_start_0:
0x88: {  	s2 =	sld [smem:$0x3FD9]  }
0x89: {  	s3 =	sld [smem:$0x3FFE];
	_ =	sdelay $0x1  }
0x8a: {  	s1 =	srdreg.scid  }
0x8b: {  	s0 =	sand.u32 $0x1, s1  }
0x8c: {  	s17 =	sshll.u32 s0, $0xA;
	s2 =	sadd.s32 s3, s2  }
0x8d: {  	s2 =	sadd.s32 s2, s17  }
0x8e: {  	[smem:$0x3FB9] =	sst s2  }
0x8f: {  	_ = 	snop  }
0x90: {  	s2 =	sld [smem:$0x3FD0];
	(tm) =	ssettm $0x1  }
0x91: {  	s18 =	sld [smem:$0x3FFB];
	_ =	sdelay $0x3  }
0x92: {  	_ =	strace s18  }
0x93: {  	s3 =	sld [smem:$0x3FFC];
	_ =	sdelay $0x3  }
0x94: {  	_ =	strace s3  }
0x95: {  	s3 =	sld [smem:$0x3FFD];
	_ =	sdelay $0x3  }
0x96: {  	_ =	strace s3  }
0x97: {  	_ =	strace $0x8FFFFFFF  }
0x98: {  	s19 =	sld [smem:$0x3FDB];
	_ =	sdelay $0x1  }
0x99: {  	s4 =	simm.s32 $_scs_section_size  }
0x9a: {  	s5 =	simm.s32 $_size__tile_overlayer_lowered;
	s6 =	simm.s32 $_tile_overlayer_lowered  }
0x9b: {  	s22 =	simm.s32 $0x1BFF;
	s21 =	sshll.u32 s6, $0x1;
	s3 =	sadd.s32 s4, s19  }
0x9c: {  	s7 =	simm.s32 $0x0;
	s20 =	sshll.u32 s5, $0x1;
	s5 =	sadd.s32 s21, s3  }
0x9d: {  	[timem:s7], [sflag:s22] =	dma.local [hbm:s5], s20  }
0x9e: {  	_ =	swait.ge [sflag:s22], s20  }
0x9f: {  	s4 =	ssub.s32 $0x0, s20;
	[sflag:s22] =	ssyncset.done $0x0  }
0xa0: {  	[sflag:s22] =	ssyncadd.s32 s4;
	_ =	sdelay $0x1  }
0xa1: {  	s23 =	simm.s32 $0x1B8B  }
0xa2: {  	_ =	swait.ge [sflag:s23], $0x1  }
0xa3: {  	[sflag:s23] =	ssyncset.done $0x0  }
0xa4: {  	s25 =	simm.s32 $0x1B8E;
	s24 =	sld [smem:$0x3FFE];
	[sflag:s23] =	ssyncadd.s32 $0xFFFFFFFF  }
0xa5: {  	s26 =	simm.s32 $execute0_lowered;
	[smem:$0x3FD2] =	sst s25  }
0xa6: {  	s5 =	sshll.u32 s26, $0x1;
	_ =	strace $0x80000046;
	[dreg:$0x1] =	wrdreg $0xFFFFFFFF  }
0xa7: {  	s28 =	simm.s32 $_size_execute0_lowered;
	s3 =	sadd.s32 s3, s5;
	[dreg:$0x0] =	wrdreg $0x0  }
0xa8: {  	s5 =	sshll.u32 s28, $0x1;
	[dreg:$0x2] =	wrdreg s3  }
0xa9: {  	[dreg:$0x3] =	wrdreg s5  }
0xaa: {  	[dreg:$0x4] =	wrdreg $0xC0  }
0xab: {  	_ =	task [dreg:s7], $0x5FFFF  }
0xac: {  	[dreg:$0x1] =	wrdreg $0xFFFFFFFF  }
0xad: {  	[dreg:$0x0] =	wrdreg $0x60  }
0xae: {  	[dreg:$0x2] =	wrdreg s2  }
0xaf: {  	[dreg:$0x3] =	wrdreg s24  }
0xb0: {  	[dreg:$0x4] =	wrdreg $0x0  }
0xb1: {  	[dreg:$0x5] =	wrdreg $0x9  }
0xb2: {  	_ =	task.clear_ibuf [dreg:s7], $0x6FFFF;
	_ =	strace $0x90000046  }
0xb3: {  	s29 =	simm.s32 $0x9;
	_ =	strace $0x80000048  }
0xb4: {  	_ =	swait.ge [sflag:s29], $0x1  }
0xb5: {  	[sflag:s29] =	ssyncadd.s32 $0xFFFFFFFF  }
0xb6: {  	_ =	strace $0x90000048  }
0xb7: {  	_ =	sfence  }
0xb8: {  	s30 =	sld [smem:$0x0];
	_ =	sdelay $0x2  }
0xb9: {  	s31 =	sshll.u32 s1, $0xD;
	s1 =	sshrl.u32 s1, $0x2  }
0xba: {  	s3 =	sand.u32 $0x4000, s31;
	s1 =	sadd.s32 s1, s30  }
0xbb: {  	s0 =	sor.u32 s3, s0;
	s1 =	sshll.u32 s1, $0x11  }
0xbc: {  	s0 =	sor.u32 s1, s0  }
0xbd: {  	s0 =	sadd.s32 $0x8F2B, s0  }
0xbe: {  	[sflag:s0] =	ssyncadd.remote.s32 $0x1  }
0xbf: {  	_ =	sfence.sel $0xFFFF  }
0xc0: {  	[dreg:$0x0] =	wrdreg $0xFFFFFFFF;
	(pc) =	sbr.abs _section_cstart, $3  }
0xc1: {  	[dreg:$0x1] =	wrdreg $0xFFFFFFFF  }
0xc2: {  	_ =	task.clear_ibuf [dreg:s7], $0x2FFFF;
	_ =	strace $0x9FFFFFFF  }
0xc3: {  	(tm) =	ssettm $0x7FFFFFFF  }
tec
execute0_lowered:
.L_overlay_start_1:
0x0: {  	(tag) =	ssettag $0x1  }
0x1: {  	s1 =	rddreg [dreg:$0x0]  }
0x2: {  	s0 =	rddreg [dreg:$0x1]  }
0x3: {  	s2 =	rddreg [dreg:$0x2];
	s3 =	simm.s32 $0x0  }
0x4: {  	s22 =	srdreg.scid;
	s12 =	stileid.u32;
	s15 =	simm.s32 $0x15F90  }
0x5: {  	s16 =	simm.s32 $0x3;
	s17 =	simm.s32 $0x28;
	s18 =	simm.s32 $0x15FB8  }
0x6: {  	s19 =	simm.s32 $0x16030;
	s20 =	simm.s32 $0x17430;
	s21 =	simm.s32 $0x19C30  }
0x7: {  	s28 =	simm.s32 $0x1;
	s29 =	simm.s32 $0x1D8D0;
	s30 =	simm.s32 $0x2  }
0x8: {  	s31 =	simm.s32 $0x0;
	[smem:$0x7FF] =	sst s3;
	s4 =	sadd.s32 $0x28800, s0  }
0x9: {  	s5 =	sadd.s32 $0x1600, s0;
	s6 =	sadd.s32 $0x76A00, s0;
	s3 =	sand.u32 $0x1, s22  }
0xa: {  	s9 =	smul.u32 $0x15F00, s12;
	s10 =	sadd.s32 $0xA2A00, s0;
	p0 =	sne.s32 s12, $0x0  }
0xb: {  	s13 =	sadd.s32 $0x1614, s0;
	s22 =	simm.s32 $0x19C58;
	_ =	strace $0x80000047  }
0xc: {  	[dreg:$0x4] =	wrdreg s6;
	s23 =	ssub.s32 $0x2, s3;
	s7 =	sshll.u32 s3, $0x4  }
0xd: {  	s3 =	smul.u32 $0x15F900, s3;
	s0 =	sshrl.u32 @!p0 s2, $0x3;
	s7 =	sor.u32 s12, s7  }
0xe: {  	s8 =	sshrl.u32 s23, $0x1;
	s25 =	sadd.s32 s9, s2;
	s11 =	smul.u32 $0x1388, s7  }
0xf: {  	[dreg:$0x9] =	wrdreg s0;
	s6 =	ssub.s32 s23, s8;
	s8 =	smul.u32 $0xFA, s7  }
0x10: {  	s24 =	sadd.s32 s9, s3;
	s3 =	sshrl.u32 s3, $0x3;
	s26 =	sshrl.u32 s25, $0x3  }
0x11: {  	s23 =	simm.s32 $0x19CD0;
	s6 =	smax.u32 s6, $0x1;
	[dreg:$0xa] =	wrdreg s26  }
0x12: {  	s3 =	sadd.s32 s10, s3;
	s11 =	sadd.s32 s5, s11;
	[dreg:$0x8] =	wrdreg s6  }
0x13: {  	vm0 =	vmmov $0x1;
	vm1 =	vcmask $0x704;
	s7 =	sshrl.u32 s24, $0x3;
	s3 =	sadd.s32 $0x2BE00, s3;
	[dreg:$0x5] =	wrdreg s11  }
0x14: {  	vm2 =	vcmask $0xB08;
	vm3 =	vcmask $0xF0C;
	vm4 =	vcmask $0x1310;
	s7 =	sadd.s32 s10, s7;
	[dreg:$0x7] =	wrdreg s3;
	s3 =	sadd.s32 $0x15F000, s2  }
0x15: {  	vm5 =	vcmask $0x1714;
	vm6 =	vcmask $0x1B18;
	vm7 =	vcmask $0x1F1C;
	s26 =	simm.s32 $0x1B0D0;
	[dreg:$0x6] =	wrdreg s7;
	s25 =	sshrl.u32 @!p0 s3, $0x3  }
.LBB2_1:
0x16: {  	s3 =	rddreg [dreg:$0x4]  }
0x17: {  	s0 =	simm.s32 @!p0 $0x1C03;
	s6 =	rddreg [dreg:$0x9]  }
0x18: {  	[spmem:s6], [sflag:s0] =	dma.local @!p0 [hbm:s3], $0x2BF20  }
0x19: {  	s0 =	simm.s32 @!p0 $0x3  }
0x1a: {  	_ =	swait.ge @!p0 [sflag:s0], $0x2BF20  }
0x1b: {  	[sflag:s0] =	ssyncset.done @!p0 $0x0  }
0x1c: {  	[sflag:s0] =	ssyncadd.s32 @!p0 $0xFFFD40E0  }
0x1d: {  	[bflag:$0x0] =	sbarrier.arrive $0xFFFF  }
0x1e: {  	s14 =	simm.s32 $0x0;
	s24 =	rddreg [dreg:$0x5]  }
0x1f: {  	[tilespmem:s15], [sflag:$0x3] =	stream.linear.gather [hbm4b:s24+s14], $0xA0, $0x38;
	[tilespmem:$0x1EF50] =	vst v63  }
0x20: {  	_ =	swait.ge [sflag:s16], $0xA0  }
0x21: {  	[sflag:s16] =	ssyncset.done $0x0  }
0x22: {  	[sflag:s16] =	ssyncadd.s32 $0xFFFFFF60  }
0x23: {  	[tilespmem:s19], [sflag:$0x1] =	stream.indirect.gather [hbm4b:s1+s17], $0x80, s18, s17, $0xb8;
	[tilespmem:$0x1EF50] =	vst v63  }
0x24: {  	s0 =	simm.s32 $0x0  }
0x25: {  	[tilespmem:s20], [sflag:$0x1] =	stream.indirect.gather [hbm4b:s4+s17], $0x100, s15, s17, $0xb8;
	[tilespmem:$0x1EF50] =	vst v63  }
.LBB2_2:
0x26: {  	s3 =	sshll.u32 s0, $0x1  }
0x27: {  	s3 =	sadd.s32 s8, s3  }
0x28: {  	s6 =	smul.u32 $0x14, s3;
	_ =	sdelay $0x1  }
0x29: {  	s7 =	simm.s32 $0x0;
	s6 =	sadd.s32 s13, s6  }
0x2a: {  	[tilespmem:s21], [sflag:$0x3] =	stream.linear.gather [hbm4b:s6+s7], $0xA0, $0x38;
	[tilespmem:$0x1EF50] =	vst v63  }
0x2b: {  	_ =	swait.ge [sflag:s16], $0xA0  }
0x2c: {  	[sflag:s16] =	ssyncset.done $0x0  }
0x2d: {  	[sflag:s16] =	ssyncadd.s32 $0xFFFFFF60  }
0x2e: {  	[tilespmem:s23], [sflag:$0x2] =	stream.indirect.gather [hbm4b:s1+s17], $0x80, s22, s17, $0xb8;
	[tilespmem:$0x1EF50] =	vst v63  }
0x2f: {  	_ = 	snop  }
0x30: {  	[tilespmem:s26], [sflag:$0x2] =	stream.indirect.gather [hbm4b:s4+s17], $0x100, s21, s17, $0xb8;
	[tilespmem:$0x1EF50] =	vst v63  }
0x31: {  	_ =	swait.ge [sflag:s28], $0x1400  }
0x32: {  	[sflag:s28] =	ssyncset.done $0x0  }
0x33: {  	[sflag:s28] =	ssyncadd.s32 $0xFFFFEC00  }
0x34: {  	_ =	swait.ge [sflag:s28], $0x2800  }
0x35: {  	[sflag:s28] =	ssyncset.done $0x0  }
0x36: {  	s9 =	simm.s32 $0x16130;
	[sflag:s28] =	ssyncadd.s32 $0xFFFFD800  }
0x37: {  	s12 =	simm.s32 $0x17630;
	v0 =	vld [tilespmem:s9+$0x80]  }
0x38: {  	v1 =	vld [tilespmem:s12+$0x100]  }
0x39: {  	v2 =	vld [tilespmem:s9+$0xFFFFFF00]  }
0x3a: {  	v3 =	vld [tilespmem:s9+$0x90]  }
0x3b: {  	v4 =	vld [tilespmem:s12+$0x110]  }
0x3c: {  	v5 =	vld [tilespmem:s12+$0xFFFFFE00]  }
0x3d: {  	v6 =	vld [tilespmem:s9+$0xA0]  }
0x3e: {  	v7 =	vld [tilespmem:s12+$0x120]  }
0x3f: {  	v8 =	vld [tilespmem:s9+$0xFFFFFF10]  }
0x40: {  	v9 =	vld [tilespmem:s9+$0xB0]  }
0x41: {  	v10 =	vld [tilespmem:s12+$0x130]  }
0x42: {  	v11 =	vld [tilespmem:s12+$0xFFFFFE10]  }
0x43: {  	v12 =	vld [tilespmem:s9+$0xC0]  }
0x44: {  	v13 =	vld [tilespmem:s12+$0x140]  }
0x45: {  	v14 =	vld [tilespmem:s9+$0xFFFFFF20]  }
0x46: {  	v15 =	vld [tilespmem:s9+$0xD0]  }
0x47: {  	v16 =	vld [tilespmem:s12+$0x150]  }
0x48: {  	v17 =	vld [tilespmem:s12+$0xFFFFFE20]  }
0x49: {  	v18 =	vld [tilespmem:s9+$0xE0]  }
0x4a: {  	v19 =	vld [tilespmem:s12+$0x160]  }
0x4b: {  	v20 =	vld [tilespmem:s9+$0xFFFFFF30]  }
0x4c: {  	v21 =	vld [tilespmem:s9+$0xF0]  }
0x4d: {  	v22 =	vld [tilespmem:s12+$0x170];
	v0 =	vmul.f32 v1, v0  }
0x4e: {  	v23 =	vld [tilespmem:s12+$0xFFFFFE30];
	v3 =	vmul.f32 v4, v3  }
0x4f: {  	v24 =	vld [tilespmem:s9+$0xFFFFFF40];
	(xrf2) =	vadd.scan.msk.f32 $0xffff, v0;
	v0 =	vmul.f32 v7, v6  }
0x50: {  	v25 =	vld [tilespmem:s12+$0xFFFFFE40];
	(xrf2) =	vadd.scan.msk.f32 $0xffff, v3;
	v3 =	vmul.f32 v10, v9  }
0x51: {  	v26 =	vld [tilespmem:s9+$0xFFFFFF50];
	(xrf2) =	vadd.scan.msk.f32 $0xffff, v0  }
0x52: {  	v60 =	vld [tilespmem:s9+$0xFFFFFFB0];
	v0 =	vmul.f32 v13, v12;
	(xrf2) =	vadd.scan.msk.f32 $0xffff, v3  }
0x53: {  	v63 =	vld [tilespmem:s9+$0xFFFFFFC0];
	v3 =	vmul.f32 v16, v15  }
0x54: {  	v33 =	vld [tilespmem:s9+$0xFFFFFFE0];
	(xrf2) =	vadd.scan.msk.f32 $0xffff, v0;
	v0 =	vmul.f32 v19, v18  }
0x55: {  	v36 =	vld [tilespmem:s9+$0xFFFFFFF0];
	(xrf2) =	vadd.scan.msk.f32 $0xffff, v3;
	v3 =	vmul.f32 v22, v21  }
0x56: {  	v7 =	vld [tilespmem:s9+$0xFFFFFF70];
	(xrf2) =	vadd.scan.msk.f32 $0xffff, v0  }
0x57: {  	v9 =	vld [tilespmem:s12+$0xFFFFFE70];
	(xrf2) =	vadd.scan.msk.f32 $0xffff, v3  }
0x58: {  	v1 =	vld [tilespmem:s12+$0xFFFFFE50]  }
0x59: {  	v4 =	vld [tilespmem:s9+$0xFFFFFF60];
	v2 =	vmul.f32 v5, v2;
	v5 =	vmul.f32 v11, v8;
	v8, _, _ =	vpop (xrf2)  }
0x5a: {  	v6 =	vld [tilespmem:s12+$0xFFFFFE60];
	v61, _, _ =	vpop (xrf2)  }
0x5b: {  	v11 =	vld [tilespmem:s12+$0xFFFFFF30];
	v14 =	vmul.f32 v17, v14;
	v28, _, _ =	vpop (xrf2);
	(xrf2) =	vadd.scan.msk.f32 $0xffff, v2  }
0x5c: {  	v10 =	vld [tilespmem:s9+$0xFFFFFF80];
	v30, _, _ =	vpop (xrf2);
	(xrf2) =	vadd.scan.msk.f32 $0xffff, v5;
	v5 =	vmul.f32 v9, v7;
	v9 =	vbroadcast v61, $0xF  }
0x5d: {  	v62 =	vmul.f32 v23, v20;
	v29 =	vmul.f32 v25, v24;
	v12 =	vld [tilespmem:s12+$0xFFFFFF00]  }
0x5e: {  	v13 =	vld [tilespmem:s9+$0xFFFFFF90];
	v1 =	vmul.f32 v1, v26;
	v8 =	vbroadcast v8, $0xF;
	v7, _, _ =	vpop (xrf2);
	(xrf2) =	vadd.scan.msk.f32 $0xffff, v14;
	v9 =	vnsel vm1, $0x0, v9  }
0x5f: {  	v15 =	vld [tilespmem:s12+$0xFFFFFF20];
	v4 =	vmul.f32 v6, v4;
	v20 =	vbroadcast v28, $0xF;
	v31, _, _ =	vpop (xrf2)  }
0x60: {  	v0 =	vld [tilespmem:s12+$0xFFFFFF10];
	v8 =	vnsel vm0, $0x0, v8;
	v22 =	vbroadcast v30, $0xF;
	(xrf2) =	vadd.scan.msk.f32 $0xffff, v62;
	v7 =	vbroadcast v7, $0xF;
	v34, _, _ =	vpop (xrf2)  }
0x61: {  	v3 =	vld [tilespmem:s9+$0xFFFFFFA0];
	v20 =	vnsel vm2, $0x0, v20;
	v18 =	vbroadcast v31, $0xF;
	v8 =	vadd.f32 v9, v8;
	v9, _, _ =	vpop (xrf2)  }
0x62: {  	v2 =	vld [tilespmem:s12+$0xFFFFFF40];
	(xrf2) =	vadd.scan.msk.f32 $0xffff, v29;
	v22 =	vnsel vm3, $0x0, v22;
	v24 =	vbroadcast v34, $0xF;
	v9 =	vbroadcast v9, $0xF  }
0x63: {  	v6 =	vld [tilespmem:s9+$0xFFFFFFD0];
	v10 =	vmul.f32 v12, v10;
	(xrf2) =	vadd.scan.msk.f32 $0xffff, v1;
	v7 =	vnsel vm4, $0x0, v7;
	v20 =	vadd.f32 v22, v20  }
0x64: {  	v14 =	vld [tilespmem:s12+$0xFFFFFF50];
	v18 =	vnsel vm5, $0x0, v18;
	(xrf2) =	vadd.scan.msk.f32 $0xffff, v4;
	v24 =	vnsel vm6, $0x0, v24;
	v9 =	vnsel vm7, $0x0, v9  }
0x65: {  	v1 =	vld [tilespmem:s12+$0xFFFFFF70];
	v7 =	vadd.f32 v18, v7;
	(xrf2) =	vadd.scan.msk.f32 $0xffff, v5;
	v9 =	vadd.f32 v9, v24  }
0x66: {  	v35 =	vld [tilespmem:s12+$0xFFFFFF60];
	v11 =	vmul.f32 v11, v60;
	v0 =	vmul.f32 v0, v13;
	v8 =	vadd.f32 v20, v8;
	v38, _, _ =	vpop (xrf2)  }
0x67: {  	v13 =	vld [tilespmem:s9+$0x10];
	v3 =	vmul.f32 v15, v3;
	v2 =	vmul.f32 v2, v63;
	(xrf2) =	vadd.scan.msk.f32 $0xffff, v10;
	v5, _, _ =	vpop (xrf2);
	v7 =	vadd.f32 v9, v7  }
0x68: {  	v15 =	vld [tilespmem:s12+$0x10];
	(xrf2) =	vadd.scan.msk.f32 $0xffff, v0;
	v9 =	vbroadcast v38, $0xF;
	v5 =	vbroadcast v5, $0xF;
	v10, _, _ =	vpop (xrf2)  }
0x69: {  	v0 =	vmul.f32 v14, v6;
	(xrf2) =	vadd.scan.msk.f32 $0xffff, v3;
	v6 =	vadd.f32 v7, v8;
	v7 =	vbroadcast v10, $0xF;
	v10 =	vld [tilespmem:s9+$0x30]  }
0x6a: {  	v1 =	vmul.f32 v1, v36;
	(xrf2) =	vadd.scan.msk.f32 $0xffff, v11;
	v8, _, _ =	vpop (xrf2);
	v3 =	vnsel vm0, $0x0, v9;
	v5 =	vnsel vm1, $0x0, v5;
	v9 =	vld [tilespmem:s12+$0x30]  }
0x6b: {  	s10 =	simm.s32 $0x3;
	s14 =	simm.s32 $0x1;
	s24 =	simm.s32 $0x2;
	v37 =	vld [tilespmem:s9+$0x0];
	(xrf2) =	vadd.scan.msk.f32 $0xffff, v2;
	v8 =	vbroadcast v8, $0xF;
	v3 =	vadd.f32 v5, v3;
	v5 =	vmul.f32 v35, v33  }
0x6c: {  	v32 =	vmov s10;
	v42 =	vmov s14;
	v44 =	vmov s24;
	v39 =	vld [tilespmem:s9+$0x20];
	(xrf2) =	vadd.scan.msk.f32 $0xffff, v0;
	v11, _, _ =	vpop (xrf2)  }
0x6d: {  	v40 =	vld [tilespmem:s12+$0x20];
	v17 =	vand.u32 $0x3D, v42;
	v2 =	vnsel vm3, $0x0, v8;
	v8 =	vbroadcast v11, $0xF;
	v11, _, _ =	vpop (xrf2);
	(xrf2) =	vadd.scan.msk.f32 $0xffff, v5  }
0x6e: {  	v17 =	vadd.s32 $0x50, v17;
	v12 =	vld [tilespmem:s12+$0x0];
	v7 =	vnsel vm2, $0x0, v7;
	v5 =	vmul.f32 v15, v13;
	(xrf2) =	vadd.scan.msk.f32 $0xffff, v1;
	v1, _, _ =	vpop (xrf2)  }
0x6f: {  	v13 =	vld [tilespmem:s12+$0x40];
	v0 =	vadd.f32 v2, v7;
	v7 =	vbroadcast v11, $0xF;
	v9 =	vmul.f32 v9, v10;
	v10, _, _ =	vpop (xrf2)  }
0x70: {  	v4 =	vand.u32 $0x3F, v32;
	v14 =	vmov s7;
	v15 =	vld [tilespmem:s9+$0x50];
	v10 =	vbroadcast v10, $0xF  }
0x71: {  	v14 =	vand.u32 $0x3C, v14;
	v11 =	vld [tilespmem:s9+$0x40];
	v8 =	vnsel vm4, $0x0, v8;
	v7 =	vnsel vm5, $0x0, v7  }
0x72: {  	v1 =	vbroadcast v1, $0xF;
	v41, _, _ =	vpop (xrf2);
	v7 =	vadd.f32 v7, v8;
	v8 =	vld [tilespmem:s12+$0x50];
	v10 =	vnsel vm7, $0x0, v10  }
0x73: {  	v19 =	vand.u32 $0x3E, v44;
	v4 =	vadd.s32 $0x50, v4;
	v14 =	vadd.s32 $0x50, v14;
	v43, _, _ =	vpop (xrf2)  }
0x74: {  	v2 =	vmul.f32 v12, v37;
	v12 =	vmul.f32 v40, v39;
	v1 =	vnsel vm6, $0x0, v1;
	v46, _, _ =	vpop (xrf2)  }
0x75: {  	v45 =	vld [tilespmem:s9+$0x60];
	v3 =	vadd.f32 v0, v3;
	v0 =	vbroadcast v41, $0xF;
	v1 =	vadd.f32 v10, v1;
	v10, _, _ =	vpop (xrf2)  }
0x76: {  	v47 =	vld [tilespmem:s12+$0x60];
	v49 =	vbroadcast v43, $0xF;
	v11 =	vmul.f32 v13, v11;
	v13 =	vadd.s32 $0x50, v19;
	v50, _, _ =	vpop (xrf2)  }
0x77: {  	v48 =	vld [tilespmem:s9+$0x70];
	v1 =	vadd.f32 v1, v7;
	v7 =	vbroadcast v46, $0xF;
	v8 =	vmul.f32 v8, v15;
	v15, _, _ =	vpop (xrf2)  }
0x78: {  	s10 =	simm.s32 $0x16330;
	v51 =	vld [tilespmem:s12+$0x70];
	v52 =	vnsel vm0, $0x0, v0;
	v16 =	vnsel vm1, $0x0, v49;
	v0 =	vbroadcast v10, $0xF;
	v10, _, _ =	vpop (xrf2)  }
0x79: {  	v56 =	vld [tilespmem:s10+$0xFFFFFF20];
	(xrf2) =	vadd.scan.msk.f32 $0xffff, v2;
	v7 =	vnsel vm2, $0x0, v7;
	v18 =	vbroadcast v50, $0xF;
	v2 =	vbroadcast v15, $0xF;
	v15, _, _ =	vpop (xrf2)  }
0x7a: {  	v4 =	vld.idx.msk [tilespmem:v4+s15+$0x0], $0xffff;
	(xrf2) =	vadd.scan.msk.f32 $0xffff, v5;
	v53 =	vnsel vm3, $0x0, v0;
	v5 =	vbroadcast v10, $0xF;
	v10 =	vbroadcast v15, $0xF  }
0x7b: {  	(xrf2) =	vadd.scan.msk.f32 $0xffff, v12;
	v0 =	vld.idx.msk [tilespmem:v13+s15+$0x0], $0xffff;
	v13 =	vadd.f32 v16, v52;
	v7 =	vadd.f32 v53, v7;
	v15 =	vnsel vm4, $0x0, v18  }
0x7c: {  	v57 =	vld [tilespmem:s10+$0xD0];
	(xrf2) =	vadd.scan.msk.f32 $0xffff, v9;
	v2 =	vnsel vm5, $0x0, v2;
	v5 =	vnsel vm6, $0x0, v5;
	v9 =	vnsel vm7, $0x0, v10  }
0x7d: {  	v14 =	vld.idx.msk [tilespmem:v14+s15+$0x0], $0xffff;
	v2 =	vadd.f32 v2, v15;
	v5 =	vadd.f32 v9, v5  }
0x7e: {  	v54 =	vmul.f32 v47, v45;
	v17 =	vld.idx.msk [tilespmem:v17+s15+$0x0], $0xffff  }
0x7f: {  	s11 =	simm.s32 $0x17A30;
	v4 =	vmul.f32 v4, v6;
	v12 =	vld [tilespmem:s10+$0x80];
	(xrf2) =	vadd.scan.msk.f32 $0xffff, v11;
	v6 =	vadd.f32 v7, v13;
	v2 =	vadd.f32 v5, v2  }
0x80: {  	v1 =	vadd.f32 v1, v3;
	(xrf2) =	vadd.scan.msk.f32 $0xffff, v8;
	v10 =	vld [tilespmem:s11+$0x100];
	v9 =	vmul.f32 v51, v48  }
0x81: {  	v3 =	vld [tilespmem:s10+$0x90];
	(xrf2) =	vadd.scan.msk.f32 $0xffff, v54;
	v2 =	vadd.f32 v2, v6  }
0x82: {  	v4 =	vmul.f32 $1.442695020e+00, v4;
	v1 =	vmul.f32 v14, v1;
	v5 =	vld [tilespmem:s11+$0x110];
	(xrf2) =	vadd.scan.msk.f32 $0xffff, v9  }
0x83: {  	v7 =	vld [tilespmem:s11+$0x120];
	v2 =	vmul.f32 v17, v2  }
0x84: {  	(erf) = vpow2.f32 v4;
	v1 =	vmul.f32 $1.442695020e+00, v1;
	v6 =	vld [tilespmem:s10+$0xA0]  }
0x85: {  	v14 =	vld [tilespmem:s10+$0xB0];
	v8, _, _ =	vpop (xrf2);
	v10 =	vmul.f32 v10, v12;
	v2 =	vmul.f32 $1.442695020e+00, v2  }
0x86: {  	(erf) = vpow2.f32 v1;
	v1 =	vbroadcast v8, $0xF;
	v9, _, _ =	vpop (xrf2);
	v12 =	vld [tilespmem:s11+$0x130]  }
0x87: {  	v59 =	vld [tilespmem:s11+$0x150];
	v8, _, _ =	vpop (xrf2);
	(xrf2) =	vadd.scan.msk.f32 $0xffff, v10;
	v3 =	vmul.f32 v5, v3;
	(erf) = vpow2.f32 v2  }
0x88: {  	v9 =	vbroadcast v9, $0xF;
	v15, _, _ =	vpop (xrf2);
	v10 =	vld [tilespmem:s10+$0xC0]  }
0x89: {  	(xrf2) =	vadd.scan.msk.f32 $0xffff, v3;
	v3 =	vld [tilespmem:s11+$0x140];
	v6 =	vmul.f32 v7, v6;
	v2, _, _ =	vpop (xrf2)  }
0x8a: {  	v61 =	vld [tilespmem:s11+$0xFFFFFE20];
	v1 =	vnsel vm0, $0x0, v1;
	v8 =	vbroadcast v8, $0xF;
	v9 =	vnsel vm1, $0x0, v9;
	v55, _, _ =	vpop (xrf2)  }
0x8b: {  	v4 =	vld [tilespmem:s10+$0xFFFFFF10];
	v1 =	vadd.f32 v9, v1;
	v9 =	vbroadcast v15, $0xF;
	v12 =	vmul.f32 v12, v14;
	(xrf2) =	vadd.scan.msk.f32 $0xffff, v6;
	v15, _, _ =	vpop (xrf2)  }
0x8c: {  	v11 =	vld [tilespmem:s10+$0xFFFFFF00];
	v8 =	vnsel vm2, $0x0, v8;
	v2 =	vbroadcast v2, $0xF;
	v16 =	vbroadcast v55, $0xF;
	v58, _, _ =	vpop (xrf2)  }
0x8d: {  	v13 =	vld [tilespmem:s11+$0xFFFFFE00];
	v9 =	vnsel vm3, $0x0, v9;
	v15 =	vbroadcast v15, $0xF;
	v19 =	vbroadcast v58, $0xF  }
0x8e: {  	v5 =	vld [tilespmem:s11+$0xFFFFFE10];
	v7 =	vpop (erf);
	v60 =	vadd.f32 v9, v8;
	(xrf2) =	vadd.scan.msk.f32 $0xffff, v12;
	v6 =	vmul.f32 v3, v10;
	v2 =	vnsel vm4, $0x0, v2  }
0x8f: {  	s9 =	simm.s32 $0x1DA70;
	v63 =	vpop (erf);
	v8 =	vld [tilespmem:s10+$0xE0];
	v9 =	vnsel vm5, $0x0, v16;
	v15 =	vnsel vm6, $0x0, v15;
	v62 =	vnsel vm7, $0x0, v19  }
0x90: {  	[tilespmem:s9+$0x90] =	vst v7;
	v2 =	vadd.f32 v9, v2;
	v9 =	vld [tilespmem:s11+$0x160];
	v14 =	vadd.f32 v62, v15;
	v3 =	vpop (erf)  }
0x91: {  	v7 =	vld [tilespmem:s10+$0xFFFFFF30];
	[tilespmem:s9+$0xFFFFFF70] =	vst v3;
	v3, _, _ =	vpop (xrf2);
	(xrf2) =	vadd.scan.msk.f32 $0xffff, v6  }
0x92: {  	v12 =	vld [tilespmem:s11+$0x170];
	v1 =	vadd.f32 v60, v1;
	v15 =	vmul.f32 v59, v57;
	v14 =	vadd.f32 v14, v2  }
0x93: {  	[tilespmem:s9+$0xFFFFFEE0] =	vst v63;
	v4 =	vmul.f32 v5, v4;
	v10 =	vld [tilespmem:s10+$0xF0]  }
0x94: {  	s14 =	simm.s32 $0x8;
	s6 =	simm.s32 $0x4;
	s12 =	simm.s32 $0x4;
	v6 =	vmul.f32 v61, v56;
	v2 =	vmul.f32 v13, v11;
	v5, _, _ =	vpop (xrf2);
	v11 =	vld [tilespmem:s11+$0xFFFFFE30];
	(xrf2) =	vadd.scan.msk.f32 $0xffff, v15;
	v1 =	vadd.f32 v14, v1  }
.LBB2_3:
0x95: {  	p1 =	slt.u32 s14, $0x24;
	v13 =	vld [tilespmem:s10+$0xFFFFFF40];
	v8 =	vmul.f32 v9, v8;
	v9, _, _ =	vpop (xrf2)  }
0x96: {  	v14 =	vld [tilespmem:s11+$0xFFFFFE40];
	v0 =	vmul.f32 v0, v1  }
0x97: {  	v1 =	vld [tilespmem:s10+$0xFFFFFF50];
	(xrf2) =	vadd.scan.msk.f32 $0xffff, v8  }
0x98: {  	v8 =	vld [tilespmem:s11+$0xFFFFFE50];
	v10 =	vmul.f32 v12, v10;
	v12, _, _ =	vpop (xrf2);
	v0 =	vmul.f32 $1.442695020e+00, v0  }
0x99: {  	v7 =	vmul.f32 v11, v7;
	v11 =	vld [tilespmem:s10+$0xFFFFFF60]  }
0x9a: {  	v15 =	vld [tilespmem:s11+$0xFFFFFE60];
	(xrf2) =	vadd.scan.msk.f32 $0xffff, v10;
	(erf) = vpow2.f32 v0  }
0x9b: {  	v0 =	vmul.f32 v14, v13;
	v10 =	vld [tilespmem:s10+$0xFFFFFF70];
	v13, _, _ =	vpop (xrf2)  }
0x9c: {  	v14 =	vld [tilespmem:s11+$0xFFFFFE70]  }
0x9d: {  	v1 =	vmul.f32 v8, v1;
	v8 =	vld [tilespmem:s10+$0xFFFFFF80];
	(xrf2) =	vadd.scan.msk.f32 $0xffff, v2  }
0x9e: {  	v2 =	vld [tilespmem:s11+$0xFFFFFF00];
	v16, _, _ =	vpop (xrf2)  }
0x9f: {  	v11 =	vmul.f32 v15, v11;
	v15 =	vld [tilespmem:s10+$0xFFFFFF90]  }
0xa0: {  	v17 =	vld [tilespmem:s11+$0xFFFFFF10];
	(xrf2) =	vadd.scan.msk.f32 $0xffff, v4  }
0xa1: {  	s24 =	sadd.s32 $0x3, s12;
	v4 =	vmul.f32 v14, v10;
	v10 =	vld [tilespmem:s10+$0xFFFFFFA0];
	v14, _, _ =	vpop (xrf2)  }
0xa2: {  	v3 =	vbroadcast v3, $0xF;
	v5 =	vbroadcast v5, $0xF;
	v19 =	vmov s24;
	v18 =	vld [tilespmem:s11+$0xFFFFFF20]  }
0xa3: {  	v9 =	vbroadcast v9, $0xF;
	v19 =	vand.u32 $0x3F, v19;
	v12 =	vbroadcast v12, $0xF;
	v20 =	vld [tilespmem:s10+$0xFFFFFFB0];
	(xrf2) =	vadd.scan.msk.f32 $0xffff, v6;
	v6 =	vpop (erf)  }
0xa4: {  	v19 =	vadd.s32 $0x50, v19;
	v13 =	vbroadcast v13, $0xF;
	v16 =	vbroadcast v16, $0xF;
	v21 =	vld [tilespmem:s11+$0xFFFFFF30];
	v22, _, _ =	vpop (xrf2);
	[tilespmem:s9+$0x0] =	vst v6  }
0xa5: {  	v3 =	vnsel vm0, $0x0, v3;
	v14 =	vbroadcast v14, $0xF;
	v6 =	vld [tilespmem:s10+$0xFFFFFFC0];
	v22 =	vbroadcast v22, $0xF  }
0xa6: {  	v5 =	vnsel vm1, $0x0, v5;
	v9 =	vnsel vm2, $0x0, v9;
	v12 =	vnsel vm3, $0x0, v12;
	v23 =	vld [tilespmem:s11+$0xFFFFFF40];
	(xrf2) =	vadd.scan.msk.f32 $0xffff, v7  }
0xa7: {  	v13 =	vnsel vm4, $0x0, v13;
	v16 =	vnsel vm5, $0x0, v16;
	v14 =	vnsel vm6, $0x0, v14;
	v7 =	vld [tilespmem:s10+$0xFFFFFFD0];
	v24, _, _ =	vpop (xrf2)  }
0xa8: {  	v3 =	vadd.f32 v5, v3;
	v5 =	vadd.f32 v12, v9;
	v22 =	vnsel vm7, $0x0, v22;
	v25 =	vld [tilespmem:s11+$0xFFFFFF50]  }
0xa9: {  	v9 =	vadd.f32 v16, v13;
	v2 =	vmul.f32 v2, v8;
	v12 =	vadd.f32 v22, v14;
	v8 =	vld.idx.msk [tilespmem:v19+s15+$0x0], $0xffff  }
0xaa: {  	v13 =	vmul.f32 v17, v15;
	v10 =	vmul.f32 v18, v10;
	v14 =	vld [tilespmem:s10+$0xFFFFFFE0];
	v15, _, _ =	vpop (xrf2);
	(xrf2) =	vadd.scan.msk.f32 $0xffff, v0  }
0xab: {  	v3 =	vadd.f32 v5, v3;
	v0 =	vmul.f32 v21, v20;
	v18 =	vadd.f32 v12, v9;
	v16 =	vld [tilespmem:s11+$0xFFFFFF60]  }
0xac: {  	v9 =	vbroadcast v24, $0xF;
	v6 =	vmul.f32 v23, v6;
	v12 =	vld [tilespmem:s10+$0xFFFFFFF0]  }
0xad: {  	v20 =	vbroadcast v15, $0xF;
	v3 =	vadd.f32 v18, v3;
	v7 =	vmul.f32 v25, v7;
	v17 =	vld [tilespmem:s11+$0xFFFFFF70];
	v5, _, _ =	vpop (xrf2);
	(xrf2) =	vadd.scan.msk.f32 $0xffff, v1  }
0xae: {  	v1 =	vnsel vm0, $0x0, v9;
	v5 =	vbroadcast v5, $0xF;
	v9 =	vld [tilespmem:s10+$0x0]  }
0xaf: {  	v19 =	vnsel vm1, $0x0, v20;
	v3 =	vmul.f32 v8, v3;
	v18 =	vld [tilespmem:s11+$0x0]  }
0xb0: {  	v1 =	vadd.f32 v19, v1;
	v5 =	vnsel vm2, $0x0, v5;
	v8 =	vmul.f32 v16, v14;
	v14 =	vld [tilespmem:s10+$0x10];
	v15, _, _ =	vpop (xrf2);
	(xrf2) =	vadd.scan.msk.f32 $0xffff, v11  }
0xb1: {  	v3 =	vmul.f32 $1.442695020e+00, v3;
	v11 =	vbroadcast v15, $0xF;
	v15 =	vld [tilespmem:s11+$0x10]  }
0xb2: {  	v12 =	vmul.f32 v17, v12;
	v16 =	vld [tilespmem:s10+$0x20]  }
0xb3: {  	v11 =	vnsel vm3, $0x0, v11;
	v17 =	vld [tilespmem:s11+$0x20];
	(xrf2) =	vadd.scan.msk.f32 $0xffff, v4;
	(erf) = vpow2.f32 v3  }
0xb4: {  	v3 =	vadd.f32 v11, v5;
	v4 =	vmul.f32 v18, v9;
	v5 =	vld [tilespmem:s10+$0x30];
	v9, _, _ =	vpop (xrf2)  }
0xb5: {  	v9 =	vbroadcast v9, $0xF;
	v11 =	vld [tilespmem:s11+$0x30]  }
0xb6: {  	v1 =	vadd.f32 v3, v1;
	v3 =	vmul.f32 v15, v14;
	v14 =	vld [tilespmem:s10+$0x40];
	(xrf2) =	vadd.scan.msk.f32 $0xffff, v2  }
0xb7: {  	v2 =	vnsel vm4, $0x0, v9;
	v9 =	vld [tilespmem:s11+$0x40];
	v15, _, _ =	vpop (xrf2)  }
0xb8: {  	v15 =	vbroadcast v15, $0xF;
	v16 =	vmul.f32 v17, v16;
	v17 =	vld [tilespmem:s10+$0x50]  }
0xb9: {  	v18 =	vld [tilespmem:s11+$0x50];
	(xrf2) =	vadd.scan.msk.f32 $0xffff, v13  }
0xba: {  	v13 =	vmov s12;
	v15 =	vnsel vm5, $0x0, v15;
	v5 =	vmul.f32 v11, v5;
	v11 =	vld [tilespmem:s10+$0x60];
	v19, _, _ =	vpop (xrf2)  }
0xbb: {  	v13 =	vand.u32 $0x3C, v13;
	v19 =	vbroadcast v19, $0xF;
	v2 =	vadd.f32 v15, v2;
	v15 =	vld [tilespmem:s11+$0x60]  }
0xbc: {  	s9 =	sadd.s32 $0x240, s9;
	v13 =	vadd.s32 $0x50, v13;
	v9 =	vmul.f32 v9, v14;
	v14 =	vld [tilespmem:s10+$0x70];
	(xrf2) =	vadd.scan.msk.f32 $0xffff, v10;
	v10 =	vpop (erf)  }
0xbd: {  	v19 =	vnsel vm6, $0x0, v19;
	v20 =	vld [tilespmem:s11+$0x70];
	[tilespmem:s9+$0x90] =	vst v10;
	v10, _, _ =	vpop (xrf2)  }
0xbe: {  	v10 =	vbroadcast v10, $0xF;
	v17 =	vmul.f32 v18, v17  }
0xbf: {  	(xrf2) =	vadd.scan.msk.f32 $0xffff, v0  }
0xc0: {  	v0 =	vnsel vm7, $0x0, v10;
	v10 =	vmul.f32 v15, v11;
	v11, _, _ =	vpop (xrf2)  }
0xc1: {  	v13 =	vld.idx.msk [tilespmem:v13+s15+$0x0], $0xffff;
	v0 =	vadd.f32 v0, v19;
	v11 =	vbroadcast v11, $0xF  }
0xc2: {  	v14 =	vmul.f32 v20, v14;
	(xrf2) =	vadd.scan.msk.f32 $0xffff, v6  }
0xc3: {  	v0 =	vadd.f32 v0, v2;
	v2 =	vnsel vm0, $0x0, v11;
	v6, _, _ =	vpop (xrf2)  }
0xc4: {  	v11 =	vbroadcast v6, $0xF  }
0xc5: {  	v0 =	vadd.f32 v0, v1;
	(xrf2) =	vadd.scan.msk.f32 $0xffff, v7  }
0xc6: {  	v1 =	vnsel vm1, $0x0, v11;
	v6, _, _ =	vpop (xrf2)  }
0xc7: {  	v0 =	vmul.f32 v13, v0;
	v7 =	vbroadcast v6, $0xF;
	v1 =	vadd.f32 v1, v2  }
0xc8: {  	(xrf2) =	vadd.scan.msk.f32 $0xffff, v8  }
0xc9: {  	v0 =	vmul.f32 $1.442695020e+00, v0;
	v2 =	vnsel vm2, $0x0, v7;
	v6, _, _ =	vpop (xrf2)  }
0xca: {  	v7 =	vbroadcast v6, $0xF  }
0xcb: {  	(erf) = vpow2.f32 v0;
	(xrf2) =	vadd.scan.msk.f32 $0xffff, v12  }
0xcc: {  	v0 =	vnsel vm3, $0x0, v7;
	v6, _, _ =	vpop (xrf2)  }
0xcd: {  	v6 =	vbroadcast v6, $0xF;
	v0 =	vadd.f32 v0, v2  }
0xce: {  	(xrf2) =	vadd.scan.msk.f32 $0xffff, v4  }
0xcf: {  	v2 =	vnsel vm4, $0x0, v6;
	v0 =	vadd.f32 v0, v1;
	v1, _, _ =	vpop (xrf2)  }
0xd0: {  	v1 =	vbroadcast v1, $0xF  }
0xd1: {  	s24 =	sadd.s32 $0x1, s12;
	(xrf2) =	vadd.scan.msk.f32 $0xffff, v3  }
0xd2: {  	v8 =	vmov s24;
	v1 =	vnsel vm5, $0x0, v1;
	v4, _, _ =	vpop (xrf2)  }
0xd3: {  	v6 =	vand.u32 $0x3D, v8;
	v7 =	vbroadcast v4, $0xF;
	v1 =	vadd.f32 v1, v2  }
0xd4: {  	v2 =	vadd.s32 $0x50, v6;
	v3 =	vpop (erf);
	(xrf2) =	vadd.scan.msk.f32 $0xffff, v16  }
0xd5: {  	s24 =	sadd.s32 $0x2, s12;
	s12 =	smov.u32 s14;
	[tilespmem:s9+$0xFFFFFEE0] =	vst v3;
	v3 =	vnsel vm6, $0x0, v7;
	v4, _, _ =	vpop (xrf2)  }
0xd6: {  	v8 =	vmov s24;
	v4 =	vbroadcast v4, $0xF  }
0xd7: {  	v7 =	vand.u32 $0x3E, v8;
	(xrf2) =	vadd.scan.msk.f32 $0xffff, v5  }
0xd8: {  	v5 =	vadd.s32 $0x50, v7;
	v4 =	vnsel vm7, $0x0, v4;
	v6, _, _ =	vpop (xrf2)  }
0xd9: {  	v2 =	vld.idx.msk [tilespmem:v2+s15+$0x0], $0xffff;
	v3 =	vadd.f32 v4, v3;
	v6 =	vbroadcast v6, $0xF  }
0xda: {  	(xrf2) =	vadd.scan.msk.f32 $0xffff, v9  }
0xdb: {  	v1 =	vadd.f32 v3, v1;
	v3 =	vnsel vm0, $0x0, v6;
	v4, _, _ =	vpop (xrf2)  }
0xdc: {  	v4 =	vbroadcast v4, $0xF  }
0xdd: {  	s10 =	sadd.s32 $0x200, s10;
	v1 =	vadd.f32 v1, v0;
	v0 =	vld.idx.msk [tilespmem:v5+s15+$0x0], $0xffff;
	(xrf2) =	vadd.scan.msk.f32 $0xffff, v17  }
0xde: {  	s11 =	sadd.s32 $0x400, s11;
	v5 =	vld [tilespmem:s10+$0x80];
	v4 =	vnsel vm1, $0x0, v4;
	v6, _, _ =	vpop (xrf2)  }
0xdf: {  	v7 =	vld [tilespmem:s11+$0x100];
	v1 =	vmul.f32 v2, v1;
	v2 =	vbroadcast v6, $0xF;
	v3 =	vadd.f32 v4, v3  }
0xe0: {  	v4 =	vld [tilespmem:s10+$0xFFFFFF00];
	(xrf2) =	vadd.scan.msk.f32 $0xffff, v10  }
0xe1: {  	v6 =	vld [tilespmem:s10+$0x90];
	v1 =	vmul.f32 $1.442695020e+00, v1;
	v2 =	vnsel vm2, $0x0, v2;
	v8, _, _ =	vpop (xrf2)  }
0xe2: {  	v9 =	vld [tilespmem:s11+$0x110];
	v11 =	vbroadcast v8, $0xF  }
0xe3: {  	v10 =	vld [tilespmem:s11+$0xFFFFFE00];
	(erf) = vpow2.f32 v1;
	(xrf2) =	vadd.scan.msk.f32 $0xffff, v14  }
0xe4: {  	v1 =	vmul.f32 v7, v5;
	v5 =	vld [tilespmem:s10+$0xA0];
	v7 =	vnsel vm3, $0x0, v11;
	v8, _, _ =	vpop (xrf2)  }
0xe5: {  	v11 =	vld [tilespmem:s11+$0x120];
	v8 =	vbroadcast v8, $0xF;
	v2 =	vadd.f32 v7, v2  }
0xe6: {  	v7 =	vld [tilespmem:s10+$0xFFFFFF10];
	(xrf2) =	vadd.scan.msk.f32 $0xffff, v1  }
0xe7: {  	v1 =	vmul.f32 v9, v6;
	v6 =	vld [tilespmem:s10+$0xB0];
	v8 =	vnsel vm4, $0x0, v8;
	v13 =	vadd.f32 v2, v3;
	v3, _, _ =	vpop (xrf2)  }
0xe8: {  	v2 =	vmul.f32 v10, v4;
	v4 =	vld [tilespmem:s11+$0x130];
	v3 =	vbroadcast v3, $0xF  }
0xe9: {  	v9 =	vld [tilespmem:s11+$0xFFFFFE10];
	(xrf2) =	vadd.scan.msk.f32 $0xffff, v1  }
0xea: {  	v15 =	vmul.f32 v11, v5;
	v5 =	vld [tilespmem:s10+$0xC0];
	v3 =	vnsel vm5, $0x0, v3;
	v10, _, _ =	vpop (xrf2)  }
0xeb: {  	v11 =	vld [tilespmem:s11+$0x140];
	v10 =	vbroadcast v10, $0xF;
	v12 =	vadd.f32 v3, v8  }
0xec: {  	v14 =	vld [tilespmem:s10+$0xFFFFFF20];
	(xrf2) =	vadd.scan.msk.f32 $0xffff, v15;
	v1 =	vpop (erf)  }
0xed: {  	v16 =	vmul.f32 v4, v6;
	v6 =	vld [tilespmem:s10+$0xD0];
	[tilespmem:s9+$0xFFFFFF70] =	vst v1;
	v1 =	vnsel vm6, $0x0, v10;
	v8, _, _ =	vpop (xrf2)  }
0xee: {  	v4 =	vmul.f32 v9, v7;
	v10 =	vld [tilespmem:s11+$0x150];
	v7 =	vbroadcast v8, $0xF  }
0xef: {  	v15 =	vld [tilespmem:s11+$0xFFFFFE20];
	(xrf2) =	vadd.scan.msk.f32 $0xffff, v16  }
0xf0: {  	v11 =	vmul.f32 v11, v5;
	v8 =	vld [tilespmem:s10+$0xE0];
	v3, _, _ =	vpop (xrf2);
	v7 =	vnsel vm7, $0x0, v7  }
.Ltmp0:
0xf1: {  	v9 =	vld [tilespmem:s11+$0x160];
	v1 =	vadd.f32 v7, v1;
	(pc) =	sbr.rel @p1 .LBB2_3-.Ltmp0, $4  }
0xf2: {  	v7 =	vld [tilespmem:s10+$0xFFFFFF30];
	(xrf2) =	vadd.scan.msk.f32 $0xffff, v11  }
0xf3: {  	v16 =	vmul.f32 v10, v6;
	v10 =	vld [tilespmem:s10+$0xF0];
	v5, _, _ =	vpop (xrf2);
	v1 =	vadd.f32 v1, v12  }
0xf4: {  	v6 =	vmul.f32 v15, v14;
	v12 =	vld [tilespmem:s11+$0x170]  }
0xf5: {  	s14 =	sadd.s32 $0x4, s14;
	v11 =	vld [tilespmem:s11+$0xFFFFFE30];
	(xrf2) =	vadd.scan.msk.f32 $0xffff, v16;
	v1 =	vadd.f32 v1, v13  }
0xf6: {  	v13 =	vld [tilespmem:s10+$0xFFFFFF40]  }
0xf7: {  	v14 =	vld [tilespmem:s11+$0xFFFFFE40]  }
0xf8: {  	v15 =	vld [tilespmem:s10+$0xFFFFFF50]  }
0xf9: {  	v16 =	vld [tilespmem:s11+$0xFFFFFE50]  }
0xfa: {  	v17 =	vld [tilespmem:s10+$0xFFFFFF60]  }
0xfb: {  	v18 =	vld [tilespmem:s11+$0xFFFFFE60]  }
0xfc: {  	v19 =	vld [tilespmem:s10+$0xFFFFFF70]  }
0xfd: {  	v20 =	vld [tilespmem:s11+$0xFFFFFE70]  }
0xfe: {  	v21 =	vld [tilespmem:s10+$0xFFFFFF80]  }
0xff: {  	v22 =	vld [tilespmem:s11+$0xFFFFFF00]  }
0x100: {  	v23 =	vld [tilespmem:s10+$0xFFFFFF90];
	v8 =	vmul.f32 v9, v8  }
0x101: {  	v24 =	vld [tilespmem:s11+$0xFFFFFF10];
	v10 =	vmul.f32 v12, v10  }
0x102: {  	v9 =	vld [tilespmem:s10+$0xFFFFFFA0];
	(xrf2) =	vadd.scan.msk.f32 $0xffff, v8  }
0x103: {  	v25 =	vld [tilespmem:s10+$0xFFFFFFC0];
	(xrf2) =	vadd.scan.msk.f32 $0xffff, v10  }
0x104: {  	v26 =	vld [tilespmem:s11+$0xFFFFFF40]  }
0x105: {  	v27 =	vld [tilespmem:s10+$0xFFFFFFD0]  }
0x106: {  	v29 =	vld [tilespmem:s10+$0x0]  }
0x107: {  	v3 =	vbroadcast v3, $0xF;
	v60 =	vld [tilespmem:s11+$0x30];
	(xrf2) =	vadd.scan.msk.f32 $0xffff, v2  }
0x108: {  	v5 =	vbroadcast v5, $0xF;
	v62 =	vld [tilespmem:s10+$0x40];
	v7 =	vmul.f32 v11, v7;
	v11, _, _ =	vpop (xrf2);
	(xrf2) =	vadd.scan.msk.f32 $0xffff, v4  }
0x109: {  	v63 =	vld [tilespmem:s11+$0x50];
	v13 =	vmul.f32 v14, v13;
	v14 =	vmul.f32 v16, v15;
	v15, _, _ =	vpop (xrf2);
	(xrf2) =	vadd.scan.msk.f32 $0xffff, v6  }
0x10a: {  	v8 =	vld [tilespmem:s10+$0xFFFFFFB0];
	v16 =	vmul.f32 v18, v17;
	v18, _, _ =	vpop (xrf2);
	(xrf2) =	vadd.scan.msk.f32 $0xffff, v7  }
0x10b: {  	v3 =	vnsel vm0, $0x0, v3;
	v5 =	vnsel vm1, $0x0, v5;
	v12 =	vld [tilespmem:s11+$0xFFFFFF20];
	v17 =	vmul.f32 v20, v19;
	v19, _, _ =	vpop (xrf2)  }
0x10c: {  	v3 =	vadd.f32 v5, v3;
	v5 =	vld [tilespmem:s11+$0x0];
	v11 =	vbroadcast v11, $0xF;
	v57 =	vmul.f32 v24, v23;
	v28, _, _ =	vpop (xrf2)  }
0x10d: {  	v10 =	vld [tilespmem:s11+$0xFFFFFF30];
	v18 =	vbroadcast v18, $0xF;
	v19 =	vbroadcast v19, $0xF;
	v30, _, _ =	vpop (xrf2)  }
0x10e: {  	v20 =	vld [tilespmem:s11+$0xFFFFFF70];
	(xrf2) =	vadd.scan.msk.f32 $0xffff, v13;
	v28 =	vbroadcast v28, $0xF;
	v30 =	vbroadcast v30, $0xF  }
0x10f: {  	v2 =	vld [tilespmem:s11+$0xFFFFFF50];
	v15 =	vbroadcast v15, $0xF;
	v11 =	vnsel vm2, $0x0, v11;
	v18 =	vnsel vm4, $0x0, v18;
	(xrf2) =	vadd.scan.msk.f32 $0xffff, v14  }
0x110: {  	v4 =	vld [tilespmem:s10+$0xFFFFFFE0];
	v19 =	vnsel vm5, $0x0, v19;
	(xrf2) =	vadd.scan.msk.f32 $0xffff, v16;
	v55 =	vnsel vm6, $0x0, v28;
	v56 =	vnsel vm7, $0x0, v30  }
0x111: {  	v6 =	vld [tilespmem:s11+$0xFFFFFF60];
	v15 =	vnsel vm3, $0x0, v15;
	v18 =	vadd.f32 v19, v18;
	(xrf2) =	vadd.scan.msk.f32 $0xffff, v17;
	v58, _, _ =	vpop (xrf2);
	v19 =	vadd.f32 v56, v55  }
0x112: {  	v7 =	vld [tilespmem:s10+$0xFFFFFFF0];
	v11 =	vadd.f32 v15, v11;
	v15 =	vmul.f32 v22, v21;
	v8 =	vmul.f32 v10, v8;
	v10, _, _ =	vpop (xrf2)  }
0x113: {  	v9 =	vmul.f32 v12, v9;
	v13 =	vld [tilespmem:s10+$0x10];
	v59, _, _ =	vpop (xrf2);
	v12 =	vadd.f32 v19, v18;
	v18 =	vbroadcast v58, $0xF  }
0x114: {  	v14 =	vld [tilespmem:s11+$0x10];
	v2 =	vmul.f32 v2, v27;
	(xrf2) =	vadd.scan.msk.f32 $0xffff, v15;
	v10 =	vbroadcast v10, $0xF;
	v61, _, _ =	vpop (xrf2)  }
0x115: {  	v16 =	vld [tilespmem:s10+$0x20];
	(xrf2) =	vadd.scan.msk.f32 $0xffff, v57;
	v22 =	vbroadcast v59, $0xF;
	v24 =	vbroadcast v61, $0xF;
	v18 =	vnsel vm0, $0x0, v18  }
0x116: {  	v3 =	vadd.f32 v11, v3;
	v17 =	vld [tilespmem:s11+$0x20];
	v4 =	vmul.f32 v6, v4;
	(xrf2) =	vadd.scan.msk.f32 $0xffff, v9;
	v19 =	vmul.f32 v26, v25  }
0x117: {  	v11 =	vld [tilespmem:s10+$0x30];
	(xrf2) =	vadd.scan.msk.f32 $0xffff, v8;
	v10 =	vnsel vm1, $0x0, v10;
	v22 =	vnsel vm2, $0x0, v22;
	v6 =	vnsel vm3, $0x0, v24  }
0x118: {  	v9 =	vld [tilespmem:s11+$0x40];
	(xrf2) =	vadd.scan.msk.f32 $0xffff, v19;
	v6 =	vadd.f32 v6, v22;
	v10 =	vadd.f32 v10, v18;
	v18, _, _ =	vpop (xrf2)  }
0x119: {  	v7 =	vmul.f32 v20, v7;
	v8 =	vld [tilespmem:s10+$0x50];
	(xrf2) =	vadd.scan.msk.f32 $0xffff, v2;
	v2 =	vadd.f32 v12, v3;
	v3 =	vmul.f32 v5, v29;
	v12, _, _ =	vpop (xrf2)  }
0x11a: {  	v19 =	vld [tilespmem:s10+$0x60];
	v5 =	vbroadcast v18, $0xF;
	(xrf2) =	vadd.scan.msk.f32 $0xffff, v4;
	v4 =	vadd.f32 v6, v10;
	v10 =	vbroadcast v12, $0xF;
	v12, _, _ =	vpop (xrf2)  }
0x11b: {  	v18 =	vld [tilespmem:s11+$0x60];
	v6 =	vmul.f32 v14, v13;
	(xrf2) =	vadd.scan.msk.f32 $0xffff, v7;
	v7 =	vmul.f32 v17, v16;
	v16, _, _ =	vpop (xrf2)  }
0x11c: {  	v13 =	vld [tilespmem:s10+$0x70];
	(xrf2) =	vadd.scan.msk.f32 $0xffff, v3;
	v3 =	vnsel vm5, $0x0, v10;
	v10 =	vbroadcast v12, $0xF;
	v12 =	vbroadcast v16, $0xF  }
0x11d: {  	s14 =	sadd.s32 $0x3, s12;
	v14 =	vld [tilespmem:s11+$0x70];
	v5 =	vnsel vm4, $0x0, v5  }
0x11e: {  	v15 =	vmov s14;
	v11 =	vmul.f32 v60, v11;
	(xrf2) =	vadd.scan.msk.f32 $0xffff, v6;
	v3 =	vadd.f32 v3, v5  }
0x11f: {  	v5 =	vmul.f32 v9, v62;
	v9, _, _ =	vpop (xrf2);
	(xrf2) =	vadd.scan.msk.f32 $0xffff, v7;
	v7 =	vnsel vm6, $0x0, v10;
	v10 =	vnsel vm7, $0x0, v12  }
0x120: {  	v15 =	vand.u32 $0x3F, v15;
	v8 =	vmul.f32 v63, v8;
	v6 =	vmov s12;
	v12, _, _ =	vpop (xrf2)  }
0x121: {  	v9 =	vbroadcast v9, $0xF;
	v7 =	vadd.f32 v10, v7;
	(xrf2) =	vadd.scan.msk.f32 $0xffff, v11;
	v12 =	vbroadcast v12, $0xF  }
0x122: {  	v11 =	vmul.f32 v18, v19;
	v10, _, _ =	vpop (xrf2);
	(xrf2) =	vadd.scan.msk.f32 $0xffff, v5;
	v5 =	vand.u32 $0x3C, v6;
	v6 =	vmul.f32 v14, v13  }
0x123: {  	v15 =	vadd.s32 $0x50, v15;
	v13, _, _ =	vpop (xrf2);
	(xrf2) =	vadd.scan.msk.f32 $0xffff, v8  }
0x124: {  	v3 =	vadd.f32 v7, v3;
	v7 =	vnsel vm0, $0x0, v9;
	v5 =	vadd.s32 $0x50, v5;
	v8, _, _ =	vpop (xrf2);
	(xrf2) =	vadd.scan.msk.f32 $0xffff, v11  }
0x125: {  	v10 =	vbroadcast v10, $0xF;
	v9 =	vnsel vm1, $0x0, v12;
	v11 =	vbroadcast v13, $0xF;
	v12, _, _ =	vpop (xrf2);
	(xrf2) =	vadd.scan.msk.f32 $0xffff, v6  }
0x126: {  	v3 =	vadd.f32 v3, v4;
	v4 =	vadd.f32 v9, v7;
	v7 =	vbroadcast v8, $0xF;
	v6, _, _ =	vpop (xrf2)  }
0x127: {  	s24 =	sadd.s32 $0x1, s12;
	v9 =	vnsel vm2, $0x0, v10;
	v10 =	vnsel vm3, $0x0, v11;
	v11 =	vbroadcast v12, $0xF;
	v8, _, _ =	vpop (xrf2)  }
0x128: {  	v9 =	vadd.f32 v10, v9;
	v7 =	vnsel vm4, $0x0, v7;
	v10 =	vmov s24;
	v12, _, _ =	vpop (xrf2)  }
0x129: {  	v10 =	vand.u32 $0x3D, v10;
	v6 =	vbroadcast v6, $0xF;
	v11 =	vnsel vm5, $0x0, v11;
	v13, _, _ =	vpop (xrf2)  }
0x12a: {  	s11 =	sadd.s32 $0x2, s12;
	v8 =	vbroadcast v8, $0xF;
	v10 =	vadd.s32 $0x50, v10;
	v7 =	vadd.f32 v11, v7;
	v14, _, _ =	vpop (xrf2)  }
0x12b: {  	v11 =	vmov s11;
	v6 =	vnsel vm6, $0x0, v6;
	v12 =	vbroadcast v12, $0xF;
	v16, _, _ =	vpop (xrf2)  }
0x12c: {  	v11 =	vand.u32 $0x3E, v11;
	v8 =	vnsel vm7, $0x0, v8;
	v13 =	vbroadcast v13, $0xF;
	v17, _, _ =	vpop (xrf2)  }
0x12d: {  	v11 =	vadd.s32 $0x50, v11;
	v6 =	vadd.f32 v8, v6;
	v8 =	vbroadcast v14, $0xF;
	v14, _, _ =	vpop (xrf2)  }
0x12e: {  	v12 =	vnsel vm0, $0x0, v12;
	v13 =	vnsel vm1, $0x0, v13;
	v16 =	vbroadcast v16, $0xF;
	v18, _, _ =	vpop (xrf2)  }
0x12f: {  	v8 =	vnsel vm2, $0x0, v8;
	v17 =	vbroadcast v17, $0xF;
	v14 =	vbroadcast v14, $0xF;
	v19, _, _ =	vpop (xrf2)  }
0x130: {  	v16 =	vnsel vm3, $0x0, v16;
	v18 =	vbroadcast v18, $0xF;
	v19 =	vbroadcast v19, $0xF  }
0x131: {  	v15 =	vld.idx.msk [tilespmem:v15+s15+$0x0], $0xffff;
	v12 =	vadd.f32 v13, v12;
	v8 =	vadd.f32 v16, v8;
	v13 =	vnsel vm4, $0x0, v17  }
0x132: {  	v5 =	vld.idx.msk [tilespmem:v5+s15+$0x0], $0xffff;
	v14 =	vnsel vm5, $0x0, v14;
	v16 =	vnsel vm6, $0x0, v18;
	v17 =	vnsel vm7, $0x0, v19  }
0x133: {  	v0 =	vmul.f32 v0, v1;
	v1 =	vld.idx.msk [tilespmem:v10+s15+$0x0], $0xffff;
	v10 =	vadd.f32 v14, v13;
	v13 =	vadd.f32 v17, v16  }
0x134: {  	v4 =	vadd.f32 v9, v4;
	v6 =	vadd.f32 v6, v7;
	v7 =	vld.idx.msk [tilespmem:v11+s15+$0x0], $0xffff  }
0x135: {  	v0 =	vmul.f32 $1.442695020e+00, v0;
	v8 =	vadd.f32 v8, v12;
	v9 =	vadd.f32 v13, v10  }
0x136: {  	v2 =	vmul.f32 v15, v2;
	v4 =	vadd.f32 v6, v4  }
0x137: {  	(erf) = vpow2.f32 v0;
	v0 =	vmul.f32 v5, v3;
	v3 =	vadd.f32 v9, v8  }
0x138: {  	v2 =	vmul.f32 $1.442695020e+00, v2;
	v1 =	vmul.f32 v1, v4  }
0x139: {  	v0 =	vmul.f32 $1.442695020e+00, v0;
	v3 =	vmul.f32 v7, v3  }
0x13a: {  	(erf) = vpow2.f32 v2;
	v1 =	vmul.f32 $1.442695020e+00, v1  }
0x13b: {  	(erf) = vpow2.f32 v0;
	v0 =	vmul.f32 $1.442695020e+00, v3  }
0x13c: {  	s12 =	simm.s32 $0x3;
	(erf) = vpow2.f32 v1  }
0x13d: {  	(erf) = vpow2.f32 v0;
	v0 =	vmov s12  }
0x13e: {  	v0 =	vmul.u32 $0x90, v0  }
0x13f: {  	s14 =	simm.s32 $0x1  }
0x140: {  	s24 =	simm.s32 $0x2;
	v1 =	vmov s14;
	v0 =	vadd.s32 $0x80, v0  }
0x141: {  	v1 =	vmul.u32 $0x90, v1;
	v3 =	vmov s24  }
0x142: {  	v2 =	vpop (erf);
	v4 =	vbroadcast v0, $0x0  }
0x143: {  	[tilespmem:s9+$0x0] =	vst v2;
	s11 =	sadd.s32 $0x240, s9;
	v0 =	vpop (erf)  }
0x144: {  	v2 =	vmul.u32 $0x90, v3;
	v3 =	vpop (erf);
	[tilespmem:s11+$0x90] =	vst v0  }
0x145: {  	v0 =	vadd.s32 $0x80, v1;
	v1 =	vpop (erf);
	[tilespmem:s11+$0xFFFFFEE0] =	vst v3  }
0x146: {  	[tilespmem:s11+$0xFFFFFF70] =	vst v1;
	v3 =	vpop (erf)  }
0x147: {  	v0 =	vbroadcast v0, $0x0;
	[tilespmem:s11+$0x0] =	vst v3  }
0x148: {  	s10 =	simm.s32 $0x176B0;
	v2 =	vadd.s32 $0x80, v2;
	v3 =	vld.idx.msk [tilespmem:v4+s29+$0x0], $0xffff  }
0x149: {  	v1 =	vbroadcast v2, $0x0;
	v2 =	vmov s7;
	v5 =	vld [tilespmem:s10+$0x100]  }
0x14a: {  	v2 =	vmul.u32 $0x90, v2;
	_ =	sdelay $0x1  }
0x14b: {  	v8 =	vor.u32 $0x1, v4;
	v9 =	vld [tilespmem:s10+$0xFFFFFF00];
	v2 =	vadd.s32 $0x80, v2  }
0x14c: {  	v2 =	vbroadcast v2, $0x0;
	v6 =	vld.idx.msk [tilespmem:v0+s29+$0x0], $0xffff  }
0x14d: {  	v10 =	vld [tilespmem:s10+$0x0];
	v3 =	vmul.f32 v5, v3  }
0x14e: {  	s7 =	simm.s32 $0x1D9F0;
	v7 =	vld.idx.msk [tilespmem:v1+s29+$0x0], $0xffff  }
0x14f: {  	v5 =	vor.u32 $0x1, v0;
	[tilespmem:s7+$0x90] =	vst v3  }
0x150: {  	v8 =	vld.idx.msk [tilespmem:v8+s29+$0x0], $0xffff  }
0x151: {  	v3 =	vor.u32 $0x1, v1;
	v6 =	vmul.f32 v9, v6;
	v9 =	vld [tilespmem:s10+$0x110]  }
0x152: {  	v11 =	vld.idx.msk [tilespmem:v2+s29+$0x0], $0xffff  }
0x153: {  	v7 =	vmul.f32 v10, v7;
	v10 =	vld [tilespmem:s10+$0xFFFFFE00];
	[tilespmem:s7+$0xFFFFFF70] =	vst v6  }
0x154: {  	v6 =	vor.u32 $0x2, v4;
	v5 =	vld.idx.msk [tilespmem:v5+s29+$0x0], $0xffff  }
0x155: {  	[tilespmem:s7+$0x0] =	vst v7;
	v12 =	vld [tilespmem:s10+$0xFFFFFF10]  }
0x156: {  	v7 =	vor.u32 $0x1, v2;
	v3 =	vld.idx.msk [tilespmem:v3+s29+$0x0], $0xffff;
	v8 =	vmul.f32 v9, v8  }
0x157: {  	v9 =	vld [tilespmem:s10+$0x10]  }
0x158: {  	v10 =	vmul.f32 v10, v11;
	[tilespmem:s7+$0xA0] =	vst v8  }
0x159: {  	v8 =	vor.u32 $0x2, v0;
	v6 =	vld.idx.msk [tilespmem:v6+s29+$0x0], $0xffff  }
0x15a: {  	[tilespmem:s7+$0xFFFFFEE0] =	vst v10;
	v10 =	vor.u32 $0x2, v1;
	v11 =	vld [tilespmem:s10+$0x120]  }
0x15b: {  	v5 =	vmul.f32 v12, v5;
	v7 =	vld.idx.msk [tilespmem:v7+s29+$0x0], $0xffff  }
0x15c: {  	v12 =	vld [tilespmem:s10+$0xFFFFFE10];
	v3 =	vmul.f32 v9, v3  }
0x15d: {  	[tilespmem:s7+$0xFFFFFF80] =	vst v5;
	v5 =	vor.u32 $0x3, v4  }
0x15e: {  	v8 =	vld.idx.msk [tilespmem:v8+s29+$0x0], $0xffff;
	[tilespmem:s7+$0x10] =	vst v3  }
0x15f: {  	v3 =	vor.u32 $0x2, v2;
	v9 =	vld.idx.msk [tilespmem:v10+s29+$0x0], $0xffff;
	v6 =	vmul.f32 v11, v6  }
0x160: {  	v10 =	vld [tilespmem:s10+$0xFFFFFF20]  }
0x161: {  	v11 =	vld [tilespmem:s10+$0x20];
	v7 =	vmul.f32 v12, v7;
	[tilespmem:s7+$0xB0] =	vst v6  }
0x162: {  	v5 =	vld.idx.msk [tilespmem:v5+s29+$0x0], $0xffff  }
0x163: {  	[tilespmem:s7+$0xFFFFFEF0] =	vst v7;
	v7 =	vld [tilespmem:s10+$0x130]  }
0x164: {  	v6 =	vor.u32 $0x3, v0;
	v3 =	vld.idx.msk [tilespmem:v3+s29+$0x0], $0xffff  }
0x165: {  	v13 =	vld [tilespmem:s10+$0xFFFFFE20]  }
0x166: {  	v8 =	vmul.f32 v10, v8;
	v10 =	vor.u32 $0x4, v4  }
0x167: {  	v9 =	vmul.f32 v11, v9;
	v11 =	vmov s6  }
0x168: {  	v12 =	vor.u32 $0x3, v1;
	[tilespmem:s7+$0xFFFFFF90] =	vst v8;
	v8 =	vmul.u32 $0x90, v11;
	v5 =	vmul.f32 v7, v5  }
0x169: {  	v6 =	vld.idx.msk [tilespmem:v6+s29+$0x0], $0xffff  }
0x16a: {  	v11 =	vor.u32 $0x3, v2;
	v7 =	vmul.f32 v13, v3;
	v3 =	vadd.s32 $0x80, v8;
	v8 =	vld [tilespmem:s10+$0xFFFFFF30];
	[tilespmem:s7+$0xC0] =	vst v5  }
0x16b: {  	v5 =	vld.idx.msk [tilespmem:v10+s29+$0x0], $0xffff  }
0x16c: {  	[tilespmem:s7+$0x20] =	vst v9;
	v10 =	vld [tilespmem:s10+$0x140]  }
0x16d: {  	v9 =	vld.idx.msk [tilespmem:v12+s29+$0x0], $0xffff;
	v12 =	vor.u32 $0x4, v0  }
0x16e: {  	s12 =	simm.s32 $0x5;
	v13 =	vld [tilespmem:s10+$0x30];
	[tilespmem:s7+$0xFFFFFF00] =	vst v7  }
0x16f: {  	v15 =	vmov s12;
	v11 =	vld.idx.msk [tilespmem:v11+s29+$0x0], $0xffff;
	v6 =	vmul.f32 v8, v6;
	v8 =	vor.u32 $0x5, v4  }
0x170: {  	v15 =	vmul.u32 $0x90, v15;
	v14 =	vld [tilespmem:s10+$0xFFFFFE30]  }
0x171: {  	v3 =	vbroadcast v3, $0x0;
	[tilespmem:s7+$0xFFFFFFA0] =	vst v6;
	v6 =	vor.u32 $0x4, v1;
	v5 =	vmul.f32 v10, v5  }
0x172: {  	v16 =	vld.idx.msk [tilespmem:v12+s29+$0x0], $0xffff  }
0x173: {  	v9 =	vmul.f32 v13, v9;
	v10 =	vor.u32 $0x4, v2;
	v12 =	vadd.s32 $0x80, v15;
	v15 =	vld [tilespmem:s10+$0xFFFFFF40];
	[tilespmem:s7+$0xD0] =	vst v5  }
0x174: {  	v8 =	vld.idx.msk [tilespmem:v8+s29+$0x0], $0xffff  }
0x175: {  	s14 =	simm.s32 $0x6;
	[tilespmem:s7+$0x30] =	vst v9;
	v11 =	vmul.f32 v14, v11;
	v5 =	vbroadcast v12, $0x0;
	v13 =	vld [tilespmem:s10+$0x150]  }
0x176: {  	v12 =	vld.idx.msk [tilespmem:v6+s29+$0x0], $0xffff;
	v6 =	vmov s14  }
0x177: {  	v17 =	vor.u32 $0x5, v0;
	v7 =	vld.idx.msk [tilespmem:v3+s29+$0x0], $0xffff;
	[tilespmem:s7+$0xFFFFFF10] =	vst v11;
	v6 =	vmul.u32 $0x90, v6  }
0x178: {  	v11 =	vld.idx.msk [tilespmem:v10+s29+$0x0], $0xffff  }
0x179: {  	v18 =	vor.u32 $0x6, v4;
	v10 =	vmul.f32 v15, v16;
	v15 =	vld [tilespmem:s10+$0x40];
	v6 =	vadd.s32 $0x80, v6  }
0x17a: {  	v14 =	vld [tilespmem:s10+$0xFFFFFE40];
	v6 =	vbroadcast v6, $0x0  }
0x17b: {  	s24 =	simm.s32 $0x7;
	v9 =	vld.idx.msk [tilespmem:v5+s29+$0x0], $0xffff;
	[tilespmem:s7+$0xFFFFFFB0] =	vst v10;
	v19 =	vmul.f32 v13, v8  }
0x17c: {  	v16 =	vor.u32 $0x5, v1;
	v8 =	vmov s24;
	v10 =	vld.idx.msk [tilespmem:v17+s29+$0x0], $0xffff  }
0x17d: {  	s9 =	simm.s32 $0x176B0;
	s11 =	simm.s32 $0x8;
	s6 =	simm.s32 $0x1D9F0;
	v8 =	vmul.u32 $0x90, v8;
	v17 =	vor.u32 $0x5, v2;
	v13 =	vld [tilespmem:s10+$0xFFFFFF50];
	[tilespmem:s7+$0xE0] =	vst v19  }
.LBB2_5:
0x17e: {  	p1 =	slt.u32 s11, $0x24;
	v12 =	vmul.f32 v15, v12;
	v15 =	vld.idx.msk [tilespmem:v18+s29+$0x0], $0xffff  }
0x17f: {  	v8 =	vadd.s32 $0x80, v8;
	v11 =	vmul.f32 v14, v11;
	v14 =	vld [tilespmem:s10+$0x160]  }
0x180: {  	v19 =	vor.u32 $0x6, v0;
	v18 =	vld.idx.msk [tilespmem:v6+s29+$0x0], $0xffff;
	v8 =	vbroadcast v8, $0x0;
	[tilespmem:s7+$0x40] =	vst v12  }
0x181: {  	[tilespmem:s7+$0xFFFFFF20] =	vst v11;
	v11 =	vld.idx.msk [tilespmem:v16+s29+$0x0], $0xffff  }
0x182: {  	v12 =	vld.idx.msk [tilespmem:v17+s29+$0x0], $0xffff;
	v10 =	vmul.f32 v13, v10;
	v13 =	vor.u32 $0x7, v4;
	v4 =	vmov v8  }
0x183: {  	v16 =	vld [tilespmem:s10+$0x50]  }
0x184: {  	v17 =	vld [tilespmem:s10+$0xFFFFFE50];
	[tilespmem:s7+$0xFFFFFFC0] =	vst v10;
	v10 =	vmul.f32 v14, v15  }
0x185: {  	v14 =	vld.idx.msk [tilespmem:v19+s29+$0x0], $0xffff  }
0x186: {  	v8 =	vld.idx.msk [tilespmem:v8+s29+$0x0], $0xffff;
	[tilespmem:s7+$0xF0] =	vst v10  }
0x187: {  	v10 =	vld.idx.msk [tilespmem:v13+s29+$0x0], $0xffff  }
0x188: {  	s10 =	sadd.s32 $0x400, s10;
	v13 =	vor.u32 $0x6, v1;
	v11 =	vmul.f32 v16, v11;
	v15 =	vld [tilespmem:s9+$0x170]  }
0x189: {  	v16 =	vld [tilespmem:s10+$0x100];
	v12 =	vmul.f32 v17, v12;
	v17 =	vor.u32 $0x6, v2  }
0x18a: {  	v19 =	vld [tilespmem:s10+$0xFFFFFE00];
	[tilespmem:s7+$0x50] =	vst v11  }
0x18b: {  	v11 =	vld [tilespmem:s10+$0xFFFFFF00];
	[tilespmem:s7+$0xFFFFFF30] =	vst v12  }
0x18c: {  	v20 =	vor.u32 $0x1, v4;
	v12 =	vld [tilespmem:s10+$0x0]  }
0x18d: {  	v13 =	vld.idx.msk [tilespmem:v13+s29+$0x0], $0xffff;
	v10 =	vmul.f32 v15, v10  }
0x18e: {  	v15 =	vor.u32 $0x1, v5;
	v8 =	vmul.f32 v16, v8;
	v16 =	vld.idx.msk [tilespmem:v17+s29+$0x0], $0xffff  }
0x18f: {  	s7 =	sadd.s32 $0x240, s7;
	v17 =	vor.u32 $0x1, v6;
	v7 =	vmul.f32 v19, v7;
	v19 =	vld [tilespmem:s9+$0xFFFFFF60];
	[tilespmem:s6+$0x100] =	vst v10  }
0x190: {  	v10 =	vor.u32 $0x1, v3;
	v9 =	vmul.f32 v11, v9;
	[tilespmem:s7+$0x90] =	vst v8;
	v8 =	vld [tilespmem:s9+$0x60]  }
0x191: {  	[tilespmem:s7+$0xFFFFFEE0] =	vst v7;
	v7 =	vmul.f32 v12, v18;
	v11 =	vld.idx.msk [tilespmem:v20+s29+$0x0], $0xffff  }
0x192: {  	[tilespmem:s7+$0xFFFFFF70] =	vst v9;
	v9 =	vld [tilespmem:s10+$0x110]  }
0x193: {  	v12 =	vld.idx.msk [tilespmem:v15+s29+$0x0], $0xffff;
	[tilespmem:s7+$0x0] =	vst v7  }
0x194: {  	v7 =	vld.idx.msk [tilespmem:v17+s29+$0x0], $0xffff;
	v14 =	vmul.f32 v19, v14  }
0x195: {  	v15 =	vor.u32 $0x2, v4;
	v10 =	vld.idx.msk [tilespmem:v10+s29+$0x0], $0xffff;
	v8 =	vmul.f32 v8, v13  }
0x196: {  	v13 =	vld [tilespmem:s10+$0xFFFFFF10];
	[tilespmem:s6+$0xFFFFFFD0] =	vst v14  }
0x197: {  	v14 =	vld [tilespmem:s10+$0x10];
	v9 =	vmul.f32 v9, v11;
	v11 =	vor.u32 $0x7, v0;
	[tilespmem:s6+$0x60] =	vst v8;
	v0 =	vmov v5  }
0x198: {  	v8 =	vor.u32 $0x7, v1;
	v1 =	vmov v6;
	v5 =	vld [tilespmem:s10+$0xFFFFFE10]  }
0x199: {  	v6 =	vor.u32 $0x2, v0;
	[tilespmem:s7+$0xA0] =	vst v9;
	v9 =	vld [tilespmem:s9+$0xFFFFFE60]  }
0x19a: {  	v17 =	vor.u32 $0x2, v1;
	v15 =	vld.idx.msk [tilespmem:v15+s29+$0x0], $0xffff  }
0x19b: {  	v18 =	vor.u32 $0x2, v3;
	v12 =	vmul.f32 v13, v12;
	v13 =	vld [tilespmem:s10+$0x120]  }
0x19c: {  	v7 =	vmul.f32 v14, v7;
	v11 =	vld.idx.msk [tilespmem:v11+s29+$0x0], $0xffff  }
0x19d: {  	v5 =	vmul.f32 v5, v10;
	[tilespmem:s7+$0xFFFFFF80] =	vst v12;
	v8 =	vld.idx.msk [tilespmem:v8+s29+$0x0], $0xffff  }
0x19e: {  	v6 =	vld.idx.msk [tilespmem:v6+s29+$0x0], $0xffff;
	[tilespmem:s7+$0x10] =	vst v7;
	v7 =	vor.u32 $0x3, v4;
	v9 =	vmul.f32 v9, v16  }
0x19f: {  	[tilespmem:s7+$0xFFFFFEF0] =	vst v5;
	v5 =	vld.idx.msk [tilespmem:v17+s29+$0x0], $0xffff  }
0x1a0: {  	v10 =	vld.idx.msk [tilespmem:v18+s29+$0x0], $0xffff;
	v12 =	vmul.f32 v13, v15;
	[tilespmem:s6+$0xFFFFFF40] =	vst v9  }
0x1a1: {  	v13 =	vor.u32 $0x7, v2;
	v2 =	vmov v3;
	v9 =	vld [tilespmem:s10+$0xFFFFFF20]  }
0x1a2: {  	v3 =	vld [tilespmem:s10+$0x20];
	[tilespmem:s7+$0xB0] =	vst v12  }
0x1a3: {  	v7 =	vld.idx.msk [tilespmem:v7+s29+$0x0], $0xffff  }
0x1a4: {  	v12 =	vor.u32 $0x3, v0;
	v14 =	vld [tilespmem:s10+$0x130]  }
0x1a5: {  	v16 =	vor.u32 $0x3, v1;
	v15 =	vld [tilespmem:s10+$0xFFFFFE20]  }
0x1a6: {  	v6 =	vmul.f32 v9, v6;
	v9 =	vld.idx.msk [tilespmem:v13+s29+$0x0], $0xffff  }
0x1a7: {  	v3 =	vmul.f32 v3, v5;
	v5 =	vor.u32 $0x4, v4;
	v13 =	vld [tilespmem:s9+$0xFFFFFF70]  }
0x1a8: {  	v17 =	vmov s11;
	[tilespmem:s7+$0xFFFFFF90] =	vst v6;
	v6 =	vld [tilespmem:s9+$0x70]  }
0x1a9: {  	v17 =	vmul.u32 $0x90, v17;
	v18 =	vor.u32 $0x3, v2;
	v12 =	vld.idx.msk [tilespmem:v12+s29+$0x0], $0xffff;
	[tilespmem:s7+$0x20] =	vst v3;
	v3 =	vmul.f32 v14, v7  }
0x1aa: {  	v7 =	vmul.f32 v15, v10;
	v10 =	vld.idx.msk [tilespmem:v16+s29+$0x0], $0xffff  }
0x1ab: {  	v14 =	vadd.s32 $0x80, v17;
	v15 =	vld [tilespmem:s10+$0xFFFFFF30];
	[tilespmem:s7+$0xC0] =	vst v3  }
0x1ac: {  	v3 =	vbroadcast v14, $0x0;
	[tilespmem:s7+$0xFFFFFF00] =	vst v7;
	v5 =	vld.idx.msk [tilespmem:v5+s29+$0x0], $0xffff;
	v7 =	vmul.f32 v13, v11  }
0x1ad: {  	v11 =	vld [tilespmem:s10+$0x140];
	v6 =	vmul.f32 v6, v8  }
0x1ae: {  	v13 =	vor.u32 $0x4, v0;
	v8 =	vld.idx.msk [tilespmem:v18+s29+$0x0], $0xffff;
	[tilespmem:s6+$0xFFFFFFE0] =	vst v7  }
0x1af: {  	v14 =	vld [tilespmem:s10+$0x30];
	[tilespmem:s6+$0x70] =	vst v6  }
0x1b0: {  	s12 =	sadd.s32 $0x1, s11;
	v6 =	vld [tilespmem:s10+$0xFFFFFE30];
	v12 =	vmul.f32 v15, v12;
	v15 =	vor.u32 $0x5, v4  }
0x1b1: {  	v16 =	vmov s12;
	v17 =	vld [tilespmem:s9+$0xFFFFFE70];
	s9 =	smov.u32 s10  }
0x1b2: {  	v16 =	vmul.u32 $0x90, v16;
	v7 =	vld.idx.msk [tilespmem:v3+s29+$0x0], $0xffff;
	[tilespmem:s7+$0xFFFFFFA0] =	vst v12;
	v12 =	vor.u32 $0x4, v1;
	v5 =	vmul.f32 v11, v5  }
0x1b3: {  	v11 =	vor.u32 $0x4, v2;
	v13 =	vld.idx.msk [tilespmem:v13+s29+$0x0], $0xffff  }
0x1b4: {  	v16 =	vadd.s32 $0x80, v16;
	v18 =	vld [tilespmem:s10+$0xFFFFFF40];
	v10 =	vmul.f32 v14, v10;
	[tilespmem:s7+$0xD0] =	vst v5  }
0x1b5: {  	s12 =	sadd.s32 $0x2, s11;
	v5 =	vbroadcast v16, $0x0;
	v6 =	vmul.f32 v6, v8;
	v8 =	vld.idx.msk [tilespmem:v15+s29+$0x0], $0xffff  }
0x1b6: {  	v14 =	vmov s12;
	[tilespmem:s7+$0x30] =	vst v10;
	v10 =	vld [tilespmem:s10+$0x150];
	v9 =	vmul.f32 v17, v9  }
0x1b7: {  	v16 =	vor.u32 $0x5, v0;
	v14 =	vmul.u32 $0x90, v14;
	[tilespmem:s7+$0xFFFFFF10] =	vst v6;
	v12 =	vld.idx.msk [tilespmem:v12+s29+$0x0], $0xffff  }
0x1b8: {  	v11 =	vld.idx.msk [tilespmem:v11+s29+$0x0], $0xffff;
	[tilespmem:s6+$0xFFFFFF50] =	vst v9;
	s6 =	smov.u32 s7  }
.Ltmp1:
0x1b9: {  	v6 =	vadd.s32 $0x80, v14;
	v13 =	vmul.f32 v18, v13;
	v15 =	vld [tilespmem:s10+$0x40];
	v18 =	vor.u32 $0x6, v4;
	(pc) =	sbr.rel @p1 .LBB2_5-.Ltmp1, $4  }
0x1ba: {  	v6 =	vbroadcast v6, $0x0;
	v14 =	vld [tilespmem:s10+$0xFFFFFE40]  }
0x1bb: {  	s12 =	sadd.s32 $0x3, s11;
	v9 =	vld.idx.msk [tilespmem:v5+s29+$0x0], $0xffff;
	[tilespmem:s7+$0xFFFFFFB0] =	vst v13;
	v19 =	vmul.f32 v10, v8  }
0x1bc: {  	v8 =	vmov s12;
	v10 =	vld.idx.msk [tilespmem:v16+s29+$0x0], $0xffff;
	v16 =	vor.u32 $0x5, v1  }
0x1bd: {  	s11 =	sadd.s32 $0x4, s11;
	v17 =	vor.u32 $0x5, v2;
	v8 =	vmul.u32 $0x90, v8;
	v13 =	vld [tilespmem:s10+$0xFFFFFF50];
	[tilespmem:s7+$0xE0] =	vst v19  }
0x1be: {  	_ =	sdelay $0x3  }
0x1bf: {  	v18 =	vld.idx.msk [tilespmem:v18+s29+$0x0], $0xffff  }
0x1c0: {  	v19 =	vld [tilespmem:s10+$0x160];
	v8 =	vadd.s32 $0x80, v8  }
0x1c1: {  	v12 =	vmul.f32 v15, v12;
	v15 =	vld.idx.msk [tilespmem:v6+s29+$0x0], $0xffff;
	s11 =	sadd.s32 $0x400, s10;
	v8 =	vbroadcast v8, $0x0  }
0x1c2: {  	v57 =	vld [tilespmem:s11+$0xFFFFFF00]  }
0x1c3: {  	v11 =	vmul.f32 v14, v11;
	v25 =	vld [tilespmem:s11+$0xFFFFFE00]  }
0x1c4: {  	[tilespmem:s7+$0x40] =	vst v12;
	v12 =	vld [tilespmem:s11+$0x100]  }
0x1c5: {  	[tilespmem:s7+$0xFFFFFF20] =	vst v11;
	v11 =	vld [tilespmem:s11+$0x0]  }
0x1c6: {  	v59 =	vor.u32 $0x1, v3;
	v14 =	vld.idx.msk [tilespmem:v16+s29+$0x0], $0xffff  }
0x1c7: {  	v20 =	vld.idx.msk [tilespmem:v8+s29+$0x0], $0xffff  }
0x1c8: {  	v24 =	vor.u32 $0x1, v6;
	v22 =	vld [tilespmem:s10+$0x50];
	v7 =	vmul.f32 v25, v7  }
0x1c9: {  	s24 =	sadd.s32 $0x240, s7;
	v17 =	vld.idx.msk [tilespmem:v17+s29+$0x0], $0xffff  }
0x1ca: {  	v21 =	vor.u32 $0x1, v8;
	v58 =	vld [tilespmem:s10+$0xFFFFFE50];
	v11 =	vmul.f32 v11, v15;
	[tilespmem:s24+$0xFFFFFEE0] =	vst v7  }
0x1cb: {  	v7 =	vld.idx.msk [tilespmem:v59+s29+$0x0], $0xffff  }
0x1cc: {  	v23 =	vor.u32 $0x1, v5;
	v62 =	vld [tilespmem:s11+$0xFFFFFE10];
	[tilespmem:s24+$0x0] =	vst v11;
	v12 =	vmul.f32 v12, v20  }
0x1cd: {  	v11 =	vld.idx.msk [tilespmem:v24+s29+$0x0], $0xffff  }
0x1ce: {  	v9 =	vmul.f32 v57, v9;
	v61 =	vld [tilespmem:s11+$0x10];
	[tilespmem:s24+$0x90] =	vst v12  }
0x1cf: {  	v4 =	vor.u32 $0x7, v4;
	v12 =	vld.idx.msk [tilespmem:v21+s29+$0x0], $0xffff  }
0x1d0: {  	v10 =	vmul.f32 v13, v10;
	[tilespmem:s24+$0xFFFFFF70] =	vst v9;
	v9 =	vld [tilespmem:s11+$0x110]  }
0x1d1: {  	v63 =	vor.u32 $0x2, v6;
	v18 =	vmul.f32 v19, v18;
	v60 =	vld.idx.msk [tilespmem:v23+s29+$0x0], $0xffff  }
0x1d2: {  	[tilespmem:s7+$0xFFFFFFC0] =	vst v10;
	v13 =	vld [tilespmem:s11+$0xFFFFFF10]  }
0x1d3: {  	v10 =	vor.u32 $0x2, v8;
	[tilespmem:s7+$0xF0] =	vst v18;
	v35 =	vld [tilespmem:s9+$0xFFFFFF60];
	v11 =	vmul.f32 v61, v11  }
0x1d4: {  	v4 =	vld.idx.msk [tilespmem:v4+s29+$0x0], $0xffff;
	v7 =	vmul.f32 v62, v7  }
0x1d5: {  	v29 =	vld [tilespmem:s9+$0x170];
	[tilespmem:s24+$0x10] =	vst v11;
	v9 =	vmul.f32 v9, v12;
	v12 =	vor.u32 $0x2, v5  }
0x1d6: {  	[tilespmem:s24+$0xFFFFFEF0] =	vst v7;
	v11 =	vld.idx.msk [tilespmem:v63+s29+$0x0], $0xffff  }
0x1d7: {  	v7 =	vld [tilespmem:s11+$0x20];
	[tilespmem:s24+$0xA0] =	vst v9;
	v9 =	vmul.f32 v13, v60  }
0x1d8: {  	v10 =	vld.idx.msk [tilespmem:v10+s29+$0x0], $0xffff  }
0x1d9: {  	v14 =	vmul.f32 v22, v14;
	v13 =	vor.u32 $0x2, v3;
	v24 =	vld [tilespmem:s11+$0x120];
	[tilespmem:s24+$0xFFFFFF80] =	vst v9  }
0x1da: {  	v15 =	vor.u32 $0x6, v0;
	v9 =	vld.idx.msk [tilespmem:v12+s29+$0x0], $0xffff  }
0x1db: {  	[tilespmem:s7+$0x50] =	vst v14;
	v14 =	vor.u32 $0x3, v6;
	v25 =	vld [tilespmem:s11+$0xFFFFFF20]  }
0x1dc: {  	v26 =	vor.u32 $0x3, v8;
	v41 =	vld [tilespmem:s9+$0x60]  }
0x1dd: {  	v28 =	vld [tilespmem:s11+$0xFFFFFE20];
	v7 =	vmul.f32 v7, v11  }
0x1de: {  	v27 =	vor.u32 $0x3, v5;
	v13 =	vld.idx.msk [tilespmem:v13+s29+$0x0], $0xffff;
	v10 =	vmul.f32 v24, v10  }
0x1df: {  	v15 =	vld.idx.msk [tilespmem:v15+s29+$0x0], $0xffff;
	[tilespmem:s24+$0x20] =	vst v7  }
0x1e0: {  	v14 =	vld.idx.msk [tilespmem:v14+s29+$0x0], $0xffff;
	[tilespmem:s24+$0xB0] =	vst v10;
	v9 =	vmul.f32 v25, v9  }
0x1e1: {  	v11 =	vor.u32 $0x3, v3;
	v10 =	vld.idx.msk [tilespmem:v26+s29+$0x0], $0xffff  }
0x1e2: {  	v30 =	vld [tilespmem:s11+$0x130];
	[tilespmem:s24+$0xFFFFFF90] =	vst v9  }
0x1e3: {  	v12 =	vor.u32 $0x6, v1;
	v7 =	vmul.f32 v28, v13;
	v9 =	vld.idx.msk [tilespmem:v27+s29+$0x0], $0xffff  }
0x1e4: {  	v13 =	vor.u32 $0x6, v2;
	v31 =	vld [tilespmem:s11+$0xFFFFFF30]  }
0x1e5: {  	v32 =	vor.u32 $0x4, v8;
	v33 =	vld [tilespmem:s11+$0x30];
	[tilespmem:s24+$0xFFFFFF00] =	vst v7;
	v7 =	vmul.f32 v58, v17  }
0x1e6: {  	v11 =	vld.idx.msk [tilespmem:v11+s29+$0x0], $0xffff  }
0x1e7: {  	v34 =	vld [tilespmem:s11+$0xFFFFFE30];
	[tilespmem:s7+$0xFFFFFF30] =	vst v7;
	v7 =	vmul.f32 v30, v10;
	v10 =	vor.u32 $0x4, v5  }
0x1e8: {  	v12 =	vld.idx.msk [tilespmem:v12+s29+$0x0], $0xffff  }
0x1e9: {  	v13 =	vld.idx.msk [tilespmem:v13+s29+$0x0], $0xffff;
	[tilespmem:s24+$0xC0] =	vst v7;
	v7 =	vmul.f32 v31, v9;
	v9 =	vor.u32 $0x4, v6  }
0x1ea: {  	v36 =	vor.u32 $0x4, v3;
	v17 =	vld.idx.msk [tilespmem:v32+s29+$0x0], $0xffff  }
0x1eb: {  	v37 =	vld [tilespmem:s11+$0x140];
	[tilespmem:s24+$0xFFFFFFA0] =	vst v7;
	v7 =	vmul.f32 v33, v14  }
0x1ec: {  	v11 =	vmul.f32 v34, v11;
	v10 =	vld.idx.msk [tilespmem:v10+s29+$0x0], $0xffff  }
0x1ed: {  	v14 =	vld [tilespmem:s11+$0xFFFFFF40];
	[tilespmem:s24+$0x30] =	vst v7  }
0x1ee: {  	v1 =	vor.u32 $0x7, v1;
	[tilespmem:s24+$0xFFFFFF10] =	vst v11;
	v7 =	vld.idx.msk [tilespmem:v9+s29+$0x0], $0xffff  }
0x1ef: {  	v11 =	vld.idx.msk [tilespmem:v36+s29+$0x0], $0xffff  }
0x1f0: {  	v12 =	vmul.f32 v41, v12;
	v9 =	vor.u32 $0x5, v8;
	v38 =	vld [tilespmem:s11+$0x40]  }
0x1f1: {  	v39 =	vor.u32 $0x5, v5;
	v40 =	vld [tilespmem:s11+$0xFFFFFE40];
	v17 =	vmul.f32 v37, v17  }
0x1f2: {  	v42 =	vld [tilespmem:s9+$0xFFFFFE60];
	[tilespmem:s6+$0x60] =	vst v12  }
0x1f3: {  	v1 =	vld.idx.msk [tilespmem:v1+s29+$0x0], $0xffff;
	[tilespmem:s24+$0xD0] =	vst v17;
	v10 =	vmul.f32 v14, v10;
	v14 =	vor.u32 $0x5, v6  }
0x1f4: {  	v44 =	vld [tilespmem:s11+$0x150]  }
0x1f5: {  	v43 =	vor.u32 $0x5, v3;
	v9 =	vld.idx.msk [tilespmem:v9+s29+$0x0], $0xffff;
	[tilespmem:s24+$0xFFFFFFB0] =	vst v10;
	v7 =	vmul.f32 v38, v7  }
0x1f6: {  	v11 =	vmul.f32 v40, v11;
	v10 =	vld.idx.msk [tilespmem:v39+s29+$0x0], $0xffff  }
0x1f7: {  	v45 =	vld [tilespmem:s11+$0xFFFFFF50];
	[tilespmem:s24+$0x40] =	vst v7  }
0x1f8: {  	v0 =	vor.u32 $0x7, v0;
	[tilespmem:s24+$0xFFFFFF20] =	vst v11;
	v11 =	vmul.f32 v35, v15;
	v7 =	vld.idx.msk [tilespmem:v14+s29+$0x0], $0xffff  }
0x1f9: {  	v15 =	vor.u32 $0x6, v8;
	v46 =	vld [tilespmem:s11+$0x50]  }
0x1fa: {  	v14 =	vld.idx.msk [tilespmem:v43+s29+$0x0], $0xffff;
	[tilespmem:s6+$0xFFFFFFD0] =	vst v11;
	v11 =	vmul.f32 v42, v13  }
0x1fb: {  	v12 =	vor.u32 $0x6, v5;
	v13 =	vld [tilespmem:s11+$0xFFFFFE50];
	v9 =	vmul.f32 v44, v9  }
0x1fc: {  	v48 =	vld [tilespmem:s9+$0x70];
	[tilespmem:s6+$0xFFFFFF40] =	vst v11;
	v11 =	vor.u32 $0x6, v6  }
0x1fd: {  	v0 =	vld.idx.msk [tilespmem:v0+s29+$0x0], $0xffff;
	[tilespmem:s24+$0xE0] =	vst v9;
	v9 =	vmul.f32 v45, v10  }
0x1fe: {  	v10 =	vor.u32 $0x6, v3;
	v15 =	vld.idx.msk [tilespmem:v15+s29+$0x0], $0xffff;
	v7 =	vmul.f32 v46, v7  }
0x1ff: {  	v47 =	vld [tilespmem:s11+$0x160];
	[tilespmem:s24+$0xFFFFFFC0] =	vst v9  }
0x200: {  	v9 =	vmul.f32 v13, v14;
	v12 =	vld.idx.msk [tilespmem:v12+s29+$0x0], $0xffff;
	[tilespmem:s24+$0x50] =	vst v7  }
0x201: {  	v2 =	vor.u32 $0x7, v2;
	v7 =	vld.idx.msk [tilespmem:v11+s29+$0x0], $0xffff  }
0x202: {  	[tilespmem:s24+$0xFFFFFF30] =	vst v9;
	v11 =	vld [tilespmem:s11+$0x60]  }
0x203: {  	v9 =	vld.idx.msk [tilespmem:v10+s29+$0x0], $0xffff  }
0x204: {  	v8 =	vor.u32 $0x7, v8;
	v10 =	vld [tilespmem:s11+$0xFFFFFF60]  }
0x205: {  	v13 =	vld [tilespmem:s11+$0xFFFFFE60]  }
0x206: {  	v6 =	vor.u32 $0x7, v6;
	v2 =	vld.idx.msk [tilespmem:v2+s29+$0x0], $0xffff;
	v15 =	vmul.f32 v47, v15  }
0x207: {  	v49 =	vld [tilespmem:s9+$0xFFFFFE70]  }
0x208: {  	v5 =	vor.u32 $0x7, v5;
	v14 =	vld [tilespmem:s9+$0xFFFFFF70];
	[tilespmem:s24+$0xF0] =	vst v15;
	v7 =	vmul.f32 v11, v7  }
0x209: {  	v8 =	vld.idx.msk [tilespmem:v8+s29+$0x0], $0xffff;
	v10 =	vmul.f32 v10, v12  }
0x20a: {  	v3 =	vor.u32 $0x7, v3;
	v11 =	vld [tilespmem:s11+$0x170];
	v9 =	vmul.f32 v13, v9;
	[tilespmem:s24+$0x60] =	vst v7  }
0x20b: {  	[tilespmem:s24+$0xFFFFFFD0] =	vst v10;
	v6 =	vld.idx.msk [tilespmem:v6+s29+$0x0], $0xffff  }
0x20c: {  	[tilespmem:s24+$0xFFFFFF40] =	vst v9;
	v9 =	vld [tilespmem:s11+$0x70]  }
0x20d: {  	v5 =	vld.idx.msk [tilespmem:v5+s29+$0x0], $0xffff  }
0x20e: {  	v4 =	vmul.f32 v29, v4;
	v7 =	vld [tilespmem:s11+$0xFFFFFF70]  }
0x20f: {  	v0 =	vmul.f32 v14, v0;
	v3 =	vld.idx.msk [tilespmem:v3+s29+$0x0], $0xffff  }
0x210: {  	[tilespmem:s6+$0x100] =	vst v4;
	v1 =	vmul.f32 v48, v1;
	v4 =	vld [tilespmem:s11+$0xFFFFFE70]  }
0x211: {  	[tilespmem:s6+$0xFFFFFFE0] =	vst v0;
	v0 =	vmul.f32 v49, v2  }
0x212: {  	[tilespmem:s6+$0x70] =	vst v1;
	v1 =	vmul.f32 v11, v8  }
0x213: {  	[tilespmem:s6+$0xFFFFFF50] =	vst v0;
	v0 =	vmul.f32 v7, v5  }
0x214: {  	[tilespmem:s24+$0x100] =	vst v1;
	v1 =	vmul.f32 v9, v6  }
0x215: {  	[tilespmem:s24+$0xFFFFFFE0] =	vst v0;
	v0 =	vmul.f32 v4, v3  }
0x216: {  	s3 =	smin.u32 s3, $0x1F3D;
	[tilespmem:s24+$0x70] =	vst v1  }
0x217: {  	s3 =	smul.u32 $0xA0, s3;
	[tilespmem:s24+$0xFFFFFF50] =	vst v0  }
0x218: {  	[spmem:s2] =	stream.indirect.scatter.add.f32 [tilespmem:s29], [sflag:$0x3], $0x90, s18, s17, $0xb8;
	[tilespmem:$0x1EF50] =	vst v63  }
0x219: {  	s3 =	sshrl.u32 s3, $0x3;
	_ =	swait.ge [sflag:s16], $0x1680  }
0x21a: {  	s3 =	sadd.s32 s5, s3;
	[sflag:s16] =	ssyncset.done $0x0  }
0x21b: {  	s9 =	sadd.s32 $0x28, s3;
	s3 =	simm.s32 $0x0;
	[sflag:s16] =	ssyncadd.s32 $0xFFFFE980  }
0x21c: {  	[tilespmem:s15], [sflag:$0x3] =	stream.linear.gather [hbm4b:s9+s3], $0xA0, $0x38;
	[tilespmem:$0x1EF50] =	vst v63  }
0x21d: {  	_ =	swait.ge [sflag:s16], $0xA0  }
0x21e: {  	[sflag:s16] =	ssyncset.done $0x0  }
0x21f: {  	[sflag:s16] =	ssyncadd.s32 $0xFFFFFF60  }
0x220: {  	[tilespmem:s19], [sflag:$0x1] =	stream.indirect.gather [hbm4b:s1+s17], $0x80, s18, s17, $0xb8;
	[tilespmem:$0x1EF50] =	vst v63  }
0x221: {  	_ = 	snop  }
0x222: {  	[tilespmem:s20], [sflag:$0x1] =	stream.indirect.gather [hbm4b:s4+s17], $0x100, s15, s17, $0xb8;
	[tilespmem:$0x1EF50] =	vst v63  }
0x223: {  	_ =	swait.ge [sflag:s30], $0x1400  }
0x224: {  	[sflag:s30] =	ssyncset.done $0x0  }
0x225: {  	[sflag:s30] =	ssyncadd.s32 $0xFFFFEC00  }
0x226: {  	_ =	swait.ge [sflag:s30], $0x2800  }
0x227: {  	[sflag:s30] =	ssyncset.done $0x0  }
0x228: {  	s10 =	simm.s32 $0x19DD0;
	[sflag:s30] =	ssyncadd.s32 $0xFFFFD800  }
0x229: {  	s11 =	simm.s32 $0x1B2D0;
	v0 =	vld [tilespmem:s10+$0x80]  }
0x22a: {  	v1 =	vld [tilespmem:s11+$0x100]  }
0x22b: {  	v2 =	vld [tilespmem:s10+$0xFFFFFF00]  }
0x22c: {  	v3 =	vld [tilespmem:s10+$0x90]  }
0x22d: {  	v4 =	vld [tilespmem:s11+$0x110]  }
0x22e: {  	v5 =	vld [tilespmem:s11+$0xFFFFFE00]  }
0x22f: {  	v6 =	vld [tilespmem:s10+$0xA0]  }
0x230: {  	v7 =	vld [tilespmem:s11+$0x120]  }
0x231: {  	v8 =	vld [tilespmem:s10+$0xFFFFFF10]  }
0x232: {  	v9 =	vld [tilespmem:s10+$0xB0]  }
0x233: {  	v10 =	vld [tilespmem:s11+$0x130]  }
0x234: {  	v11 =	vld [tilespmem:s11+$0xFFFFFE10]  }
0x235: {  	v12 =	vld [tilespmem:s10+$0xC0]  }
0x236: {  	v13 =	vld [tilespmem:s11+$0x140]  }
0x237: {  	v14 =	vld [tilespmem:s10+$0xFFFFFF20]  }
0x238: {  	v15 =	vld [tilespmem:s10+$0xD0]  }
0x239: {  	v50 =	vld [tilespmem:s11+$0x150]  }
0x23a: {  	v51 =	vld [tilespmem:s11+$0xFFFFFE20]  }
0x23b: {  	v52 =	vld [tilespmem:s10+$0xE0]  }
0x23c: {  	v53 =	vld [tilespmem:s11+$0x160]  }
0x23d: {  	v54 =	vld [tilespmem:s10+$0xFFFFFF30]  }
0x23e: {  	v55 =	vld [tilespmem:s10+$0xF0]  }
0x23f: {  	v56 =	vld [tilespmem:s11+$0x170];
	v0 =	vmul.f32 v1, v0  }
0x240: {  	v57 =	vld [tilespmem:s11+$0xFFFFFE30];
	v3 =	vmul.f32 v4, v3  }
0x241: {  	v58 =	vld [tilespmem:s10+$0xFFFFFF40];
	(xrf2) =	vadd.scan.msk.f32 $0xffff, v0;
	v0 =	vmul.f32 v7, v6  }
0x242: {  	v59 =	vld [tilespmem:s11+$0xFFFFFE40];
	(xrf2) =	vadd.scan.msk.f32 $0xffff, v3;
	v3 =	vmul.f32 v10, v9  }
0x243: {  	v26 =	vld [tilespmem:s10+$0xFFFFFF50];
	(xrf2) =	vadd.scan.msk.f32 $0xffff, v0  }
0x244: {  	v60 =	vld [tilespmem:s10+$0xFFFFFFB0];
	v0 =	vmul.f32 v13, v12;
	(xrf2) =	vadd.scan.msk.f32 $0xffff, v3  }
0x245: {  	v63 =	vld [tilespmem:s10+$0xFFFFFFC0];
	v3 =	vmul.f32 v50, v15  }
0x246: {  	v33 =	vld [tilespmem:s10+$0xFFFFFFE0];
	(xrf2) =	vadd.scan.msk.f32 $0xffff, v0;
	v0 =	vmul.f32 v53, v52  }
0x247: {  	v36 =	vld [tilespmem:s10+$0xFFFFFFF0];
	(xrf2) =	vadd.scan.msk.f32 $0xffff, v3;
	v3 =	vmul.f32 v56, v55  }
0x248: {  	v7 =	vld [tilespmem:s10+$0xFFFFFF70];
	(xrf2) =	vadd.scan.msk.f32 $0xffff, v0  }
0x249: {  	v9 =	vld [tilespmem:s11+$0xFFFFFE70];
	(xrf2) =	vadd.scan.msk.f32 $0xffff, v3  }
0x24a: {  	v1 =	vld [tilespmem:s11+$0xFFFFFE50]  }
0x24b: {  	v4 =	vld [tilespmem:s10+$0xFFFFFF60];
	v2 =	vmul.f32 v5, v2;
	v5 =	vmul.f32 v11, v8;
	v8, _, _ =	vpop (xrf2)  }
0x24c: {  	v6 =	vld [tilespmem:s11+$0xFFFFFE60];
	v61, _, _ =	vpop (xrf2)  }
0x24d: {  	v11 =	vld [tilespmem:s11+$0xFFFFFF30];
	v14 =	vmul.f32 v51, v14;
	v28, _, _ =	vpop (xrf2);
	(xrf2) =	vadd.scan.msk.f32 $0xffff, v2  }
0x24e: {  	v10 =	vld [tilespmem:s10+$0xFFFFFF80];
	v30, _, _ =	vpop (xrf2);
	(xrf2) =	vadd.scan.msk.f32 $0xffff, v5;
	v5 =	vmul.f32 v9, v7;
	v9 =	vbroadcast v61, $0xF  }
0x24f: {  	v62 =	vmul.f32 v57, v54;
	v29 =	vmul.f32 v59, v58;
	v12 =	vld [tilespmem:s11+$0xFFFFFF00]  }
0x250: {  	v13 =	vld [tilespmem:s10+$0xFFFFFF90];
	v1 =	vmul.f32 v1, v26;
	v8 =	vbroadcast v8, $0xF;
	v7, _, _ =	vpop (xrf2);
	(xrf2) =	vadd.scan.msk.f32 $0xffff, v14;
	v9 =	vnsel vm1, $0x0, v9  }
0x251: {  	v15 =	vld [tilespmem:s11+$0xFFFFFF20];
	v4 =	vmul.f32 v6, v4;
	v20 =	vbroadcast v28, $0xF;
	v31, _, _ =	vpop (xrf2)  }
0x252: {  	v0 =	vld [tilespmem:s11+$0xFFFFFF10];
	v8 =	vnsel vm0, $0x0, v8;
	v22 =	vbroadcast v30, $0xF;
	(xrf2) =	vadd.scan.msk.f32 $0xffff, v62;
	v7 =	vbroadcast v7, $0xF;
	v34, _, _ =	vpop (xrf2)  }
0x253: {  	v3 =	vld [tilespmem:s10+$0xFFFFFFA0];
	v20 =	vnsel vm2, $0x0, v20;
	v18 =	vbroadcast v31, $0xF;
	v8 =	vadd.f32 v9, v8;
	v9, _, _ =	vpop (xrf2)  }
0x254: {  	v2 =	vld [tilespmem:s11+$0xFFFFFF40];
	(xrf2) =	vadd.scan.msk.f32 $0xffff, v29;
	v22 =	vnsel vm3, $0x0, v22;
	v24 =	vbroadcast v34, $0xF;
	v9 =	vbroadcast v9, $0xF  }
0x255: {  	v6 =	vld [tilespmem:s10+$0xFFFFFFD0];
	v10 =	vmul.f32 v12, v10;
	(xrf2) =	vadd.scan.msk.f32 $0xffff, v1;
	v7 =	vnsel vm4, $0x0, v7;
	v20 =	vadd.f32 v22, v20  }
0x256: {  	v14 =	vld [tilespmem:s11+$0xFFFFFF50];
	v18 =	vnsel vm5, $0x0, v18;
	(xrf2) =	vadd.scan.msk.f32 $0xffff, v4;
	v24 =	vnsel vm6, $0x0, v24;
	v9 =	vnsel vm7, $0x0, v9  }
0x257: {  	v1 =	vld [tilespmem:s11+$0xFFFFFF70];
	v7 =	vadd.f32 v18, v7;
	(xrf2) =	vadd.scan.msk.f32 $0xffff, v5;
	v9 =	vadd.f32 v9, v24  }
0x258: {  	v35 =	vld [tilespmem:s11+$0xFFFFFF60];
	v11 =	vmul.f32 v11, v60;
	v0 =	vmul.f32 v0, v13;
	v8 =	vadd.f32 v20, v8;
	v38, _, _ =	vpop (xrf2)  }
0x259: {  	s14 =	simm.s32 $0x1;
	v13 =	vld [tilespmem:s10+$0x10];
	v3 =	vmul.f32 v15, v3;
	v2 =	vmul.f32 v2, v63;
	(xrf2) =	vadd.scan.msk.f32 $0xffff, v10;
	v5, _, _ =	vpop (xrf2);
	v7 =	vadd.f32 v9, v7  }
0x25a: {  	v42 =	vmov s14;
	v15 =	vld [tilespmem:s11+$0x10];
	(xrf2) =	vadd.scan.msk.f32 $0xffff, v0;
	v9 =	vbroadcast v38, $0xF;
	v5 =	vbroadcast v5, $0xF;
	v10, _, _ =	vpop (xrf2)  }
0x25b: {  	v0 =	vmul.f32 v14, v6;
	(xrf2) =	vadd.scan.msk.f32 $0xffff, v3;
	v6 =	vadd.f32 v7, v8;
	v7 =	vbroadcast v10, $0xF;
	v10 =	vld [tilespmem:s10+$0x30]  }
0x25c: {  	v1 =	vmul.f32 v1, v36;
	(xrf2) =	vadd.scan.msk.f32 $0xffff, v11;
	v8, _, _ =	vpop (xrf2);
	v3 =	vnsel vm0, $0x0, v9;
	v5 =	vnsel vm1, $0x0, v5;
	v9 =	vld [tilespmem:s11+$0x30]  }
0x25d: {  	s12 =	simm.s32 $0x3;
	v37 =	vld [tilespmem:s10+$0x0];
	(xrf2) =	vadd.scan.msk.f32 $0xffff, v2;
	v8 =	vbroadcast v8, $0xF;
	v3 =	vadd.f32 v5, v3;
	v5 =	vmul.f32 v35, v33  }
0x25e: {  	v32 =	vmov s12;
	v17 =	vand.u32 $0x3D, v42;
	v39 =	vld [tilespmem:s10+$0x20];
	(xrf2) =	vadd.scan.msk.f32 $0xffff, v0;
	v11, _, _ =	vpop (xrf2)  }
0x25f: {  	v17 =	vadd.s32 $0x50, v17;
	s24 =	simm.s32 $0x2;
	v40 =	vld [tilespmem:s11+$0x20];
	v2 =	vnsel vm3, $0x0, v8;
	v8 =	vbroadcast v11, $0xF;
	v11, _, _ =	vpop (xrf2);
	(xrf2) =	vadd.scan.msk.f32 $0xffff, v5  }
0x260: {  	v44 =	vmov s24;
	v12 =	vld [tilespmem:s11+$0x0];
	v7 =	vnsel vm2, $0x0, v7;
	v5 =	vmul.f32 v15, v13;
	(xrf2) =	vadd.scan.msk.f32 $0xffff, v1;
	v1, _, _ =	vpop (xrf2)  }
0x261: {  	v13 =	vld [tilespmem:s11+$0x40];
	v0 =	vadd.f32 v2, v7;
	v7 =	vbroadcast v11, $0xF;
	v9 =	vmul.f32 v9, v10;
	v10, _, _ =	vpop (xrf2)  }
0x262: {  	v4 =	vand.u32 $0x3F, v32;
	v14 =	vmov s3;
	v15 =	vld [tilespmem:s10+$0x50];
	v10 =	vbroadcast v10, $0xF  }
0x263: {  	v14 =	vand.u32 $0x3C, v14;
	v11 =	vld [tilespmem:s10+$0x40];
	v8 =	vnsel vm4, $0x0, v8;
	v7 =	vnsel vm5, $0x0, v7  }
0x264: {  	v1 =	vbroadcast v1, $0xF;
	v41, _, _ =	vpop (xrf2);
	v7 =	vadd.f32 v7, v8;
	v8 =	vld [tilespmem:s11+$0x50];
	v10 =	vnsel vm7, $0x0, v10  }
0x265: {  	v19 =	vand.u32 $0x3E, v44;
	v4 =	vadd.s32 $0x50, v4;
	v14 =	vadd.s32 $0x50, v14;
	v43, _, _ =	vpop (xrf2)  }
0x266: {  	v2 =	vmul.f32 v12, v37;
	v12 =	vmul.f32 v40, v39;
	v1 =	vnsel vm6, $0x0, v1;
	v46, _, _ =	vpop (xrf2)  }
0x267: {  	v45 =	vld [tilespmem:s10+$0x60];
	v3 =	vadd.f32 v0, v3;
	v0 =	vbroadcast v41, $0xF;
	v1 =	vadd.f32 v10, v1;
	v10, _, _ =	vpop (xrf2)  }
0x268: {  	v47 =	vld [tilespmem:s11+$0x60];
	v49 =	vbroadcast v43, $0xF;
	v11 =	vmul.f32 v13, v11;
	v13 =	vadd.s32 $0x50, v19;
	v50, _, _ =	vpop (xrf2)  }
0x269: {  	v48 =	vld [tilespmem:s10+$0x70];
	v1 =	vadd.f32 v1, v7;
	v7 =	vbroadcast v46, $0xF;
	v8 =	vmul.f32 v8, v15;
	v15, _, _ =	vpop (xrf2)  }
0x26a: {  	v17 =	vld.idx.msk [tilespmem:v17+s21+$0x0], $0xffff;
	v52 =	vnsel vm0, $0x0, v0;
	v16 =	vnsel vm1, $0x0, v49;
	v0 =	vbroadcast v10, $0xF;
	v10, _, _ =	vpop (xrf2)  }
0x26b: {  	v51 =	vld [tilespmem:s11+$0x70];
	(xrf2) =	vadd.scan.msk.f32 $0xffff, v2;
	v7 =	vnsel vm2, $0x0, v7;
	v18 =	vbroadcast v50, $0xF;
	v2 =	vbroadcast v15, $0xF;
	v15, _, _ =	vpop (xrf2)  }
0x26c: {  	v4 =	vld.idx.msk [tilespmem:v4+s21+$0x0], $0xffff;
	(xrf2) =	vadd.scan.msk.f32 $0xffff, v5;
	v53 =	vnsel vm3, $0x0, v0;
	v5 =	vbroadcast v10, $0xF;
	v10 =	vbroadcast v15, $0xF  }
0x26d: {  	s9 =	simm.s32 $0x19FD0;
	(xrf2) =	vadd.scan.msk.f32 $0xffff, v12;
	v0 =	vld.idx.msk [tilespmem:v13+s21+$0x0], $0xffff;
	v13 =	vadd.f32 v16, v52;
	v7 =	vadd.f32 v53, v7;
	v15 =	vnsel vm4, $0x0, v18  }
0x26e: {  	v57 =	vld [tilespmem:s9+$0xD0];
	(xrf2) =	vadd.scan.msk.f32 $0xffff, v9;
	v2 =	vnsel vm5, $0x0, v2;
	v5 =	vnsel vm6, $0x0, v5;
	v9 =	vnsel vm7, $0x0, v10  }
0x26f: {  	v14 =	vld.idx.msk [tilespmem:v14+s21+$0x0], $0xffff;
	v2 =	vadd.f32 v2, v15;
	v5 =	vadd.f32 v9, v5  }
0x270: {  	v54 =	vmul.f32 v47, v45;
	v56 =	vld [tilespmem:s9+$0xFFFFFF20]  }
0x271: {  	v4 =	vmul.f32 v4, v6;
	s10 =	simm.s32 $0x1B6D0;
	v12 =	vld [tilespmem:s9+$0x80];
	(xrf2) =	vadd.scan.msk.f32 $0xffff, v11;
	v6 =	vadd.f32 v7, v13;
	v2 =	vadd.f32 v5, v2  }
0x272: {  	v1 =	vadd.f32 v1, v3;
	(xrf2) =	vadd.scan.msk.f32 $0xffff, v8;
	v10 =	vld [tilespmem:s10+$0x100];
	v9 =	vmul.f32 v51, v48  }
0x273: {  	v3 =	vld [tilespmem:s9+$0x90];
	(xrf2) =	vadd.scan.msk.f32 $0xffff, v54;
	v2 =	vadd.f32 v2, v6  }
0x274: {  	v4 =	vmul.f32 $1.442695020e+00, v4;
	v1 =	vmul.f32 v14, v1;
	v5 =	vld [tilespmem:s10+$0x110];
	(xrf2) =	vadd.scan.msk.f32 $0xffff, v9  }
0x275: {  	v7 =	vld [tilespmem:s10+$0x120];
	v2 =	vmul.f32 v17, v2  }
0x276: {  	(erf) = vpow2.f32 v4;
	v1 =	vmul.f32 $1.442695020e+00, v1;
	v6 =	vld [tilespmem:s9+$0xA0]  }
0x277: {  	v14 =	vld [tilespmem:s9+$0xB0];
	v8, _, _ =	vpop (xrf2);
	v10 =	vmul.f32 v10, v12;
	v2 =	vmul.f32 $1.442695020e+00, v2  }
0x278: {  	(erf) = vpow2.f32 v1;
	v1 =	vbroadcast v8, $0xF;
	v9, _, _ =	vpop (xrf2);
	v12 =	vld [tilespmem:s10+$0x130]  }
0x279: {  	v59 =	vld [tilespmem:s10+$0x150];
	v8, _, _ =	vpop (xrf2);
	(xrf2) =	vadd.scan.msk.f32 $0xffff, v10;
	v3 =	vmul.f32 v5, v3;
	(erf) = vpow2.f32 v2  }
0x27a: {  	v9 =	vbroadcast v9, $0xF;
	v15, _, _ =	vpop (xrf2);
	v10 =	vld [tilespmem:s9+$0xC0]  }
0x27b: {  	(xrf2) =	vadd.scan.msk.f32 $0xffff, v3;
	v3 =	vld [tilespmem:s10+$0x140];
	v6 =	vmul.f32 v7, v6;
	v2, _, _ =	vpop (xrf2)  }
0x27c: {  	v61 =	vld [tilespmem:s10+$0xFFFFFE20];
	v1 =	vnsel vm0, $0x0, v1;
	v8 =	vbroadcast v8, $0xF;
	v9 =	vnsel vm1, $0x0, v9;
	v55, _, _ =	vpop (xrf2)  }
0x27d: {  	v4 =	vld [tilespmem:s9+$0xFFFFFF10];
	v1 =	vadd.f32 v9, v1;
	v9 =	vbroadcast v15, $0xF;
	v12 =	vmul.f32 v12, v14;
	(xrf2) =	vadd.scan.msk.f32 $0xffff, v6;
	v15, _, _ =	vpop (xrf2)  }
0x27e: {  	v11 =	vld [tilespmem:s9+$0xFFFFFF00];
	v8 =	vnsel vm2, $0x0, v8;
	v2 =	vbroadcast v2, $0xF;
	v16 =	vbroadcast v55, $0xF;
	v58, _, _ =	vpop (xrf2)  }
0x27f: {  	v13 =	vld [tilespmem:s10+$0xFFFFFE00];
	v9 =	vnsel vm3, $0x0, v9;
	v15 =	vbroadcast v15, $0xF;
	v19 =	vbroadcast v58, $0xF  }
0x280: {  	v5 =	vld [tilespmem:s10+$0xFFFFFE10];
	v7 =	vpop (erf);
	v60 =	vadd.f32 v9, v8;
	(xrf2) =	vadd.scan.msk.f32 $0xffff, v12;
	v6 =	vmul.f32 v3, v10;
	v2 =	vnsel vm4, $0x0, v2  }
0x281: {  	s7 =	simm.s32 $0x1DA70;
	v63 =	vpop (erf);
	v8 =	vld [tilespmem:s9+$0xE0];
	v9 =	vnsel vm5, $0x0, v16;
	v15 =	vnsel vm6, $0x0, v15;
	v62 =	vnsel vm7, $0x0, v19  }
0x282: {  	[tilespmem:s7+$0x90] =	vst v7;
	v2 =	vadd.f32 v9, v2;
	v9 =	vld [tilespmem:s10+$0x160];
	v14 =	vadd.f32 v62, v15;
	v3 =	vpop (erf)  }
0x283: {  	v7 =	vld [tilespmem:s9+$0xFFFFFF30];
	[tilespmem:s7+$0xFFFFFF70] =	vst v3;
	v3, _, _ =	vpop (xrf2);
	(xrf2) =	vadd.scan.msk.f32 $0xffff, v6  }
0x284: {  	v12 =	vld [tilespmem:s10+$0x170];
	v1 =	vadd.f32 v60, v1;
	v15 =	vmul.f32 v59, v57;
	v14 =	vadd.f32 v14, v2  }
0x285: {  	[tilespmem:s7+$0xFFFFFEE0] =	vst v63;
	v4 =	vmul.f32 v5, v4;
	v10 =	vld [tilespmem:s9+$0xF0]  }
0x286: {  	s12 =	simm.s32 $0x8;
	s6 =	simm.s32 $0x4;
	s11 =	simm.s32 $0x4;
	v6 =	vmul.f32 v61, v56;
	v2 =	vmul.f32 v13, v11;
	v5, _, _ =	vpop (xrf2);
	v11 =	vld [tilespmem:s10+$0xFFFFFE30];
	(xrf2) =	vadd.scan.msk.f32 $0xffff, v15;
	v1 =	vadd.f32 v14, v1  }
.LBB2_7:
0x287: {  	p1 =	slt.u32 s12, $0x24;
	v13 =	vld [tilespmem:s9+$0xFFFFFF40];
	v8 =	vmul.f32 v9, v8;
	v9, _, _ =	vpop (xrf2)  }
0x288: {  	v14 =	vld [tilespmem:s10+$0xFFFFFE40];
	v0 =	vmul.f32 v0, v1  }
0x289: {  	v1 =	vld [tilespmem:s9+$0xFFFFFF50];
	(xrf2) =	vadd.scan.msk.f32 $0xffff, v8  }
0x28a: {  	v8 =	vld [tilespmem:s10+$0xFFFFFE50];
	v10 =	vmul.f32 v12, v10;
	v12, _, _ =	vpop (xrf2);
	v0 =	vmul.f32 $1.442695020e+00, v0  }
0x28b: {  	v7 =	vmul.f32 v11, v7;
	v11 =	vld [tilespmem:s9+$0xFFFFFF60]  }
0x28c: {  	v15 =	vld [tilespmem:s10+$0xFFFFFE60];
	(xrf2) =	vadd.scan.msk.f32 $0xffff, v10;
	(erf) = vpow2.f32 v0  }
0x28d: {  	v0 =	vmul.f32 v14, v13;
	v10 =	vld [tilespmem:s9+$0xFFFFFF70];
	v13, _, _ =	vpop (xrf2)  }
0x28e: {  	v14 =	vld [tilespmem:s10+$0xFFFFFE70]  }
0x28f: {  	v1 =	vmul.f32 v8, v1;
	v8 =	vld [tilespmem:s9+$0xFFFFFF80];
	(xrf2) =	vadd.scan.msk.f32 $0xffff, v2  }
0x290: {  	v2 =	vld [tilespmem:s10+$0xFFFFFF00];
	v16, _, _ =	vpop (xrf2)  }
0x291: {  	v11 =	vmul.f32 v15, v11;
	v15 =	vld [tilespmem:s9+$0xFFFFFF90]  }
0x292: {  	v17 =	vld [tilespmem:s10+$0xFFFFFF10];
	(xrf2) =	vadd.scan.msk.f32 $0xffff, v4  }
0x293: {  	s14 =	sadd.s32 $0x3, s11;
	v4 =	vmul.f32 v14, v10;
	v10 =	vld [tilespmem:s9+$0xFFFFFFA0];
	v14, _, _ =	vpop (xrf2)  }
0x294: {  	v3 =	vbroadcast v3, $0xF;
	v5 =	vbroadcast v5, $0xF;
	v19 =	vmov s14;
	v18 =	vld [tilespmem:s10+$0xFFFFFF20]  }
0x295: {  	v9 =	vbroadcast v9, $0xF;
	v19 =	vand.u32 $0x3F, v19;
	v12 =	vbroadcast v12, $0xF;
	v20 =	vld [tilespmem:s9+$0xFFFFFFB0];
	(xrf2) =	vadd.scan.msk.f32 $0xffff, v6;
	v6 =	vpop (erf)  }
0x296: {  	v19 =	vadd.s32 $0x50, v19;
	v13 =	vbroadcast v13, $0xF;
	v16 =	vbroadcast v16, $0xF;
	v21 =	vld [tilespmem:s10+$0xFFFFFF30];
	v22, _, _ =	vpop (xrf2);
	[tilespmem:s7+$0x0] =	vst v6  }
0x297: {  	v3 =	vnsel vm0, $0x0, v3;
	v14 =	vbroadcast v14, $0xF;
	v6 =	vld [tilespmem:s9+$0xFFFFFFC0];
	v22 =	vbroadcast v22, $0xF  }
0x298: {  	v5 =	vnsel vm1, $0x0, v5;
	v9 =	vnsel vm2, $0x0, v9;
	v12 =	vnsel vm3, $0x0, v12;
	v23 =	vld [tilespmem:s10+$0xFFFFFF40];
	(xrf2) =	vadd.scan.msk.f32 $0xffff, v7  }
0x299: {  	v13 =	vnsel vm4, $0x0, v13;
	v16 =	vnsel vm5, $0x0, v16;
	v14 =	vnsel vm6, $0x0, v14;
	v7 =	vld [tilespmem:s9+$0xFFFFFFD0];
	v24, _, _ =	vpop (xrf2)  }
0x29a: {  	v3 =	vadd.f32 v5, v3;
	v5 =	vadd.f32 v12, v9;
	v22 =	vnsel vm7, $0x0, v22;
	v25 =	vld [tilespmem:s10+$0xFFFFFF50]  }
0x29b: {  	v9 =	vadd.f32 v16, v13;
	v2 =	vmul.f32 v2, v8;
	v12 =	vadd.f32 v22, v14;
	v8 =	vld.idx.msk [tilespmem:v19+s21+$0x0], $0xffff  }
0x29c: {  	v13 =	vmul.f32 v17, v15;
	v10 =	vmul.f32 v18, v10;
	v14 =	vld [tilespmem:s9+$0xFFFFFFE0];
	v15, _, _ =	vpop (xrf2);
	(xrf2) =	vadd.scan.msk.f32 $0xffff, v0  }
0x29d: {  	v3 =	vadd.f32 v5, v3;
	v0 =	vmul.f32 v21, v20;
	v18 =	vadd.f32 v12, v9;
	v16 =	vld [tilespmem:s10+$0xFFFFFF60]  }
0x29e: {  	v9 =	vbroadcast v24, $0xF;
	v6 =	vmul.f32 v23, v6;
	v12 =	vld [tilespmem:s9+$0xFFFFFFF0]  }
0x29f: {  	v20 =	vbroadcast v15, $0xF;
	v3 =	vadd.f32 v18, v3;
	v7 =	vmul.f32 v25, v7;
	v17 =	vld [tilespmem:s10+$0xFFFFFF70];
	v5, _, _ =	vpop (xrf2);
	(xrf2) =	vadd.scan.msk.f32 $0xffff, v1  }
0x2a0: {  	v1 =	vnsel vm0, $0x0, v9;
	v5 =	vbroadcast v5, $0xF;
	v9 =	vld [tilespmem:s9+$0x0]  }
0x2a1: {  	v19 =	vnsel vm1, $0x0, v20;
	v3 =	vmul.f32 v8, v3;
	v18 =	vld [tilespmem:s10+$0x0]  }
0x2a2: {  	v1 =	vadd.f32 v19, v1;
	v5 =	vnsel vm2, $0x0, v5;
	v8 =	vmul.f32 v16, v14;
	v14 =	vld [tilespmem:s9+$0x10];
	v15, _, _ =	vpop (xrf2);
	(xrf2) =	vadd.scan.msk.f32 $0xffff, v11  }
0x2a3: {  	v3 =	vmul.f32 $1.442695020e+00, v3;
	v11 =	vbroadcast v15, $0xF;
	v15 =	vld [tilespmem:s10+$0x10]  }
0x2a4: {  	v12 =	vmul.f32 v17, v12;
	v16 =	vld [tilespmem:s9+$0x20]  }
0x2a5: {  	v11 =	vnsel vm3, $0x0, v11;
	v17 =	vld [tilespmem:s10+$0x20];
	(xrf2) =	vadd.scan.msk.f32 $0xffff, v4;
	(erf) = vpow2.f32 v3  }
0x2a6: {  	v3 =	vadd.f32 v11, v5;
	v4 =	vmul.f32 v18, v9;
	v5 =	vld [tilespmem:s9+$0x30];
	v9, _, _ =	vpop (xrf2)  }
0x2a7: {  	v9 =	vbroadcast v9, $0xF;
	v11 =	vld [tilespmem:s10+$0x30]  }
0x2a8: {  	v1 =	vadd.f32 v3, v1;
	v3 =	vmul.f32 v15, v14;
	v14 =	vld [tilespmem:s9+$0x40];
	(xrf2) =	vadd.scan.msk.f32 $0xffff, v2  }
0x2a9: {  	v2 =	vnsel vm4, $0x0, v9;
	v9 =	vld [tilespmem:s10+$0x40];
	v15, _, _ =	vpop (xrf2)  }
0x2aa: {  	v15 =	vbroadcast v15, $0xF;
	v16 =	vmul.f32 v17, v16;
	v17 =	vld [tilespmem:s9+$0x50]  }
0x2ab: {  	v18 =	vld [tilespmem:s10+$0x50];
	(xrf2) =	vadd.scan.msk.f32 $0xffff, v13  }
0x2ac: {  	v13 =	vmov s11;
	v15 =	vnsel vm5, $0x0, v15;
	v5 =	vmul.f32 v11, v5;
	v11 =	vld [tilespmem:s9+$0x60];
	v19, _, _ =	vpop (xrf2)  }
0x2ad: {  	v13 =	vand.u32 $0x3C, v13;
	v19 =	vbroadcast v19, $0xF;
	v2 =	vadd.f32 v15, v2;
	v15 =	vld [tilespmem:s10+$0x60]  }
0x2ae: {  	s7 =	sadd.s32 $0x240, s7;
	v13 =	vadd.s32 $0x50, v13;
	v9 =	vmul.f32 v9, v14;
	v14 =	vld [tilespmem:s9+$0x70];
	(xrf2) =	vadd.scan.msk.f32 $0xffff, v10;
	v10 =	vpop (erf)  }
0x2af: {  	v19 =	vnsel vm6, $0x0, v19;
	v20 =	vld [tilespmem:s10+$0x70];
	[tilespmem:s7+$0x90] =	vst v10;
	v10, _, _ =	vpop (xrf2)  }
0x2b0: {  	v10 =	vbroadcast v10, $0xF;
	v17 =	vmul.f32 v18, v17  }
0x2b1: {  	(xrf2) =	vadd.scan.msk.f32 $0xffff, v0  }
0x2b2: {  	v0 =	vnsel vm7, $0x0, v10;
	v10 =	vmul.f32 v15, v11;
	v11, _, _ =	vpop (xrf2)  }
0x2b3: {  	v13 =	vld.idx.msk [tilespmem:v13+s21+$0x0], $0xffff;
	v0 =	vadd.f32 v0, v19;
	v11 =	vbroadcast v11, $0xF  }
0x2b4: {  	v14 =	vmul.f32 v20, v14;
	(xrf2) =	vadd.scan.msk.f32 $0xffff, v6  }
0x2b5: {  	v0 =	vadd.f32 v0, v2;
	v2 =	vnsel vm0, $0x0, v11;
	v6, _, _ =	vpop (xrf2)  }
0x2b6: {  	v11 =	vbroadcast v6, $0xF  }
0x2b7: {  	v0 =	vadd.f32 v0, v1;
	(xrf2) =	vadd.scan.msk.f32 $0xffff, v7  }
0x2b8: {  	v1 =	vnsel vm1, $0x0, v11;
	v6, _, _ =	vpop (xrf2)  }
0x2b9: {  	v0 =	vmul.f32 v13, v0;
	v7 =	vbroadcast v6, $0xF;
	v1 =	vadd.f32 v1, v2  }
0x2ba: {  	(xrf2) =	vadd.scan.msk.f32 $0xffff, v8  }
0x2bb: {  	v0 =	vmul.f32 $1.442695020e+00, v0;
	v2 =	vnsel vm2, $0x0, v7;
	v6, _, _ =	vpop (xrf2)  }
0x2bc: {  	v7 =	vbroadcast v6, $0xF  }
0x2bd: {  	(erf) = vpow2.f32 v0;
	(xrf2) =	vadd.scan.msk.f32 $0xffff, v12  }
0x2be: {  	v0 =	vnsel vm3, $0x0, v7;
	v6, _, _ =	vpop (xrf2)  }
0x2bf: {  	v6 =	vbroadcast v6, $0xF;
	v0 =	vadd.f32 v0, v2  }
0x2c0: {  	(xrf2) =	vadd.scan.msk.f32 $0xffff, v4  }
0x2c1: {  	v2 =	vnsel vm4, $0x0, v6;
	v0 =	vadd.f32 v0, v1;
	v1, _, _ =	vpop (xrf2)  }
0x2c2: {  	v1 =	vbroadcast v1, $0xF  }
0x2c3: {  	s14 =	sadd.s32 $0x1, s11;
	(xrf2) =	vadd.scan.msk.f32 $0xffff, v3  }
0x2c4: {  	v8 =	vmov s14;
	v1 =	vnsel vm5, $0x0, v1;
	v4, _, _ =	vpop (xrf2)  }
0x2c5: {  	v6 =	vand.u32 $0x3D, v8;
	v7 =	vbroadcast v4, $0xF;
	v1 =	vadd.f32 v1, v2  }
0x2c6: {  	v2 =	vadd.s32 $0x50, v6;
	v3 =	vpop (erf);
	(xrf2) =	vadd.scan.msk.f32 $0xffff, v16  }
0x2c7: {  	s14 =	sadd.s32 $0x2, s11;
	s11 =	smov.u32 s12;
	[tilespmem:s7+$0xFFFFFEE0] =	vst v3;
	v3 =	vnsel vm6, $0x0, v7;
	v4, _, _ =	vpop (xrf2)  }
0x2c8: {  	v8 =	vmov s14;
	v4 =	vbroadcast v4, $0xF  }
0x2c9: {  	v7 =	vand.u32 $0x3E, v8;
	(xrf2) =	vadd.scan.msk.f32 $0xffff, v5  }
0x2ca: {  	v5 =	vadd.s32 $0x50, v7;
	v4 =	vnsel vm7, $0x0, v4;
	v6, _, _ =	vpop (xrf2)  }
0x2cb: {  	v2 =	vld.idx.msk [tilespmem:v2+s21+$0x0], $0xffff;
	v3 =	vadd.f32 v4, v3;
	v6 =	vbroadcast v6, $0xF  }
0x2cc: {  	(xrf2) =	vadd.scan.msk.f32 $0xffff, v9  }
0x2cd: {  	v1 =	vadd.f32 v3, v1;
	v3 =	vnsel vm0, $0x0, v6;
	v4, _, _ =	vpop (xrf2)  }
0x2ce: {  	v4 =	vbroadcast v4, $0xF  }
0x2cf: {  	s9 =	sadd.s32 $0x200, s9;
	v1 =	vadd.f32 v1, v0;
	v0 =	vld.idx.msk [tilespmem:v5+s21+$0x0], $0xffff;
	(xrf2) =	vadd.scan.msk.f32 $0xffff, v17  }
0x2d0: {  	s10 =	sadd.s32 $0x400, s10;
	v5 =	vld [tilespmem:s9+$0x80];
	v4 =	vnsel vm1, $0x0, v4;
	v6, _, _ =	vpop (xrf2)  }
0x2d1: {  	v7 =	vld [tilespmem:s10+$0x100];
	v1 =	vmul.f32 v2, v1;
	v2 =	vbroadcast v6, $0xF;
	v3 =	vadd.f32 v4, v3  }
0x2d2: {  	v4 =	vld [tilespmem:s9+$0xFFFFFF00];
	(xrf2) =	vadd.scan.msk.f32 $0xffff, v10  }
0x2d3: {  	v6 =	vld [tilespmem:s9+$0x90];
	v1 =	vmul.f32 $1.442695020e+00, v1;
	v2 =	vnsel vm2, $0x0, v2;
	v8, _, _ =	vpop (xrf2)  }
0x2d4: {  	v9 =	vld [tilespmem:s10+$0x110];
	v11 =	vbroadcast v8, $0xF  }
0x2d5: {  	v10 =	vld [tilespmem:s10+$0xFFFFFE00];
	(erf) = vpow2.f32 v1;
	(xrf2) =	vadd.scan.msk.f32 $0xffff, v14  }
0x2d6: {  	v1 =	vmul.f32 v7, v5;
	v5 =	vld [tilespmem:s9+$0xA0];
	v7 =	vnsel vm3, $0x0, v11;
	v8, _, _ =	vpop (xrf2)  }
0x2d7: {  	v11 =	vld [tilespmem:s10+$0x120];
	v8 =	vbroadcast v8, $0xF;
	v2 =	vadd.f32 v7, v2  }
0x2d8: {  	v7 =	vld [tilespmem:s9+$0xFFFFFF10];
	(xrf2) =	vadd.scan.msk.f32 $0xffff, v1  }
0x2d9: {  	v1 =	vmul.f32 v9, v6;
	v6 =	vld [tilespmem:s9+$0xB0];
	v8 =	vnsel vm4, $0x0, v8;
	v13 =	vadd.f32 v2, v3;
	v3, _, _ =	vpop (xrf2)  }
0x2da: {  	v2 =	vmul.f32 v10, v4;
	v4 =	vld [tilespmem:s10+$0x130];
	v3 =	vbroadcast v3, $0xF  }
0x2db: {  	v9 =	vld [tilespmem:s10+$0xFFFFFE10];
	(xrf2) =	vadd.scan.msk.f32 $0xffff, v1  }
0x2dc: {  	v15 =	vmul.f32 v11, v5;
	v5 =	vld [tilespmem:s9+$0xC0];
	v3 =	vnsel vm5, $0x0, v3;
	v10, _, _ =	vpop (xrf2)  }
0x2dd: {  	v11 =	vld [tilespmem:s10+$0x140];
	v10 =	vbroadcast v10, $0xF;
	v12 =	vadd.f32 v3, v8  }
0x2de: {  	v14 =	vld [tilespmem:s9+$0xFFFFFF20];
	(xrf2) =	vadd.scan.msk.f32 $0xffff, v15;
	v1 =	vpop (erf)  }
0x2df: {  	v16 =	vmul.f32 v4, v6;
	v6 =	vld [tilespmem:s9+$0xD0];
	[tilespmem:s7+$0xFFFFFF70] =	vst v1;
	v1 =	vnsel vm6, $0x0, v10;
	v8, _, _ =	vpop (xrf2)  }
0x2e0: {  	v4 =	vmul.f32 v9, v7;
	v10 =	vld [tilespmem:s10+$0x150];
	v7 =	vbroadcast v8, $0xF  }
0x2e1: {  	v15 =	vld [tilespmem:s10+$0xFFFFFE20];
	(xrf2) =	vadd.scan.msk.f32 $0xffff, v16  }
0x2e2: {  	v11 =	vmul.f32 v11, v5;
	v8 =	vld [tilespmem:s9+$0xE0];
	v3, _, _ =	vpop (xrf2);
	v7 =	vnsel vm7, $0x0, v7  }
.Ltmp2:
0x2e3: {  	v9 =	vld [tilespmem:s10+$0x160];
	v1 =	vadd.f32 v7, v1;
	(pc) =	sbr.rel @p1 .LBB2_7-.Ltmp2, $4  }
0x2e4: {  	v7 =	vld [tilespmem:s9+$0xFFFFFF30];
	(xrf2) =	vadd.scan.msk.f32 $0xffff, v11  }
0x2e5: {  	v16 =	vmul.f32 v10, v6;
	v10 =	vld [tilespmem:s9+$0xF0];
	v5, _, _ =	vpop (xrf2);
	v1 =	vadd.f32 v1, v12  }
0x2e6: {  	v6 =	vmul.f32 v15, v14;
	v12 =	vld [tilespmem:s10+$0x170]  }
0x2e7: {  	s12 =	sadd.s32 $0x4, s12;
	v11 =	vld [tilespmem:s10+$0xFFFFFE30];
	(xrf2) =	vadd.scan.msk.f32 $0xffff, v16;
	v1 =	vadd.f32 v1, v13  }
0x2e8: {  	v13 =	vld [tilespmem:s9+$0xFFFFFF40]  }
0x2e9: {  	v14 =	vld [tilespmem:s10+$0xFFFFFE40]  }
0x2ea: {  	v15 =	vld [tilespmem:s9+$0xFFFFFF50]  }
0x2eb: {  	v16 =	vld [tilespmem:s10+$0xFFFFFE50]  }
0x2ec: {  	v17 =	vld [tilespmem:s9+$0xFFFFFF60]  }
0x2ed: {  	v18 =	vld [tilespmem:s10+$0xFFFFFE60]  }
0x2ee: {  	v19 =	vld [tilespmem:s9+$0xFFFFFF70]  }
0x2ef: {  	v20 =	vld [tilespmem:s10+$0xFFFFFE70]  }
0x2f0: {  	v21 =	vld [tilespmem:s9+$0xFFFFFF80]  }
0x2f1: {  	v22 =	vld [tilespmem:s10+$0xFFFFFF00]  }
0x2f2: {  	v23 =	vld [tilespmem:s9+$0xFFFFFF90];
	v8 =	vmul.f32 v9, v8  }
0x2f3: {  	v24 =	vld [tilespmem:s10+$0xFFFFFF10];
	v10 =	vmul.f32 v12, v10  }
0x2f4: {  	v9 =	vld [tilespmem:s9+$0xFFFFFFA0];
	(xrf2) =	vadd.scan.msk.f32 $0xffff, v8  }
0x2f5: {  	v25 =	vld [tilespmem:s9+$0xFFFFFFC0];
	(xrf2) =	vadd.scan.msk.f32 $0xffff, v10  }
0x2f6: {  	v26 =	vld [tilespmem:s10+$0xFFFFFF40]  }
0x2f7: {  	v27 =	vld [tilespmem:s9+$0xFFFFFFD0]  }
0x2f8: {  	v29 =	vld [tilespmem:s9+$0x0]  }
0x2f9: {  	v3 =	vbroadcast v3, $0xF;
	v60 =	vld [tilespmem:s10+$0x30];
	(xrf2) =	vadd.scan.msk.f32 $0xffff, v2  }
0x2fa: {  	v5 =	vbroadcast v5, $0xF;
	v62 =	vld [tilespmem:s9+$0x40];
	v7 =	vmul.f32 v11, v7;
	v11, _, _ =	vpop (xrf2);
	(xrf2) =	vadd.scan.msk.f32 $0xffff, v4  }
0x2fb: {  	v63 =	vld [tilespmem:s10+$0x50];
	v13 =	vmul.f32 v14, v13;
	v14 =	vmul.f32 v16, v15;
	v15, _, _ =	vpop (xrf2);
	(xrf2) =	vadd.scan.msk.f32 $0xffff, v6  }
0x2fc: {  	v8 =	vld [tilespmem:s9+$0xFFFFFFB0];
	v16 =	vmul.f32 v18, v17;
	v18, _, _ =	vpop (xrf2);
	(xrf2) =	vadd.scan.msk.f32 $0xffff, v7  }
0x2fd: {  	v3 =	vnsel vm0, $0x0, v3;
	v5 =	vnsel vm1, $0x0, v5;
	v12 =	vld [tilespmem:s10+$0xFFFFFF20];
	v17 =	vmul.f32 v20, v19;
	v19, _, _ =	vpop (xrf2)  }
0x2fe: {  	v3 =	vadd.f32 v5, v3;
	v5 =	vld [tilespmem:s10+$0x0];
	v11 =	vbroadcast v11, $0xF;
	v57 =	vmul.f32 v24, v23;
	v28, _, _ =	vpop (xrf2)  }
0x2ff: {  	v10 =	vld [tilespmem:s10+$0xFFFFFF30];
	v18 =	vbroadcast v18, $0xF;
	v19 =	vbroadcast v19, $0xF;
	v30, _, _ =	vpop (xrf2)  }
0x300: {  	v20 =	vld [tilespmem:s10+$0xFFFFFF70];
	(xrf2) =	vadd.scan.msk.f32 $0xffff, v13;
	v28 =	vbroadcast v28, $0xF;
	v30 =	vbroadcast v30, $0xF  }
0x301: {  	v2 =	vld [tilespmem:s10+$0xFFFFFF50];
	v15 =	vbroadcast v15, $0xF;
	v11 =	vnsel vm2, $0x0, v11;
	v18 =	vnsel vm4, $0x0, v18;
	(xrf2) =	vadd.scan.msk.f32 $0xffff, v14  }
0x302: {  	v4 =	vld [tilespmem:s9+$0xFFFFFFE0];
	v19 =	vnsel vm5, $0x0, v19;
	(xrf2) =	vadd.scan.msk.f32 $0xffff, v16;
	v55 =	vnsel vm6, $0x0, v28;
	v56 =	vnsel vm7, $0x0, v30  }
0x303: {  	v6 =	vld [tilespmem:s10+$0xFFFFFF60];
	v15 =	vnsel vm3, $0x0, v15;
	v18 =	vadd.f32 v19, v18;
	(xrf2) =	vadd.scan.msk.f32 $0xffff, v17;
	v58, _, _ =	vpop (xrf2);
	v19 =	vadd.f32 v56, v55  }
0x304: {  	v7 =	vld [tilespmem:s9+$0xFFFFFFF0];
	v11 =	vadd.f32 v15, v11;
	v15 =	vmul.f32 v22, v21;
	v8 =	vmul.f32 v10, v8;
	v10, _, _ =	vpop (xrf2)  }
0x305: {  	v9 =	vmul.f32 v12, v9;
	v13 =	vld [tilespmem:s9+$0x10];
	v59, _, _ =	vpop (xrf2);
	v12 =	vadd.f32 v19, v18;
	v18 =	vbroadcast v58, $0xF  }
0x306: {  	v14 =	vld [tilespmem:s10+$0x10];
	v2 =	vmul.f32 v2, v27;
	(xrf2) =	vadd.scan.msk.f32 $0xffff, v15;
	v10 =	vbroadcast v10, $0xF;
	v61, _, _ =	vpop (xrf2)  }
0x307: {  	v16 =	vld [tilespmem:s9+$0x20];
	(xrf2) =	vadd.scan.msk.f32 $0xffff, v57;
	v22 =	vbroadcast v59, $0xF;
	v24 =	vbroadcast v61, $0xF;
	v18 =	vnsel vm0, $0x0, v18  }
0x308: {  	v3 =	vadd.f32 v11, v3;
	v17 =	vld [tilespmem:s10+$0x20];
	v4 =	vmul.f32 v6, v4;
	(xrf2) =	vadd.scan.msk.f32 $0xffff, v9;
	v19 =	vmul.f32 v26, v25  }
0x309: {  	v11 =	vld [tilespmem:s9+$0x30];
	(xrf2) =	vadd.scan.msk.f32 $0xffff, v8;
	v10 =	vnsel vm1, $0x0, v10;
	v22 =	vnsel vm2, $0x0, v22;
	v6 =	vnsel vm3, $0x0, v24  }
0x30a: {  	v9 =	vld [tilespmem:s10+$0x40];
	(xrf2) =	vadd.scan.msk.f32 $0xffff, v19;
	v6 =	vadd.f32 v6, v22;
	v10 =	vadd.f32 v10, v18;
	v18, _, _ =	vpop (xrf2)  }
0x30b: {  	v7 =	vmul.f32 v20, v7;
	v8 =	vld [tilespmem:s9+$0x50];
	(xrf2) =	vadd.scan.msk.f32 $0xffff, v2;
	v2 =	vadd.f32 v12, v3;
	v3 =	vmul.f32 v5, v29;
	v12, _, _ =	vpop (xrf2)  }
0x30c: {  	v19 =	vld [tilespmem:s9+$0x60];
	v5 =	vbroadcast v18, $0xF;
	(xrf2) =	vadd.scan.msk.f32 $0xffff, v4;
	v4 =	vadd.f32 v6, v10;
	v10 =	vbroadcast v12, $0xF;
	v12, _, _ =	vpop (xrf2)  }
0x30d: {  	v18 =	vld [tilespmem:s10+$0x60];
	v6 =	vmul.f32 v14, v13;
	(xrf2) =	vadd.scan.msk.f32 $0xffff, v7;
	v7 =	vmul.f32 v17, v16;
	v16, _, _ =	vpop (xrf2)  }
0x30e: {  	v13 =	vld [tilespmem:s9+$0x70];
	(xrf2) =	vadd.scan.msk.f32 $0xffff, v3;
	v3 =	vnsel vm5, $0x0, v10;
	v10 =	vbroadcast v12, $0xF;
	v12 =	vbroadcast v16, $0xF  }
0x30f: {  	s12 =	sadd.s32 $0x3, s11;
	v14 =	vld [tilespmem:s10+$0x70];
	v5 =	vnsel vm4, $0x0, v5  }
0x310: {  	v15 =	vmov s12;
	v11 =	vmul.f32 v60, v11;
	(xrf2) =	vadd.scan.msk.f32 $0xffff, v6;
	v3 =	vadd.f32 v3, v5  }
0x311: {  	v5 =	vmul.f32 v9, v62;
	v9, _, _ =	vpop (xrf2);
	(xrf2) =	vadd.scan.msk.f32 $0xffff, v7;
	v7 =	vnsel vm6, $0x0, v10;
	v10 =	vnsel vm7, $0x0, v12  }
0x312: {  	v15 =	vand.u32 $0x3F, v15;
	v8 =	vmul.f32 v63, v8;
	v6 =	vmov s11;
	v12, _, _ =	vpop (xrf2)  }
0x313: {  	v9 =	vbroadcast v9, $0xF;
	v7 =	vadd.f32 v10, v7;
	(xrf2) =	vadd.scan.msk.f32 $0xffff, v11;
	v12 =	vbroadcast v12, $0xF  }
0x314: {  	v11 =	vmul.f32 v18, v19;
	v10, _, _ =	vpop (xrf2);
	(xrf2) =	vadd.scan.msk.f32 $0xffff, v5;
	v5 =	vand.u32 $0x3C, v6;
	v6 =	vmul.f32 v14, v13  }
0x315: {  	v15 =	vadd.s32 $0x50, v15;
	v13, _, _ =	vpop (xrf2);
	(xrf2) =	vadd.scan.msk.f32 $0xffff, v8  }
0x316: {  	v3 =	vadd.f32 v7, v3;
	v7 =	vnsel vm0, $0x0, v9;
	v5 =	vadd.s32 $0x50, v5;
	v8, _, _ =	vpop (xrf2);
	(xrf2) =	vadd.scan.msk.f32 $0xffff, v11  }
0x317: {  	v10 =	vbroadcast v10, $0xF;
	v9 =	vnsel vm1, $0x0, v12;
	v11 =	vbroadcast v13, $0xF;
	v12, _, _ =	vpop (xrf2);
	(xrf2) =	vadd.scan.msk.f32 $0xffff, v6  }
0x318: {  	v3 =	vadd.f32 v3, v4;
	v4 =	vadd.f32 v9, v7;
	v7 =	vbroadcast v8, $0xF;
	v6, _, _ =	vpop (xrf2)  }
0x319: {  	s10 =	sadd.s32 $0x1, s11;
	v9 =	vnsel vm2, $0x0, v10;
	v10 =	vnsel vm3, $0x0, v11;
	v11 =	vbroadcast v12, $0xF;
	v8, _, _ =	vpop (xrf2)  }
0x31a: {  	v9 =	vadd.f32 v10, v9;
	v7 =	vnsel vm4, $0x0, v7;
	v10 =	vmov s10;
	v12, _, _ =	vpop (xrf2)  }
0x31b: {  	v10 =	vand.u32 $0x3D, v10;
	v6 =	vbroadcast v6, $0xF;
	v11 =	vnsel vm5, $0x0, v11;
	v13, _, _ =	vpop (xrf2)  }
0x31c: {  	s12 =	sadd.s32 $0x2, s11;
	v8 =	vbroadcast v8, $0xF;
	v10 =	vadd.s32 $0x50, v10;
	v7 =	vadd.f32 v11, v7;
	v14, _, _ =	vpop (xrf2)  }
0x31d: {  	v11 =	vmov s12;
	v6 =	vnsel vm6, $0x0, v6;
	v12 =	vbroadcast v12, $0xF;
	v16, _, _ =	vpop (xrf2)  }
0x31e: {  	v11 =	vand.u32 $0x3E, v11;
	v8 =	vnsel vm7, $0x0, v8;
	v13 =	vbroadcast v13, $0xF;
	v17, _, _ =	vpop (xrf2)  }
0x31f: {  	v11 =	vadd.s32 $0x50, v11;
	v6 =	vadd.f32 v8, v6;
	v8 =	vbroadcast v14, $0xF;
	v14, _, _ =	vpop (xrf2)  }
0x320: {  	v12 =	vnsel vm0, $0x0, v12;
	v13 =	vnsel vm1, $0x0, v13;
	v16 =	vbroadcast v16, $0xF;
	v18, _, _ =	vpop (xrf2)  }
0x321: {  	v8 =	vnsel vm2, $0x0, v8;
	v17 =	vbroadcast v17, $0xF;
	v14 =	vbroadcast v14, $0xF;
	v19, _, _ =	vpop (xrf2)  }
0x322: {  	v16 =	vnsel vm3, $0x0, v16;
	v18 =	vbroadcast v18, $0xF;
	v19 =	vbroadcast v19, $0xF  }
0x323: {  	v15 =	vld.idx.msk [tilespmem:v15+s21+$0x0], $0xffff;
	v12 =	vadd.f32 v13, v12;
	v8 =	vadd.f32 v16, v8;
	v13 =	vnsel vm4, $0x0, v17  }
0x324: {  	v5 =	vld.idx.msk [tilespmem:v5+s21+$0x0], $0xffff;
	v14 =	vnsel vm5, $0x0, v14;
	v16 =	vnsel vm6, $0x0, v18;
	v17 =	vnsel vm7, $0x0, v19  }
0x325: {  	v0 =	vmul.f32 v0, v1;
	v1 =	vld.idx.msk [tilespmem:v10+s21+$0x0], $0xffff;
	v10 =	vadd.f32 v14, v13;
	v13 =	vadd.f32 v17, v16  }
0x326: {  	v4 =	vadd.f32 v9, v4;
	v6 =	vadd.f32 v6, v7;
	v7 =	vld.idx.msk [tilespmem:v11+s21+$0x0], $0xffff  }
0x327: {  	v0 =	vmul.f32 $1.442695020e+00, v0;
	v8 =	vadd.f32 v8, v12;
	v9 =	vadd.f32 v13, v10  }
0x328: {  	v2 =	vmul.f32 v15, v2;
	v4 =	vadd.f32 v6, v4  }
0x329: {  	(erf) = vpow2.f32 v0;
	v0 =	vmul.f32 v5, v3;
	v3 =	vadd.f32 v9, v8  }
0x32a: {  	v2 =	vmul.f32 $1.442695020e+00, v2;
	v1 =	vmul.f32 v1, v4  }
0x32b: {  	v0 =	vmul.f32 $1.442695020e+00, v0;
	v3 =	vmul.f32 v7, v3  }
0x32c: {  	(erf) = vpow2.f32 v2;
	v1 =	vmul.f32 $1.442695020e+00, v1  }
0x32d: {  	(erf) = vpow2.f32 v0;
	v0 =	vmul.f32 $1.442695020e+00, v3  }
0x32e: {  	s14 =	simm.s32 $0x3;
	(erf) = vpow2.f32 v1  }
0x32f: {  	(erf) = vpow2.f32 v0;
	v0 =	vmov s14  }
0x330: {  	v0 =	vmul.u32 $0x90, v0;
	_ =	sdelay $0x1  }
0x331: {  	s10 =	simm.s32 $0x2;
	v0 =	vadd.s32 $0x80, v0  }
0x332: {  	s24 =	simm.s32 $0x1;
	v2 =	vpop (erf);
	v3 =	vmov s10  }
0x333: {  	[tilespmem:s7+$0x0] =	vst v2;
	v1 =	vmov s24;
	v2 =	vmul.u32 $0x90, v3;
	v4 =	vbroadcast v0, $0x0  }
0x334: {  	s11 =	sadd.s32 $0x240, s7;
	v1 =	vmul.u32 $0x90, v1;
	v0 =	vpop (erf)  }
0x335: {  	v3 =	vpop (erf);
	[tilespmem:s11+$0x90] =	vst v0  }
0x336: {  	v0 =	vadd.s32 $0x80, v1;
	v5 =	vpop (erf);
	[tilespmem:s11+$0xFFFFFEE0] =	vst v3  }
0x337: {  	v1 =	vbroadcast v0, $0x0;
	v0 =	vadd.s32 $0x80, v2;
	[tilespmem:s11+$0xFFFFFF70] =	vst v5;
	v2 =	vpop (erf)  }
0x338: {  	[tilespmem:s11+$0x0] =	vst v2  }
0x339: {  	s9 =	simm.s32 $0x1B350;
	v3 =	vld.idx.msk [tilespmem:v4+s29+$0x0], $0xffff  }
0x33a: {  	v0 =	vbroadcast v0, $0x0;
	v2 =	vmov s3;
	v5 =	vld [tilespmem:s9+$0x100]  }
0x33b: {  	v2 =	vmul.u32 $0x90, v2;
	_ =	sdelay $0x1  }
0x33c: {  	v8 =	vor.u32 $0x1, v4;
	v9 =	vld [tilespmem:s9+$0xFFFFFF00];
	v2 =	vadd.s32 $0x80, v2  }
0x33d: {  	v6 =	vld.idx.msk [tilespmem:v1+s29+$0x0], $0xffff;
	v2 =	vbroadcast v2, $0x0  }
0x33e: {  	v10 =	vld [tilespmem:s9+$0x0];
	v3 =	vmul.f32 v5, v3  }
0x33f: {  	s3 =	simm.s32 $0x1D9F0;
	v7 =	vld.idx.msk [tilespmem:v0+s29+$0x0], $0xffff  }
0x340: {  	v5 =	vor.u32 $0x1, v1;
	[tilespmem:s3+$0x90] =	vst v3  }
0x341: {  	v8 =	vld.idx.msk [tilespmem:v8+s29+$0x0], $0xffff  }
0x342: {  	v3 =	vor.u32 $0x1, v0;
	v6 =	vmul.f32 v9, v6;
	v9 =	vld [tilespmem:s9+$0x110]  }
0x343: {  	v11 =	vld.idx.msk [tilespmem:v2+s29+$0x0], $0xffff  }
0x344: {  	v7 =	vmul.f32 v10, v7;
	v10 =	vld [tilespmem:s9+$0xFFFFFE00];
	[tilespmem:s3+$0xFFFFFF70] =	vst v6  }
0x345: {  	v6 =	vor.u32 $0x2, v4;
	v5 =	vld.idx.msk [tilespmem:v5+s29+$0x0], $0xffff  }
0x346: {  	[tilespmem:s3+$0x0] =	vst v7;
	v12 =	vld [tilespmem:s9+$0xFFFFFF10]  }
0x347: {  	v7 =	vor.u32 $0x1, v2;
	v3 =	vld.idx.msk [tilespmem:v3+s29+$0x0], $0xffff;
	v8 =	vmul.f32 v9, v8  }
0x348: {  	v9 =	vld [tilespmem:s9+$0x10]  }
0x349: {  	v10 =	vmul.f32 v10, v11;
	[tilespmem:s3+$0xA0] =	vst v8  }
0x34a: {  	v8 =	vor.u32 $0x2, v1;
	v6 =	vld.idx.msk [tilespmem:v6+s29+$0x0], $0xffff  }
0x34b: {  	[tilespmem:s3+$0xFFFFFEE0] =	vst v10;
	v10 =	vor.u32 $0x2, v0;
	v11 =	vld [tilespmem:s9+$0x120]  }
0x34c: {  	v5 =	vmul.f32 v12, v5;
	v7 =	vld.idx.msk [tilespmem:v7+s29+$0x0], $0xffff  }
0x34d: {  	v12 =	vld [tilespmem:s9+$0xFFFFFE10];
	v3 =	vmul.f32 v9, v3  }
0x34e: {  	[tilespmem:s3+$0xFFFFFF80] =	vst v5;
	v5 =	vor.u32 $0x3, v4  }
0x34f: {  	v8 =	vld.idx.msk [tilespmem:v8+s29+$0x0], $0xffff;
	[tilespmem:s3+$0x10] =	vst v3  }
0x350: {  	v3 =	vor.u32 $0x2, v2;
	v9 =	vld.idx.msk [tilespmem:v10+s29+$0x0], $0xffff;
	v6 =	vmul.f32 v11, v6  }
0x351: {  	v10 =	vld [tilespmem:s9+$0xFFFFFF20]  }
0x352: {  	v11 =	vld [tilespmem:s9+$0x20];
	v7 =	vmul.f32 v12, v7;
	[tilespmem:s3+$0xB0] =	vst v6  }
0x353: {  	v5 =	vld.idx.msk [tilespmem:v5+s29+$0x0], $0xffff  }
0x354: {  	[tilespmem:s3+$0xFFFFFEF0] =	vst v7;
	v7 =	vld [tilespmem:s9+$0x130]  }
0x355: {  	v6 =	vor.u32 $0x3, v1;
	v3 =	vld.idx.msk [tilespmem:v3+s29+$0x0], $0xffff  }
0x356: {  	v13 =	vld [tilespmem:s9+$0xFFFFFE20]  }
0x357: {  	v8 =	vmul.f32 v10, v8;
	v10 =	vor.u32 $0x4, v4  }
0x358: {  	v9 =	vmul.f32 v11, v9;
	v11 =	vmov s6  }
0x359: {  	v12 =	vor.u32 $0x3, v0;
	[tilespmem:s3+$0xFFFFFF90] =	vst v8;
	v8 =	vmul.u32 $0x90, v11;
	v5 =	vmul.f32 v7, v5  }
0x35a: {  	v6 =	vld.idx.msk [tilespmem:v6+s29+$0x0], $0xffff  }
0x35b: {  	v11 =	vor.u32 $0x3, v2;
	v7 =	vmul.f32 v13, v3;
	v3 =	vadd.s32 $0x80, v8;
	v8 =	vld [tilespmem:s9+$0xFFFFFF30];
	[tilespmem:s3+$0xC0] =	vst v5  }
0x35c: {  	v5 =	vld.idx.msk [tilespmem:v10+s29+$0x0], $0xffff  }
0x35d: {  	[tilespmem:s3+$0x20] =	vst v9;
	v10 =	vld [tilespmem:s9+$0x140]  }
0x35e: {  	v9 =	vld.idx.msk [tilespmem:v12+s29+$0x0], $0xffff;
	v12 =	vor.u32 $0x4, v1  }
0x35f: {  	s12 =	simm.s32 $0x5;
	v13 =	vld [tilespmem:s9+$0x30];
	[tilespmem:s3+$0xFFFFFF00] =	vst v7  }
0x360: {  	v15 =	vmov s12;
	v11 =	vld.idx.msk [tilespmem:v11+s29+$0x0], $0xffff;
	v6 =	vmul.f32 v8, v6;
	v8 =	vor.u32 $0x5, v4  }
0x361: {  	v15 =	vmul.u32 $0x90, v15;
	v14 =	vld [tilespmem:s9+$0xFFFFFE30]  }
0x362: {  	v3 =	vbroadcast v3, $0x0;
	[tilespmem:s3+$0xFFFFFFA0] =	vst v6;
	v6 =	vor.u32 $0x4, v0;
	v5 =	vmul.f32 v10, v5  }
0x363: {  	v16 =	vld.idx.msk [tilespmem:v12+s29+$0x0], $0xffff  }
0x364: {  	v9 =	vmul.f32 v13, v9;
	v10 =	vor.u32 $0x4, v2;
	v12 =	vadd.s32 $0x80, v15;
	v15 =	vld [tilespmem:s9+$0xFFFFFF40];
	[tilespmem:s3+$0xD0] =	vst v5  }
0x365: {  	v8 =	vld.idx.msk [tilespmem:v8+s29+$0x0], $0xffff  }
0x366: {  	s14 =	simm.s32 $0x6;
	[tilespmem:s3+$0x30] =	vst v9;
	v11 =	vmul.f32 v14, v11;
	v5 =	vbroadcast v12, $0x0;
	v13 =	vld [tilespmem:s9+$0x150]  }
0x367: {  	v12 =	vld.idx.msk [tilespmem:v6+s29+$0x0], $0xffff;
	v6 =	vmov s14  }
0x368: {  	v17 =	vor.u32 $0x5, v1;
	v7 =	vld.idx.msk [tilespmem:v3+s29+$0x0], $0xffff;
	[tilespmem:s3+$0xFFFFFF10] =	vst v11;
	v6 =	vmul.u32 $0x90, v6  }
0x369: {  	v11 =	vld.idx.msk [tilespmem:v10+s29+$0x0], $0xffff  }
0x36a: {  	v18 =	vor.u32 $0x6, v4;
	v10 =	vmul.f32 v15, v16;
	v15 =	vld [tilespmem:s9+$0x40];
	v6 =	vadd.s32 $0x80, v6  }
0x36b: {  	v14 =	vld [tilespmem:s9+$0xFFFFFE40];
	v6 =	vbroadcast v6, $0x0  }
0x36c: {  	s24 =	simm.s32 $0x7;
	v9 =	vld.idx.msk [tilespmem:v5+s29+$0x0], $0xffff;
	[tilespmem:s3+$0xFFFFFFB0] =	vst v10;
	v19 =	vmul.f32 v13, v8  }
0x36d: {  	v16 =	vor.u32 $0x5, v0;
	v8 =	vmov s24;
	v10 =	vld.idx.msk [tilespmem:v17+s29+$0x0], $0xffff  }
0x36e: {  	s7 =	simm.s32 $0x1B350;
	s10 =	simm.s32 $0x8;
	s6 =	simm.s32 $0x1D9F0;
	v8 =	vmul.u32 $0x90, v8;
	v17 =	vor.u32 $0x5, v2;
	v13 =	vld [tilespmem:s9+$0xFFFFFF50];
	[tilespmem:s3+$0xE0] =	vst v19  }
.LBB2_9:
0x36f: {  	p1 =	slt.u32 s10, $0x24;
	v12 =	vmul.f32 v15, v12;
	v15 =	vld.idx.msk [tilespmem:v18+s29+$0x0], $0xffff  }
0x370: {  	v8 =	vadd.s32 $0x80, v8;
	v11 =	vmul.f32 v14, v11;
	v14 =	vld [tilespmem:s9+$0x160]  }
0x371: {  	v19 =	vor.u32 $0x6, v1;
	v18 =	vld.idx.msk [tilespmem:v6+s29+$0x0], $0xffff;
	v8 =	vbroadcast v8, $0x0;
	[tilespmem:s3+$0x40] =	vst v12  }
0x372: {  	[tilespmem:s3+$0xFFFFFF20] =	vst v11;
	v11 =	vld.idx.msk [tilespmem:v16+s29+$0x0], $0xffff  }
0x373: {  	v12 =	vld.idx.msk [tilespmem:v17+s29+$0x0], $0xffff;
	v10 =	vmul.f32 v13, v10;
	v13 =	vor.u32 $0x7, v4;
	v4 =	vmov v8  }
0x374: {  	v16 =	vld [tilespmem:s9+$0x50]  }
0x375: {  	v17 =	vld [tilespmem:s9+$0xFFFFFE50];
	[tilespmem:s3+$0xFFFFFFC0] =	vst v10;
	v10 =	vmul.f32 v14, v15  }
0x376: {  	v14 =	vld.idx.msk [tilespmem:v19+s29+$0x0], $0xffff  }
0x377: {  	v8 =	vld.idx.msk [tilespmem:v8+s29+$0x0], $0xffff;
	[tilespmem:s3+$0xF0] =	vst v10  }
0x378: {  	v10 =	vld.idx.msk [tilespmem:v13+s29+$0x0], $0xffff  }
0x379: {  	s9 =	sadd.s32 $0x400, s9;
	v13 =	vor.u32 $0x6, v0;
	v11 =	vmul.f32 v16, v11;
	v15 =	vld [tilespmem:s7+$0x170]  }
0x37a: {  	v16 =	vld [tilespmem:s9+$0x100];
	v12 =	vmul.f32 v17, v12;
	v17 =	vor.u32 $0x6, v2  }
0x37b: {  	v19 =	vld [tilespmem:s9+$0xFFFFFE00];
	[tilespmem:s3+$0x50] =	vst v11  }
0x37c: {  	v11 =	vld [tilespmem:s9+$0xFFFFFF00];
	[tilespmem:s3+$0xFFFFFF30] =	vst v12  }
0x37d: {  	v20 =	vor.u32 $0x1, v4;
	v12 =	vld [tilespmem:s9+$0x0]  }
0x37e: {  	v13 =	vld.idx.msk [tilespmem:v13+s29+$0x0], $0xffff;
	v10 =	vmul.f32 v15, v10  }
0x37f: {  	v15 =	vor.u32 $0x1, v5;
	v8 =	vmul.f32 v16, v8;
	v16 =	vld.idx.msk [tilespmem:v17+s29+$0x0], $0xffff  }
0x380: {  	s3 =	sadd.s32 $0x240, s3;
	v17 =	vor.u32 $0x1, v6;
	v7 =	vmul.f32 v19, v7;
	v19 =	vld [tilespmem:s7+$0xFFFFFF60];
	[tilespmem:s6+$0x100] =	vst v10  }
0x381: {  	v10 =	vor.u32 $0x1, v3;
	v9 =	vmul.f32 v11, v9;
	[tilespmem:s3+$0x90] =	vst v8;
	v8 =	vld [tilespmem:s7+$0x60]  }
0x382: {  	[tilespmem:s3+$0xFFFFFEE0] =	vst v7;
	v7 =	vmul.f32 v12, v18;
	v11 =	vld.idx.msk [tilespmem:v20+s29+$0x0], $0xffff  }
0x383: {  	[tilespmem:s3+$0xFFFFFF70] =	vst v9;
	v9 =	vld [tilespmem:s9+$0x110]  }
0x384: {  	v12 =	vld.idx.msk [tilespmem:v15+s29+$0x0], $0xffff;
	[tilespmem:s3+$0x0] =	vst v7  }
0x385: {  	v7 =	vld.idx.msk [tilespmem:v17+s29+$0x0], $0xffff;
	v14 =	vmul.f32 v19, v14  }
0x386: {  	v15 =	vor.u32 $0x2, v4;
	v10 =	vld.idx.msk [tilespmem:v10+s29+$0x0], $0xffff;
	v8 =	vmul.f32 v8, v13  }
0x387: {  	v13 =	vld [tilespmem:s9+$0xFFFFFF10];
	[tilespmem:s6+$0xFFFFFFD0] =	vst v14  }
0x388: {  	v14 =	vld [tilespmem:s9+$0x10];
	v9 =	vmul.f32 v9, v11;
	v11 =	vor.u32 $0x7, v1;
	[tilespmem:s6+$0x60] =	vst v8;
	v1 =	vmov v5  }
0x389: {  	v8 =	vor.u32 $0x7, v0;
	v0 =	vmov v6;
	v5 =	vld [tilespmem:s9+$0xFFFFFE10]  }
0x38a: {  	v6 =	vor.u32 $0x2, v1;
	[tilespmem:s3+$0xA0] =	vst v9;
	v9 =	vld [tilespmem:s7+$0xFFFFFE60]  }
0x38b: {  	v17 =	vor.u32 $0x2, v0;
	v15 =	vld.idx.msk [tilespmem:v15+s29+$0x0], $0xffff  }
0x38c: {  	v18 =	vor.u32 $0x2, v3;
	v12 =	vmul.f32 v13, v12;
	v13 =	vld [tilespmem:s9+$0x120]  }
0x38d: {  	v7 =	vmul.f32 v14, v7;
	v11 =	vld.idx.msk [tilespmem:v11+s29+$0x0], $0xffff  }
0x38e: {  	v5 =	vmul.f32 v5, v10;
	[tilespmem:s3+$0xFFFFFF80] =	vst v12;
	v8 =	vld.idx.msk [tilespmem:v8+s29+$0x0], $0xffff  }
0x38f: {  	v6 =	vld.idx.msk [tilespmem:v6+s29+$0x0], $0xffff;
	[tilespmem:s3+$0x10] =	vst v7;
	v7 =	vor.u32 $0x3, v4;
	v9 =	vmul.f32 v9, v16  }
0x390: {  	[tilespmem:s3+$0xFFFFFEF0] =	vst v5;
	v5 =	vld.idx.msk [tilespmem:v17+s29+$0x0], $0xffff  }
0x391: {  	v10 =	vld.idx.msk [tilespmem:v18+s29+$0x0], $0xffff;
	v12 =	vmul.f32 v13, v15;
	[tilespmem:s6+$0xFFFFFF40] =	vst v9  }
0x392: {  	v13 =	vor.u32 $0x7, v2;
	v2 =	vmov v3;
	v9 =	vld [tilespmem:s9+$0xFFFFFF20]  }
0x393: {  	v3 =	vld [tilespmem:s9+$0x20];
	[tilespmem:s3+$0xB0] =	vst v12  }
0x394: {  	v7 =	vld.idx.msk [tilespmem:v7+s29+$0x0], $0xffff  }
0x395: {  	v12 =	vor.u32 $0x3, v1;
	v14 =	vld [tilespmem:s9+$0x130]  }
0x396: {  	v16 =	vor.u32 $0x3, v0;
	v15 =	vld [tilespmem:s9+$0xFFFFFE20]  }
0x397: {  	v6 =	vmul.f32 v9, v6;
	v9 =	vld.idx.msk [tilespmem:v13+s29+$0x0], $0xffff  }
0x398: {  	v3 =	vmul.f32 v3, v5;
	v5 =	vor.u32 $0x4, v4;
	v13 =	vld [tilespmem:s7+$0xFFFFFF70]  }
0x399: {  	v17 =	vmov s10;
	[tilespmem:s3+$0xFFFFFF90] =	vst v6;
	v6 =	vld [tilespmem:s7+$0x70]  }
0x39a: {  	v17 =	vmul.u32 $0x90, v17;
	v18 =	vor.u32 $0x3, v2;
	v12 =	vld.idx.msk [tilespmem:v12+s29+$0x0], $0xffff;
	[tilespmem:s3+$0x20] =	vst v3;
	v3 =	vmul.f32 v14, v7  }
0x39b: {  	v7 =	vmul.f32 v15, v10;
	v10 =	vld.idx.msk [tilespmem:v16+s29+$0x0], $0xffff  }
0x39c: {  	v14 =	vadd.s32 $0x80, v17;
	v15 =	vld [tilespmem:s9+$0xFFFFFF30];
	[tilespmem:s3+$0xC0] =	vst v3  }
0x39d: {  	v3 =	vbroadcast v14, $0x0;
	[tilespmem:s3+$0xFFFFFF00] =	vst v7;
	v5 =	vld.idx.msk [tilespmem:v5+s29+$0x0], $0xffff;
	v7 =	vmul.f32 v13, v11  }
0x39e: {  	v11 =	vld [tilespmem:s9+$0x140];
	v6 =	vmul.f32 v6, v8  }
0x39f: {  	v13 =	vor.u32 $0x4, v1;
	v8 =	vld.idx.msk [tilespmem:v18+s29+$0x0], $0xffff;
	[tilespmem:s6+$0xFFFFFFE0] =	vst v7  }
0x3a0: {  	v14 =	vld [tilespmem:s9+$0x30];
	[tilespmem:s6+$0x70] =	vst v6  }
0x3a1: {  	s11 =	sadd.s32 $0x1, s10;
	v6 =	vld [tilespmem:s9+$0xFFFFFE30];
	v12 =	vmul.f32 v15, v12;
	v15 =	vor.u32 $0x5, v4  }
0x3a2: {  	v16 =	vmov s11;
	v17 =	vld [tilespmem:s7+$0xFFFFFE70];
	s7 =	smov.u32 s9  }
0x3a3: {  	v16 =	vmul.u32 $0x90, v16;
	v7 =	vld.idx.msk [tilespmem:v3+s29+$0x0], $0xffff;
	[tilespmem:s3+$0xFFFFFFA0] =	vst v12;
	v12 =	vor.u32 $0x4, v0;
	v5 =	vmul.f32 v11, v5  }
0x3a4: {  	v11 =	vor.u32 $0x4, v2;
	v13 =	vld.idx.msk [tilespmem:v13+s29+$0x0], $0xffff  }
0x3a5: {  	v16 =	vadd.s32 $0x80, v16;
	v18 =	vld [tilespmem:s9+$0xFFFFFF40];
	v10 =	vmul.f32 v14, v10;
	[tilespmem:s3+$0xD0] =	vst v5  }
0x3a6: {  	s11 =	sadd.s32 $0x2, s10;
	v5 =	vbroadcast v16, $0x0;
	v6 =	vmul.f32 v6, v8;
	v8 =	vld.idx.msk [tilespmem:v15+s29+$0x0], $0xffff  }
0x3a7: {  	v14 =	vmov s11;
	[tilespmem:s3+$0x30] =	vst v10;
	v10 =	vld [tilespmem:s9+$0x150];
	v9 =	vmul.f32 v17, v9  }
0x3a8: {  	v16 =	vor.u32 $0x5, v1;
	v14 =	vmul.u32 $0x90, v14;
	[tilespmem:s3+$0xFFFFFF10] =	vst v6;
	v12 =	vld.idx.msk [tilespmem:v12+s29+$0x0], $0xffff  }
0x3a9: {  	v11 =	vld.idx.msk [tilespmem:v11+s29+$0x0], $0xffff;
	[tilespmem:s6+$0xFFFFFF50] =	vst v9;
	s6 =	smov.u32 s3  }
.Ltmp3:
0x3aa: {  	v6 =	vadd.s32 $0x80, v14;
	v13 =	vmul.f32 v18, v13;
	v15 =	vld [tilespmem:s9+$0x40];
	v18 =	vor.u32 $0x6, v4;
	(pc) =	sbr.rel @p1 .LBB2_9-.Ltmp3, $4  }
0x3ab: {  	v6 =	vbroadcast v6, $0x0;
	v14 =	vld [tilespmem:s9+$0xFFFFFE40]  }
0x3ac: {  	s11 =	sadd.s32 $0x3, s10;
	v9 =	vld.idx.msk [tilespmem:v5+s29+$0x0], $0xffff;
	[tilespmem:s3+$0xFFFFFFB0] =	vst v13;
	v19 =	vmul.f32 v10, v8  }
0x3ad: {  	v8 =	vmov s11;
	v10 =	vld.idx.msk [tilespmem:v16+s29+$0x0], $0xffff;
	v16 =	vor.u32 $0x5, v0  }
0x3ae: {  	s10 =	sadd.s32 $0x4, s10;
	v17 =	vor.u32 $0x5, v2;
	v8 =	vmul.u32 $0x90, v8;
	v13 =	vld [tilespmem:s9+$0xFFFFFF50];
	[tilespmem:s3+$0xE0] =	vst v19  }
0x3af: {  	_ =	sdelay $0x3  }
0x3b0: {  	v18 =	vld.idx.msk [tilespmem:v18+s29+$0x0], $0xffff  }
0x3b1: {  	v19 =	vld [tilespmem:s9+$0x160]  }
0x3b2: {  	v50 =	vld.idx.msk [tilespmem:v6+s29+$0x0], $0xffff;
	s10 =	sadd.s32 $0x400, s9  }
0x3b3: {  	v51 =	vld [tilespmem:s10+$0x100]  }
0x3b4: {  	v12 =	vmul.f32 v15, v12;
	v53 =	vld [tilespmem:s10+$0xFFFFFF00]  }
0x3b5: {  	v8 =	vadd.s32 $0x80, v8;
	v54 =	vld [tilespmem:s10+$0x0]  }
0x3b6: {  	v58 =	vor.u32 $0x6, v1;
	v11 =	vmul.f32 v14, v11;
	v56 =	vld [tilespmem:s10+$0xFFFFFE00];
	v8 =	vbroadcast v8, $0x0;
	[tilespmem:s3+$0x40] =	vst v12  }
0x3b7: {  	v52 =	vld.idx.msk [tilespmem:v16+s29+$0x0], $0xffff  }
0x3b8: {  	v4 =	vor.u32 $0x7, v4;
	[tilespmem:s3+$0xFFFFFF20] =	vst v11;
	v22 =	vld [tilespmem:s9+$0x50];
	v10 =	vmul.f32 v13, v10  }
0x3b9: {  	v17 =	vld.idx.msk [tilespmem:v17+s29+$0x0], $0xffff  }
0x3ba: {  	v24 =	vor.u32 $0x1, v6;
	v55 =	vld [tilespmem:s9+$0xFFFFFE50];
	v18 =	vmul.f32 v19, v18;
	[tilespmem:s3+$0xFFFFFFC0] =	vst v10  }
0x3bb: {  	v16 =	vld.idx.msk [tilespmem:v58+s29+$0x0], $0xffff  }
0x3bc: {  	v60 =	vor.u32 $0x1, v3;
	v11 =	vmul.f32 v54, v50;
	[tilespmem:s3+$0xF0] =	vst v18;
	v20 =	vld.idx.msk [tilespmem:v8+s29+$0x0], $0xffff  }
0x3bd: {  	s24 =	sadd.s32 $0x240, s3;
	v4 =	vld.idx.msk [tilespmem:v4+s29+$0x0], $0xffff  }
0x3be: {  	v7 =	vmul.f32 v56, v7;
	[tilespmem:s24+$0x0] =	vst v11;
	v14 =	vmul.f32 v22, v52;
	v22 =	vld [tilespmem:s7+$0x170]  }
0x3bf: {  	v23 =	vor.u32 $0x1, v5;
	v62 =	vld.idx.msk [tilespmem:v24+s29+$0x0], $0xffff  }
0x3c0: {  	[tilespmem:s24+$0xFFFFFEE0] =	vst v7;
	v25 =	vld [tilespmem:s10+$0x10]  }
0x3c1: {  	v21 =	vor.u32 $0x1, v8;
	v9 =	vmul.f32 v53, v9;
	v7 =	vld.idx.msk [tilespmem:v60+s29+$0x0], $0xffff  }
0x3c2: {  	v27 =	vld [tilespmem:s10+$0xFFFFFE10]  }
0x3c3: {  	v28 =	vor.u32 $0x2, v6;
	[tilespmem:s24+$0xFFFFFF70] =	vst v9;
	v52 =	vld [tilespmem:s7+$0xFFFFFF60];
	v12 =	vmul.f32 v51, v20  }
0x3c4: {  	v61 =	vld.idx.msk [tilespmem:v23+s29+$0x0], $0xffff  }
0x3c5: {  	v31 =	vor.u32 $0x2, v3;
	v63 =	vld [tilespmem:s10+$0xFFFFFF10];
	v30 =	vmul.f32 v25, v62;
	[tilespmem:s24+$0x90] =	vst v12  }
0x3c6: {  	v57 =	vld.idx.msk [tilespmem:v21+s29+$0x0], $0xffff  }
0x3c7: {  	v7 =	vmul.f32 v27, v7;
	v59 =	vld [tilespmem:s10+$0x110];
	[tilespmem:s24+$0x10] =	vst v30  }
0x3c8: {  	v34 =	vor.u32 $0x6, v0;
	v33 =	vld.idx.msk [tilespmem:v28+s29+$0x0], $0xffff  }
0x3c9: {  	[tilespmem:s24+$0xFFFFFEF0] =	vst v7;
	v37 =	vld [tilespmem:s10+$0x20]  }
0x3ca: {  	v26 =	vor.u32 $0x2, v5;
	v13 =	vld.idx.msk [tilespmem:v31+s29+$0x0], $0xffff  }
0x3cb: {  	v24 =	vor.u32 $0x2, v8;
	[tilespmem:s3+$0x50] =	vst v14;
	v29 =	vmul.f32 v63, v61;
	v39 =	vld [tilespmem:s10+$0xFFFFFE20]  }
0x3cc: {  	v63 =	vld [tilespmem:s7+$0x60]  }
0x3cd: {  	v40 =	vor.u32 $0x3, v6;
	v12 =	vld.idx.msk [tilespmem:v34+s29+$0x0], $0xffff;
	[tilespmem:s24+$0xFFFFFF80] =	vst v29;
	v9 =	vmul.f32 v59, v57  }
0x3ce: {  	v41 =	vor.u32 $0x3, v3;
	v35 =	vld [tilespmem:s10+$0xFFFFFF20]  }
0x3cf: {  	v7 =	vmul.f32 v37, v33;
	[tilespmem:s24+$0xA0] =	vst v9;
	v9 =	vld.idx.msk [tilespmem:v26+s29+$0x0], $0xffff  }
0x3d0: {  	v43 =	vmul.f32 v39, v13;
	v10 =	vld.idx.msk [tilespmem:v24+s29+$0x0], $0xffff  }
0x3d1: {  	v44 =	vor.u32 $0x6, v2;
	v32 =	vld [tilespmem:s10+$0x120];
	[tilespmem:s24+$0x20] =	vst v7  }
0x3d2: {  	v31 =	vor.u32 $0x7, v0;
	[tilespmem:s24+$0xFFFFFF00] =	vst v43;
	v14 =	vld.idx.msk [tilespmem:v40+s29+$0x0], $0xffff  }
0x3d3: {  	v38 =	vor.u32 $0x3, v5;
	v46 =	vmul.f32 v55, v17;
	v11 =	vld.idx.msk [tilespmem:v41+s29+$0x0], $0xffff  }
0x3d4: {  	v12 =	vmul.f32 v63, v12;
	v48 =	vld [tilespmem:s10+$0x30]  }
0x3d5: {  	v36 =	vor.u32 $0x3, v8;
	[tilespmem:s3+$0xFFFFFF30] =	vst v46;
	v51 =	vld [tilespmem:s10+$0xFFFFFE30];
	v9 =	vmul.f32 v35, v9  }
0x3d6: {  	v13 =	vld.idx.msk [tilespmem:v44+s29+$0x0], $0xffff;
	[tilespmem:s6+$0x60] =	vst v12  }
0x3d7: {  	v54 =	vor.u32 $0x4, v6;
	v0 =	vld.idx.msk [tilespmem:v31+s29+$0x0], $0xffff;
	v10 =	vmul.f32 v32, v10;
	[tilespmem:s24+$0xFFFFFF90] =	vst v9  }
0x3d8: {  	v55 =	vor.u32 $0x4, v3;
	v9 =	vld.idx.msk [tilespmem:v38+s29+$0x0], $0xffff  }
0x3d9: {  	v57 =	vmul.f32 v48, v14;
	[tilespmem:s24+$0xB0] =	vst v10;
	v45 =	vld [tilespmem:s10+$0xFFFFFF30]  }
0x3da: {  	v11 =	vmul.f32 v51, v11;
	v10 =	vld.idx.msk [tilespmem:v36+s29+$0x0], $0xffff  }
0x3db: {  	v42 =	vld [tilespmem:s10+$0x130];
	[tilespmem:s24+$0x30] =	vst v57  }
0x3dc: {  	v50 =	vor.u32 $0x4, v5;
	[tilespmem:s24+$0xFFFFFF10] =	vst v11;
	v7 =	vld.idx.msk [tilespmem:v54+s29+$0x0], $0xffff  }
0x3dd: {  	v11 =	vld.idx.msk [tilespmem:v55+s29+$0x0], $0xffff  }
0x3de: {  	v29 =	vor.u32 $0x7, v1;
	v60 =	vld [tilespmem:s10+$0x40];
	v53 =	vmul.f32 v45, v9  }
0x3df: {  	v47 =	vor.u32 $0x4, v8;
	v62 =	vld [tilespmem:s10+$0xFFFFFE40]  }
0x3e0: {  	v33 =	vmul.f32 v52, v16;
	v24 =	vld [tilespmem:s7+$0xFFFFFE60];
	[tilespmem:s24+$0xFFFFFFA0] =	vst v53  }
0x3e1: {  	v25 =	vor.u32 $0x5, v6;
	v49 =	vmul.f32 v42, v10;
	v10 =	vld.idx.msk [tilespmem:v50+s29+$0x0], $0xffff  }
0x3e2: {  	v26 =	vor.u32 $0x5, v3;
	[tilespmem:s6+$0xFFFFFFD0] =	vst v33;
	v58 =	vld [tilespmem:s10+$0xFFFFFF40]  }
0x3e3: {  	v1 =	vld.idx.msk [tilespmem:v29+s29+$0x0], $0xffff;
	v7 =	vmul.f32 v60, v7;
	[tilespmem:s24+$0xC0] =	vst v49  }
0x3e4: {  	v11 =	vmul.f32 v62, v11;
	v17 =	vld.idx.msk [tilespmem:v47+s29+$0x0], $0xffff  }
0x3e5: {  	v61 =	vor.u32 $0x5, v5;
	v56 =	vld [tilespmem:s10+$0x140];
	[tilespmem:s24+$0x40] =	vst v7  }
0x3e6: {  	[tilespmem:s24+$0xFFFFFF20] =	vst v11;
	v32 =	vld.idx.msk [tilespmem:v25+s29+$0x0], $0xffff  }
0x3e7: {  	v35 =	vld.idx.msk [tilespmem:v26+s29+$0x0], $0xffff;
	v10 =	vmul.f32 v58, v10  }
0x3e8: {  	v59 =	vor.u32 $0x5, v8;
	v37 =	vld [tilespmem:s10+$0x50]  }
0x3e9: {  	v38 =	vld [tilespmem:s10+$0xFFFFFE50];
	[tilespmem:s24+$0xFFFFFFB0] =	vst v10  }
0x3ea: {  	v34 =	vor.u32 $0x7, v2;
	v17 =	vmul.f32 v56, v17;
	v28 =	vld.idx.msk [tilespmem:v61+s29+$0x0], $0xffff  }
0x3eb: {  	v40 =	vor.u32 $0x6, v6;
	v30 =	vld [tilespmem:s10+$0xFFFFFF50]  }
0x3ec: {  	v13 =	vmul.f32 v24, v13;
	v51 =	vld [tilespmem:s7+$0x70];
	[tilespmem:s24+$0xD0] =	vst v17  }
0x3ed: {  	v11 =	vmul.f32 v37, v32;
	v9 =	vld.idx.msk [tilespmem:v59+s29+$0x0], $0xffff  }
0x3ee: {  	v39 =	vor.u32 $0x6, v5;
	[tilespmem:s6+$0xFFFFFF40] =	vst v13;
	v27 =	vld [tilespmem:s10+$0x150]  }
0x3ef: {  	v2 =	vld.idx.msk [tilespmem:v34+s29+$0x0], $0xffff;
	v44 =	vmul.f32 v38, v35;
	[tilespmem:s24+$0x50] =	vst v11  }
0x3f0: {  	v41 =	vor.u32 $0x6, v3;
	v45 =	vld.idx.msk [tilespmem:v40+s29+$0x0], $0xffff;
	v7 =	vmul.f32 v30, v28  }
0x3f1: {  	[tilespmem:s24+$0xFFFFFF30] =	vst v44;
	v47 =	vld [tilespmem:s10+$0x60]  }
0x3f2: {  	v36 =	vor.u32 $0x6, v8;
	v48 =	vld [tilespmem:s10+$0xFFFFFE60];
	[tilespmem:s24+$0xFFFFFFC0] =	vst v7  }
0x3f3: {  	v9 =	vmul.f32 v27, v9;
	v10 =	vld.idx.msk [tilespmem:v39+s29+$0x0], $0xffff  }
0x3f4: {  	v46 =	vld [tilespmem:s10+$0xFFFFFF60]  }
0x3f5: {  	v52 =	vor.u32 $0x7, v6;
	[tilespmem:s24+$0xE0] =	vst v9;
	v9 =	vld.idx.msk [tilespmem:v41+s29+$0x0], $0xffff  }
0x3f6: {  	v53 =	vld [tilespmem:s7+$0xFFFFFE70]  }
0x3f7: {  	v50 =	vor.u32 $0x7, v5;
	v7 =	vmul.f32 v47, v45;
	v42 =	vld.idx.msk [tilespmem:v36+s29+$0x0], $0xffff  }
0x3f8: {  	v54 =	vor.u32 $0x7, v3;
	v43 =	vld [tilespmem:s10+$0x160]  }
0x3f9: {  	v49 =	vld [tilespmem:s7+$0xFFFFFF70];
	[tilespmem:s24+$0x60] =	vst v7;
	v10 =	vmul.f32 v46, v10  }
0x3fa: {  	v6 =	vld.idx.msk [tilespmem:v52+s29+$0x0], $0xffff;
	v9 =	vmul.f32 v48, v9  }
0x3fb: {  	v8 =	vor.u32 $0x7, v8;
	v57 =	vld [tilespmem:s10+$0x70];
	[tilespmem:s24+$0xFFFFFFD0] =	vst v10  }
0x3fc: {  	[tilespmem:s24+$0xFFFFFF40] =	vst v9;
	v5 =	vld.idx.msk [tilespmem:v50+s29+$0x0], $0xffff  }
0x3fd: {  	v13 =	vmul.f32 v43, v42;
	v3 =	vld.idx.msk [tilespmem:v54+s29+$0x0], $0xffff  }
0x3fe: {  	v56 =	vld [tilespmem:s10+$0xFFFFFF70]  }
0x3ff: {  	v4 =	vmul.f32 v22, v4;
	[tilespmem:s24+$0xF0] =	vst v13;
	v58 =	vld [tilespmem:s10+$0xFFFFFE70]  }
0x400: {  	v0 =	vmul.f32 v51, v0;
	v8 =	vld.idx.msk [tilespmem:v8+s29+$0x0], $0xffff  }
0x401: {  	[tilespmem:s6+$0x100] =	vst v4;
	v1 =	vmul.f32 v49, v1;
	v55 =	vld [tilespmem:s10+$0x170]  }
0x402: {  	[tilespmem:s6+$0x70] =	vst v0;
	v59 =	vmul.f32 v53, v2  }
0x403: {  	[tilespmem:s6+$0xFFFFFFE0] =	vst v1;
	v62 =	vmul.f32 v57, v6  }
0x404: {  	[tilespmem:s6+$0xFFFFFF50] =	vst v59;
	v61 =	vmul.f32 v56, v5  }
0x405: {  	[tilespmem:s24+$0x70] =	vst v62;
	v63 =	vmul.f32 v58, v3  }
0x406: {  	s0 =	sadd.s32 $0x1, s0;
	v60 =	vmul.f32 v55, v8;
	[tilespmem:s24+$0xFFFFFFE0] =	vst v61  }
0x407: {  	p1 =	sne.s32 s0, $0x7D;
	[tilespmem:s24+$0xFFFFFF50] =	vst v63  }
.Ltmp4:
0x408: {  	[tilespmem:s24+$0x100] =	vst v60;
	(pc) =	sbr.rel @p1 .LBB2_2-.Ltmp4, $4  }
0x409: {  	[spmem:s2] =	stream.indirect.scatter.add.f32 [tilespmem:s29], [sflag:$0x3], $0x90, s22, s17, $0xb8;
	[tilespmem:$0x1EF50] =	vst v63  }
0x40a: {  	_ =	swait.ge [sflag:s16], $0x1680  }
0x40b: {  	[sflag:s16] =	ssyncset.done $0x0  }
0x40c: {  	[sflag:s16] =	ssyncadd.s32 $0xFFFFE980  }
0x40d: {  	_ =	swait.ge [sflag:s28], $0x1400  }
0x40e: {  	[sflag:s28] =	ssyncset.done $0x0  }
0x40f: {  	[sflag:s28] =	ssyncadd.s32 $0xFFFFEC00  }
0x410: {  	_ =	swait.ge [sflag:s28], $0x2800  }
0x411: {  	[sflag:s28] =	ssyncset.done $0x0  }
0x412: {  	[sflag:s28] =	ssyncadd.s32 $0xFFFFD800  }
0x413: {  	s0 =	stileid.u32;
	[bflag:$0x0] =	sbarrier.arrive $0xFFFF  }
0x414: {  	s0 =	sshll.u32 s0, $0x6;
	s3 =	rddreg [dreg:$0x6]  }
0x415: {  	s0 =	sor.u32 $0x1C03, s0;
	s6 =	rddreg [dreg:$0xa]  }
0x416: {  	[hbm:s3], [sflag:s0] =	dma.local [spmem:s6], $0x2BE0  }
0x417: {  	_ =	swait.ge [sflag:s16], $0x2BE0  }
0x418: {  	[sflag:s16] =	ssyncset.done $0x0  }
0x419: {  	s3 =	rddreg [dreg:$0x7];
	[sflag:s16] =	ssyncadd.s32 $0xFFFFD420  }
0x41a: {  	[hbm:s3], [sflag:s0] =	dma.local @!p0 [spmem:s25], $0x120  }
0x41b: {  	s0 =	simm.s32 @!p0 $0x3  }
0x41c: {  	_ =	swait.ge @!p0 [sflag:s0], $0x120  }
0x41d: {  	s31 =	sadd.s32 $0x1, s31;
	s24 =	rddreg [dreg:$0x8]  }
0x41e: {  	p1 =	sne.s32 s31, s24  }
.Ltmp5:
0x41f: {  	_ = 	snop;
	(pc) =	sbr.rel @p1 .LBB2_1-.Ltmp5, $3  }
0x420: {  	_ =	sdelay $0x1  }
0x421: {  	[sflag:s0] =	ssyncset.done @!p0 $0x0  }
0x422: {  	[sflag:s0] =	ssyncadd.s32 @!p0 $0xFFFFFEE0  }
0x423: {  	_ =	sfence.sel $0x180000  }
0x424: {  	[bflag:$0x0] =	sbarrier.arrive $0xFFFF  }
0x425: {  	_ =	strace $0x90000047  }
0x426: {  	[bflag:$0x2] =	sbarrier.arrive $0xFFFF  }
0x427: {  	s0 =	rddreg [dreg:$0x3]  }
0x428: {  	s0 =	sadd.s32 @!p0 $0x100000, s0  }
0x429: {  	[sflag:s0] =	ssyncadd.tile.s32 @!p0 $0x1;
	_ =	shalt  }
.Lfunc_end2:
_tile_overlayer_lowered:
.L_overlay_start_2:
0x42a: {  	(tag) =	ssettag $0x2  }
0x42b: {  	s0 =	rddreg [dreg:$0x0];
	s2 =	stileid.u32  }
0x42c: {  	s1 =	rddreg [dreg:$0x1];
	p0 =	sne.s32 s2, $0x0  }
0x42d: {  	s3 =	rddreg [dreg:$0x2];
	[bflag:$0x3] =	sbarrier.arrive $0xFFFF;
	s2 =	simm.s32 @!p0 $0x1C03  }
0x42e: {  	[timem:s3], [sflag:s2] =	dma.local @!p0 [hbm:s0], s1  }
0x42f: {  	s0 =	simm.s32 @!p0 $0x3  }
0x430: {  	_ =	swait.ge @!p0 [sflag:s0], s1  }
0x431: {  	s1 =	ssub.s32 @!p0 $0x0, s1;
	[sflag:s0] =	ssyncset.done @!p0 $0x0  }
0x432: {  	[sflag:s0] =	ssyncadd.s32 @!p0 s1  }
0x433: {  	[bflag:$0x3] =	sbarrier.arrive $0xFFFF  }
0x434: {  	_ =	shalt  }

</sc_bundles>
